<compile_context>
chip_gen: v7x
topology: tpu7x:2x2x1
jax: 0.10.2.dev20260603
libtpu: 0.0.44.dev20260713+nightly
codegen_flags: <defaults>
</compile_context>

<pallas_src>
import functools
import math

import jax
import jax.numpy as jnp
from jax import lax
from jax.experimental import pallas as pl
from jax.experimental.pallas import tpu as pltpu
from jax.experimental.pallas import tpu_sc as plsc

T = 2048
D = 1024
F = 4096
E = 8
K = 2
CAP = int(math.ceil(T * K / E * 1.2))
CP = 640
S = E * CP
NW = 32
SPW = S // NW
TPW = T // NW

_NEG = -3.0e38


def _router_body(x_ref, wg_ref, out_ref, sidx_ref, oh_ref, excl_ref):
    x = x_ref[...]
    logits = jax.lax.dot_general(x, wg_ref[...], (((1,), (0,)), ((), ())))
    iota = jax.lax.broadcasted_iota(jnp.int32, (T, E), 1)
    m0 = jnp.max(logits, axis=1, keepdims=True)
    a0 = jnp.min(jnp.where(logits == m0, iota, E), axis=1, keepdims=True)
    l1 = jnp.where(iota == a0, _NEG, logits)
    m1 = jnp.max(l1, axis=1, keepdims=True)
    a1 = jnp.min(jnp.where(l1 == m1, iota, E), axis=1, keepdims=True)
    ed = jnp.exp(m1 - m0)
    g0 = 1.0 / (1.0 + ed)
    g1 = 1.0 - g0
    oh_ref[...] = ((iota == a0) | (iota == a1)).astype(jnp.float32)

    chunk = 128
    r = jax.lax.broadcasted_iota(jnp.int32, (chunk, chunk), 0)
    c = jax.lax.broadcasted_iota(jnp.int32, (chunk, chunk), 1)
    ltri = (r > c).astype(jnp.float32)

    def body(i, carry):
        blk = oh_ref[pl.ds(i * chunk, chunk), :]
        excl_ref[pl.ds(i * chunk, chunk), :] = (
            jax.lax.dot_general(ltri, blk, (((1,), (0,)), ((), ()))) + carry
        )
        return carry + jnp.sum(blk, axis=0, keepdims=True)

    jax.lax.fori_loop(0, T // chunk, body, jnp.zeros((1, E), jnp.float32))

    excl = excl_ref[...]
    p0 = jnp.sum(jnp.where(iota == a0, excl, 0.0), axis=1, keepdims=True)
    p1 = jnp.sum(jnp.where(iota == a1, excl, 0.0), axis=1, keepdims=True)
    k0 = (p0 < CAP).astype(jnp.float32)
    k1 = (p1 < CAP).astype(jnp.float32)
    out_ref[...] = jnp.concatenate(
        [
            a0.astype(jnp.float32),
            a1.astype(jnp.float32),
            p0,
            p1,
            g0 * k0,
            g1 * k1,
            k0,
            k1,
        ],
        axis=1,
    )
    dead = jnp.float32(CP - 1)
    s0 = a0.astype(jnp.float32) * CP + jnp.where(k0 > 0.0, p0, dead)
    s1 = a1.astype(jnp.float32) * CP + jnp.where(k1 > 0.0, p1, dead)
    sidx_ref[...] = jnp.concatenate([s0, s1], axis=1).astype(jnp.int32)


def _ffn_body(buf_ref, w1_ref, b1_ref, w2_ref, b2_ref, ws_ref, out_ref):
    f = pl.program_id(1)

    @pl.when(f == 0)
    def _init():
        out_ref[0] = jnp.broadcast_to(b2_ref[0], (CP, D))

    h = jax.lax.dot_general(buf_ref[0], w1_ref[0], (((1,), (0,)), ((), ())))
    h = h + b1_ref[0]
    h3 = h * h * h
    g = 0.5 * h * (1.0 + jnp.tanh(0.7978845608028654 * (h + 0.044715 * h3)))
    out_ref[0] += jax.lax.dot_general(g, w2_ref[0], (((1,), (0,)), ((), ())))

    @pl.when(f == F // 512 - 1)
    def _scale():
        out_ref[0] = out_ref[0] * ws_ref[0]


def _dispatch_body(ft_ref, f_ref, x_ref, buf_ref, ws_ref):
    e = pl.program_id(0).astype(jnp.float32)
    e0 = ft_ref[0:1, :]
    e1 = ft_ref[1:2, :]
    p0 = ft_ref[2:3, :]
    p1 = ft_ref[3:4, :]
    k0 = ft_ref[6:7, :]
    k1 = ft_ref[7:8, :]
    ci = jax.lax.broadcasted_iota(jnp.int32, (CP, T), 0).astype(jnp.float32)
    m0 = ((e0 == e) & (p0 == ci) & (k0 > 0.0)).astype(jnp.float32)
    m1 = ((e1 == e) & (p1 == ci) & (k1 > 0.0)).astype(jnp.float32)
    buf_ref[0] = jax.lax.dot_general(
        m0 + m1, x_ref[...], (((1,), (0,)), ((), ()))
    )
    w01 = f_ref[:, 4:6]
    ws = jax.lax.dot_general(m0, w01, (((1,), (0,)), ((), ())))[:, 0:1]
    ws = ws + jax.lax.dot_general(m1, w01, (((1,), (0,)), ((), ())))[:, 1:2]
    ws_ref[0] = ws


def _sc_combine_body(s0_h, s1_h, ys_h, y_h, i0, i1, r0, r1):
    cid = lax.axis_index("c")
    sid = lax.axis_index("s")
    wid = sid * 2 + cid
    for chunk in range(2):
        base = wid * TPW + chunk * (TPW // 2)
        n = TPW // 2
        pltpu.sync_copy(s0_h.at[pl.ds(base, n)], i0)
        pltpu.sync_copy(s1_h.at[pl.ds(base, n)], i1)
        pltpu.sync_copy(ys_h.at[i0], r0)
        pltpu.sync_copy(ys_h.at[i1], r1)

        @pl.loop(0, n)
        def _add(i):
            for j in range(D // 16):
                sl = pl.ds(j * 16, 16)
                r0[i, sl] = r0[i, sl] + r1[i, sl]

        pltpu.sync_copy(r0, y_h.at[pl.ds(base, n)])


_SC_MESH = plsc.VectorSubcoreMesh(core_axis_name="c", subcore_axis_name="s")

_sc_combine = functools.partial(
    pl.kernel,
    mesh=_SC_MESH,
    out_type=jax.ShapeDtypeStruct((T, D), jnp.float32),
    scratch_types=[
        pltpu.VMEM((TPW // 2,), jnp.int32),
        pltpu.VMEM((TPW // 2,), jnp.int32),
        pltpu.VMEM((TPW // 2, D), jnp.float32),
        pltpu.VMEM((TPW // 2, D), jnp.float32),
    ],
)(_sc_combine_body)


@jax.jit
def kernel(x, Wg, W1, b1, W2, b2):
    fields, sidx = pl.pallas_call(
        _router_body,
        out_shape=(
            jax.ShapeDtypeStruct((T, E), jnp.float32),
            jax.ShapeDtypeStruct((T, K), jnp.int32),
        ),
        scratch_shapes=[
            pltpu.VMEM((T, E), jnp.float32),
            pltpu.VMEM((T, E), jnp.float32),
        ],
    )(x, Wg)

    ft = fields.T
    buf, ws3 = pl.pallas_call(
        _dispatch_body,
        grid=(E,),
        in_specs=[
            pl.BlockSpec((E, T), lambda e: (0, 0)),
            pl.BlockSpec((T, E), lambda e: (0, 0)),
            pl.BlockSpec((T, D), lambda e: (0, 0)),
        ],
        out_specs=(
            pl.BlockSpec((1, CP, D), lambda e: (e, 0, 0)),
            pl.BlockSpec((1, CP, 1), lambda e: (e, 0, 0)),
        ),
        out_shape=(
            jax.ShapeDtypeStruct((E, CP, D), jnp.float32),
            jax.ShapeDtypeStruct((E, CP, 1), jnp.float32),
        ),
    )(ft, fields, x)

    fb = 512
    yexp = pl.pallas_call(
        _ffn_body,
        grid=(E, F // fb),
        in_specs=[
            pl.BlockSpec((1, CP, D), lambda e, f: (e, 0, 0)),
            pl.BlockSpec((1, D, fb), lambda e, f: (e, 0, f)),
            pl.BlockSpec((1, 1, fb), lambda e, f: (e, 0, f)),
            pl.BlockSpec((1, fb, D), lambda e, f: (e, f, 0)),
            pl.BlockSpec((1, 1, D), lambda e, f: (e, 0, 0)),
            pl.BlockSpec((1, CP, 1), lambda e, f: (e, 0, 0)),
        ],
        out_specs=pl.BlockSpec((1, CP, D), lambda e, f: (e, 0, 0)),
        out_shape=jax.ShapeDtypeStruct((E, CP, D), jnp.float32),
    )(buf, W1, b1.reshape(E, 1, F), W2, b2.reshape(E, 1, D), ws3)

    y = _sc_combine(
        sidx[:, 0].reshape(T),
        sidx[:, 1].reshape(T),
        yexp.reshape(S, D),
    )
    return y

# --- scband reference (transcript-rebuilt; emitter-appended) ---
"""Pipeline reference for scband-mo-elayer-52544629899333 (READ-ONLY COPY).

The authoritative reference and input builder live on the scoring server;
editing this copy changes nothing except your own understanding.
"""

import math
import jax, jax.numpy as jnp
import numpy as np

D_MODEL = 1024
MLP_DIM = 4096
N_EXPERTS = 8
TOP_K = 2
CAP_FACTOR = 1.2
T_TOKENS = 2048


def setup_inputs(seed: int = 0) -> dict:
    key = jax.random.key(seed)
    ks = jax.random.split(key, 6)
    x = jax.random.normal(ks[0], (T_TOKENS, D_MODEL), dtype=jnp.float32)
    Wg = jax.random.normal(ks[1], (D_MODEL, N_EXPERTS), dtype=jnp.float32) * (1.0 / math.sqrt(D_MODEL))
    W1 = jax.random.normal(ks[2], (N_EXPERTS, D_MODEL, MLP_DIM), dtype=jnp.float32) * (1.0 / math.sqrt(D_MODEL))
    b1 = jnp.zeros((N_EXPERTS, MLP_DIM), dtype=jnp.float32)
    W2 = jax.random.normal(ks[3], (N_EXPERTS, MLP_DIM, D_MODEL), dtype=jnp.float32) * (1.0 / math.sqrt(MLP_DIM))
    b2 = jnp.zeros((N_EXPERTS, D_MODEL), dtype=jnp.float32)
    return {"x": x, "Wg": Wg, "W1": W1, "b1": b1, "W2": W2, "b2": b2}


def _gelu_tanh(h):
    return 0.5 * h * (1.0 + jnp.tanh(jnp.sqrt(2.0 / jnp.pi) * (h + 0.044715 * h * h * h)))


def reference(x, Wg, W1, b1, W2, b2):
    T, D = x.shape
    E = Wg.shape[1]
    k = TOP_K
    C = int(math.ceil(T * k / E * CAP_FACTOR))
    # TopK router
    logits = x @ Wg  # [T, E]
    probs = jax.nn.softmax(logits, axis=-1)
    gate_vals, gate_idx = jax.lax.top_k(probs, k)  # [T, k]
    gate_vals = gate_vals / jnp.sum(gate_vals, axis=-1, keepdims=True)
    flat_e = gate_idx.reshape(-1)            # [T*k] expert assignment
    flat_g = gate_vals.reshape(-1)           # [T*k] gate weight
    flat_t = jnp.repeat(jnp.arange(T), k)    # [T*k] source token id
    # position within each expert (token-major priority), capacity dropping
    one_hot = jax.nn.one_hot(flat_e, E, dtype=jnp.int32)  # [T*k, E]
    pos_in_e = jnp.sum(jnp.cumsum(one_hot, axis=0) * one_hot, axis=-1) - 1  # [T*k]
    keep = pos_in_e < C
    keepf = keep.astype(x.dtype)
    pos_c = jnp.where(keep, pos_in_e, 0)
    # dispatch: scatter tokens into [E, C, D] buffers
    buf = jnp.zeros((E, C, D), dtype=x.dtype)
    buf = buf.at[flat_e, pos_c].add(keepf[:, None] * x[flat_t])
    # expert FFN (gelu_tanh)
    h = jnp.einsum('ecd,edf->ecf', buf, W1) + b1[:, None, :]
    h = _gelu_tanh(h)
    yexp = jnp.einsum('ecf,efd->ecd', h, W2) + b2[:, None, :]
    # combine: gather back and weight by gates
    gathered = yexp[flat_e, pos_c]  # [T*k, D]
    contrib = gathered * (flat_g * keepf)[:, None]
    y = jnp.zeros((T, D), dtype=x.dtype).at[flat_t].add(contrib)
    return y


if False:  # reference __main__ guard neutralized (emitter)
    out = reference(**setup_inputs())
    print(out.shape, out.dtype)

if __name__ == "__main__":
    import jax
    _d = setup_inputs()
    print(jax.jit(kernel)(*tuple(_d.values())))

</pallas_src>

<mosaic_0001>
#map = affine_map<(d0, d1) -> (0)>
#map1 = affine_map<(d0, d1) -> (0, 0)>
module attributes {stable_mosaic.version = 14 : i64} {
  func.func @_sc_combine_body(%arg0: i32, %arg1: i32, %arg2: memref<2048xi32, #tpu.memory_space<hbm>>, %arg3: memref<2048xi32, #tpu.memory_space<hbm>>, %arg4: memref<5120x1024xf32, #tpu.memory_space<hbm>>, %arg5: memref<2048x1024xf32, #tpu.memory_space<hbm>>, %arg6: memref<32xi32, #tpu.memory_space<vmem>>, %arg7: memref<32xi32, #tpu.memory_space<vmem>>, %arg8: memref<32x1024xf32, #tpu.memory_space<vmem>>, %arg9: memref<32x1024xf32, #tpu.memory_space<vmem>>) attributes {dimension_semantics = [#tpu.dimension_semantics<core_parallel>, #tpu.dimension_semantics<subcore_parallel>], iteration_bounds = array<i64: 2, 16>, scalar_prefetch = 0 : i64, scratch_operands = 4 : i64, tpu.core_type = #tpu.core_type<sc_vector_subcore>, window_params = [{transform_indices = #map}, {transform_indices = #map}, {transform_indices = #map1}, {transform_indices = #map1}]} {
    %mul3A = arith.constant 2 : i32
    %mul3A_0 = arith.muli %arg1, %mul3A : i32
    %add3A = arith.addi %mul3A_0, %arg0 : i32
    %mul3A_1 = arith.constant 64 : i32
    %mul3A_2 = arith.muli %add3A, %mul3A_1 : i32
    %add3A_3 = arith.constant 0 : i32
    %add3A_4 = arith.addi %mul3A_2, %add3A_3 : i32
    "tpu.region"() ({
      %run_scoped3A = tpu.sem_alloc : memref<!tpu.dma_semaphore, #tpu.memory_space<semaphore_mem>>
      %dma_start3A = tpu.memref_slice %arg2[%add3A_4] : memref<2048xi32, #tpu.memory_space<hbm>> -> memref<32xi32, #tpu.memory_space<hbm>>
      %dma_start3A_18 = tpu.memref_slice %arg2[%add3A_4] : memref<2048xi32, #tpu.memory_space<hbm>> -> memref<32xi32, #tpu.memory_space<hbm>>
      tpu.enqueue_dma source(%dma_start3A_18 : memref<32xi32, #tpu.memory_space<hbm>>) target(%arg6 : memref<32xi32, #tpu.memory_space<vmem>>) target_semaphore(%run_scoped3A : memref<!tpu.dma_semaphore, #tpu.memory_space<semaphore_mem>>)
      %dma_wait3A = tpu.memref_slice %arg2[%add3A_4] : memref<2048xi32, #tpu.memory_space<hbm>> -> memref<32xi32, #tpu.memory_space<hbm>>
      %dma_wait3A_19 = tpu.memref_slice %arg2[%add3A_4] : memref<2048xi32, #tpu.memory_space<hbm>> -> memref<32xi32, #tpu.memory_space<hbm>>
      tpu.wait_dma2 semaphore(%run_scoped3A : memref<!tpu.dma_semaphore, #tpu.memory_space<semaphore_mem>>) src(%dma_wait3A_19 : memref<32xi32, #tpu.memory_space<hbm>>) dst(%arg6 : memref<32xi32, #tpu.memory_space<vmem>>)
      tpu.yield
    }) : () -> ()
    "tpu.region"() ({
      %run_scoped3A = tpu.sem_alloc : memref<!tpu.dma_semaphore, #tpu.memory_space<semaphore_mem>>
      %dma_start3A = tpu.memref_slice %arg3[%add3A_4] : memref<2048xi32, #tpu.memory_space<hbm>> -> memref<32xi32, #tpu.memory_space<hbm>>
      %dma_start3A_18 = tpu.memref_slice %arg3[%add3A_4] : memref<2048xi32, #tpu.memory_space<hbm>> -> memref<32xi32, #tpu.memory_space<hbm>>
      tpu.enqueue_dma source(%dma_start3A_18 : memref<32xi32, #tpu.memory_space<hbm>>) target(%arg7 : memref<32xi32, #tpu.memory_space<vmem>>) target_semaphore(%run_scoped3A : memref<!tpu.dma_semaphore, #tpu.memory_space<semaphore_mem>>)
      %dma_wait3A = tpu.memref_slice %arg3[%add3A_4] : memref<2048xi32, #tpu.memory_space<hbm>> -> memref<32xi32, #tpu.memory_space<hbm>>
      %dma_wait3A_19 = tpu.memref_slice %arg3[%add3A_4] : memref<2048xi32, #tpu.memory_space<hbm>> -> memref<32xi32, #tpu.memory_space<hbm>>
      tpu.wait_dma2 semaphore(%run_scoped3A : memref<!tpu.dma_semaphore, #tpu.memory_space<semaphore_mem>>) src(%dma_wait3A_19 : memref<32xi32, #tpu.memory_space<hbm>>) dst(%arg7 : memref<32xi32, #tpu.memory_space<vmem>>)
      tpu.yield
    }) : () -> ()
    "tpu.region"() ({
      %run_scoped3A = tpu.sem_alloc : memref<!tpu.dma_semaphore, #tpu.memory_space<semaphore_mem>>
      %dma_start3A = arith.constant 0 : i32
      %dma_start3A_18 = arith.constant 0 : i32
      %dma_start3A_19 = tpu.memref_slice %arg4[%dma_start3A, %dma_start3A_18] : memref<5120x1024xf32, #tpu.memory_space<hbm>> -> memref<5120x1024xf32, #tpu.memory_space<hbm>>
      tpu.enqueue_indirect_dma source(%dma_start3A_19 : memref<5120x1024xf32, #tpu.memory_space<hbm>>) target(%arg8 : memref<32x1024xf32, #tpu.memory_space<vmem>>) offsets(%arg6 : memref<32xi32, #tpu.memory_space<vmem>>) semaphore(%run_scoped3A : memref<!tpu.dma_semaphore, #tpu.memory_space<semaphore_mem>>)
      %dma_wait3A = arith.constant 0 : i32
      %dma_wait3A_20 = arith.constant 0 : i32
      %dma_wait3A_21 = tpu.memref_slice %arg4[%dma_wait3A, %dma_wait3A_20] : memref<5120x1024xf32, #tpu.memory_space<hbm>> -> memref<5120x1024xf32, #tpu.memory_space<hbm>>
      tpu.wait_indirect_dma semaphore(%run_scoped3A : memref<!tpu.dma_semaphore, #tpu.memory_space<semaphore_mem>>) src(%dma_wait3A_21 : memref<5120x1024xf32, #tpu.memory_space<hbm>>) dst(%arg8 : memref<32x1024xf32, #tpu.memory_space<vmem>>)
      tpu.yield
    }) : () -> ()
    "tpu.region"() ({
      %run_scoped3A = tpu.sem_alloc : memref<!tpu.dma_semaphore, #tpu.memory_space<semaphore_mem>>
      %dma_start3A = arith.constant 0 : i32
      %dma_start3A_18 = arith.constant 0 : i32
      %dma_start3A_19 = tpu.memref_slice %arg4[%dma_start3A, %dma_start3A_18] : memref<5120x1024xf32, #tpu.memory_space<hbm>> -> memref<5120x1024xf32, #tpu.memory_space<hbm>>
      tpu.enqueue_indirect_dma source(%dma_start3A_19 : memref<5120x1024xf32, #tpu.memory_space<hbm>>) target(%arg9 : memref<32x1024xf32, #tpu.memory_space<vmem>>) offsets(%arg7 : memref<32xi32, #tpu.memory_space<vmem>>) semaphore(%run_scoped3A : memref<!tpu.dma_semaphore, #tpu.memory_space<semaphore_mem>>)
      %dma_wait3A = arith.constant 0 : i32
      %dma_wait3A_20 = arith.constant 0 : i32
      %dma_wait3A_21 = tpu.memref_slice %arg4[%dma_wait3A, %dma_wait3A_20] : memref<5120x1024xf32, #tpu.memory_space<hbm>> -> memref<5120x1024xf32, #tpu.memory_space<hbm>>
      tpu.wait_indirect_dma semaphore(%run_scoped3A : memref<!tpu.dma_semaphore, #tpu.memory_space<semaphore_mem>>) src(%dma_wait3A_21 : memref<5120x1024xf32, #tpu.memory_space<hbm>>) dst(%arg9 : memref<32x1024xf32, #tpu.memory_space<vmem>>)
      tpu.yield
    }) : () -> ()
    %scan3A = arith.constant 0 : i32
    %scan3A_5 = arith.constant 32 : i32
    %scan3A_6 = arith.addi %scan3A, %scan3A_5 : i32
    %scan3A_7 = arith.constant 1 : i32
    scf.for %scan3A_18 = %scan3A to %scan3A_6 step %scan3A_7  : i32 {
      %mul3A_19 = arith.constant 1 : i32
      %mul3A_20 = arith.muli %scan3A_18, %mul3A_19 : i32
      %add3A_21 = arith.constant 0 : i32
      %add3A_22 = arith.addi %add3A_21, %mul3A_20 : i32
      %get3A = arith.index_cast %add3A_22 : i32 to index
      %get3A_23 = arith.constant 0 : index
      %get3A_24 = tpu.vector_load %arg8[%get3A, %get3A_23] {strides = array<i32>} : memref<32x1024xf32, #tpu.memory_space<vmem>>, vector<1x16xf32>,
      %get3A_25 = vector.shape_cast %get3A_24 : vector<1x16xf32> to vector<16xf32>
      %get3A_26 = arith.index_cast %add3A_22 : i32 to index
      %get3A_27 = arith.constant 0 : index
      %get3A_28 = tpu.vector_load %arg9[%get3A_26, %get3A_27] {strides = array<i32>} : memref<32x1024xf32, #tpu.memory_space<vmem>>, vector<1x16xf32>,
      %get3A_29 = vector.shape_cast %get3A_28 : vector<1x16xf32> to vector<16xf32>
      %add3A_30 = arith.addf %get3A_25, %get3A_29 : vector<16xf32>
      %swap3A = arith.index_cast %add3A_22 : i32 to index
      %swap3A_31 = arith.constant 0 : index
      %swap3A_32 = tpu.vector_load %arg8[%swap3A, %swap3A_31] {strides = array<i32>} : memref<32x1024xf32, #tpu.memory_space<vmem>>, vector<1x16xf32>,
      %swap3A_33 = vector.shape_cast %swap3A_32 : vector<1x16xf32> to vector<16xf32>
      %swap3A_34 = vector.shape_cast %add3A_30 : vector<16xf32> to vector<1x16xf32>
      tpu.vector_store %arg8[%swap3A, %swap3A_31], %swap3A_34 {strides = array<i32>} : memref<32x1024xf32, #tpu.memory_space<vmem>>, vector<1x16xf32>,
      %get3A_35 = arith.index_cast %add3A_22 : i32 to index
      %get3A_36 = arith.constant 16 : index
      %get3A_37 = tpu.vector_load %arg8[%get3A_35, %get3A_36] {strides = array<i32>} : memref<32x1024xf32, #tpu.memory_space<vmem>>, vector<1x16xf32>,
      %get3A_38 = vector.shape_cast %get3A_37 : vector<1x16xf32> to vector<16xf32>
      %get3A_39 = arith.index_cast %add3A_22 : i32 to index
      %get3A_40 = arith.constant 16 : index
      %get3A_41 = tpu.vector_load %arg9[%get3A_39, %get3A_40] {strides = array<i32>} : memref<32x1024xf32, #tpu.memory_space<vmem>>, vector<1x16xf32>,
      %get3A_42 = vector.shape_cast %get3A_41 : vector<1x16xf32> to vector<16xf32>
      %add3A_43 = arith.addf %get3A_38, %get3A_42 : vector<16xf32>
      %swap3A_44 = arith.index_cast %add3A_22 : i32 to index
      %swap3A_45 = arith.constant 16 : index
      %swap3A_46 = tpu.vector_load %arg8[%swap3A_44, %swap3A_45] {strides = array<i32>} : memref<32x1024xf32, #tpu.memory_space<vmem>>, vector<1x16xf32>,
      %swap3A_47 = vector.shape_cast %swap3A_46 : vector<1x16xf32> to vector<16xf32>
      %swap3A_48 = vector.shape_cast %add3A_43 : vector<16xf32> to vector<1x16xf32>
      tpu.vector_store %arg8[%swap3A_44, %swap3A_45], %swap3A_48 {strides = array<i32>} : memref<32x1024xf32, #tpu.memory_space<vmem>>, vector<1x16xf32>,
      %get3A_49 = arith.index_cast %add3A_22 : i32 to index
      %get3A_50 = arith.constant 32 : index
      %get3A_51 = tpu.vector_load %arg8[%get3A_49, %get3A_50] {strides = array<i32>} : memref<32x1024xf32, #tpu.memory_space<vmem>>, vector<1x16xf32>,
      %get3A_52 = vector.shape_cast %get3A_51 : vector<1x16xf32> to vector<16xf32>
      %get3A_53 = arith.index_cast %add3A_22 : i32 to index
      %get3A_54 = arith.constant 32 : index
      %get3A_55 = tpu.vector_load %arg9[%get3A_53, %get3A_54] {strides = array<i32>} : memref<32x1024xf32, #tpu.memory_space<vmem>>, vector<1x16xf32>,
      %get3A_56 = vector.shape_cast %get3A_55 : vector<1x16xf32> to vector<16xf32>
      %add3A_57 = arith.addf %get3A_52, %get3A_56 : vector<16xf32>
      %swap3A_58 = arith.index_cast %add3A_22 : i32 to index
      %swap3A_59 = arith.constant 32 : index
      %swap3A_60 = tpu.vector_load %arg8[%swap3A_58, %swap3A_59] {strides = array<i32>} : memref<32x1024xf32, #tpu.memory_space<vmem>>, vector<1x16xf32>,
      %swap3A_61 = vector.shape_cast %swap3A_60 : vector<1x16xf32> to vector<16xf32>
      %swap3A_62 = vector.shape_cast %add3A_57 : vector<16xf32> to vector<1x16xf32>
      tpu.vector_store %arg8[%swap3A_58, %swap3A_59], %swap3A_62 {strides = array<i32>} : memref<32x1024xf32, #tpu.memory_space<vmem>>, vector<1x16xf32>,
      %get3A_63 = arith.index_cast %add3A_22 : i32 to index
      %get3A_64 = arith.constant 48 : index
      %get3A_65 = tpu.vector_load %arg8[%get3A_63, %get3A_64] {strides = array<i32>} : memref<32x1024xf32, #tpu.memory_space<vmem>>, vector<1x16xf32>,
      %get3A_66 = vector.shape_cast %get3A_65 : vector<1x16xf32> to vector<16xf32>
      %get3A_67 = arith.index_cast %add3A_22 : i32 to index
      %get3A_68 = arith.constant 48 : index
      %get3A_69 = tpu.vector_load %arg9[%get3A_67, %get3A_68] {strides = array<i32>} : memref<32x1024xf32, #tpu.memory_space<vmem>>, vector<1x16xf32>,
      %get3A_70 = vector.shape_cast %get3A_69 : vector<1x16xf32> to vector<16xf32>
      %add3A_71 = arith.addf %get3A_66, %get3A_70 : vector<16xf32>
      %swap3A_72 = arith.index_cast %add3A_22 : i32 to index
      %swap3A_73 = arith.constant 48 : index
      %swap3A_74 = tpu.vector_load %arg8[%swap3A_72, %swap3A_73] {strides = array<i32>} : memref<32x1024xf32, #tpu.memory_space<vmem>>, vector<1x16xf32>,
      %swap3A_75 = vector.shape_cast %swap3A_74 : vector<1x16xf32> to vector<16xf32>
      %swap3A_76 = vector.shape_cast %add3A_71 : vector<16xf32> to vector<1x16xf32>
      tpu.vector_store %arg8[%swap3A_72, %swap3A_73], %swap3A_76 {strides = array<i32>} : memref<32x1024xf32, #tpu.memory_space<vmem>>, vector<1x16xf32>,
      %get3A_77 = arith.index_cast %add3A_22 : i32 to index
      %get3A_78 = arith.constant 64 : index
      %get3A_79 = tpu.vector_load %arg8[%get3A_77, %get3A_78] {strides = array<i32>} : memref<32x1024xf32, #tpu.memory_space<vmem>>, vector<1x16xf32>,
      %get3A_80 = vector.shape_cast %get3A_79 : vector<1x16xf32> to vector<16xf32>
      %get3A_81 = arith.index_cast %add3A_22 : i32 to index
      %get3A_82 = arith.constant 64 : index
      %get3A_83 = tpu.vector_load %arg9[%get3A_81, %get3A_82] {strides = array<i32>} : memref<32x1024xf32, #tpu.memory_space<vmem>>, vector<1x16xf32>,
      %get3A_84 = vector.shape_cast %get3A_83 : vector<1x16xf32> to vector<16xf32>
      %add3A_85 = arith.addf %get3A_80, %get3A_84 : vector<16xf32>
      %swap3A_86 = arith.index_cast %add3A_22 : i32 to index
      %swap3A_87 = arith.constant 64 : index
      %swap3A_88 = tpu.vector_load %arg8[%swap3A_86, %swap3A_87] {strides = array<i32>} : memref<32x1024xf32, #tpu.memory_space<vmem>>, vector<1x16xf32>,
      %swap3A_89 = vector.shape_cast %swap3A_88 : vector<1x16xf32> to vector<16xf32>
      %swap3A_90 = vector.shape_cast %add3A_85 : vector<16xf32> to vector<1x16xf32>
      tpu.vector_store %arg8[%swap3A_86, %swap3A_87], %swap3A_90 {strides = array<i32>} : memref<32x1024xf32, #tpu.memory_space<vmem>>, vector<1x16xf32>,
      %get3A_91 = arith.index_cast %add3A_22 : i32 to index
      %get3A_92 = arith.constant 80 : index
      %get3A_93 = tpu.vector_load %arg8[%get3A_91, %get3A_92] {strides = array<i32>} : memref<32x1024xf32, #tpu.memory_space<vmem>>, vector<1x16xf32>,
      %get3A_94 = vector.shape_cast %get3A_93 : vector<1x16xf32> to vector<16xf32>
      %get3A_95 = arith.index_cast %add3A_22 : i32 to index
      %get3A_96 = arith.constant 80 : index
      %get3A_97 = tpu.vector_load %arg9[%get3A_95, %get3A_96] {strides = array<i32>} : memref<32x1024xf32, #tpu.memory_space<vmem>>, vector<1x16xf32>,
      %get3A_98 = vector.shape_cast %get3A_97 : vector<1x16xf32> to vector<16xf32>
      %add3A_99 = arith.addf %get3A_94, %get3A_98 : vector<16xf32>
      %swap3A_100 = arith.index_cast %add3A_22 : i32 to index
      %swap3A_101 = arith.constant 80 : index
      %swap3A_102 = tpu.vector_load %arg8[%swap3A_100, %swap3A_101] {strides = array<i32>} : memref<32x1024xf32, #tpu.memory_space<vmem>>, vector<1x16xf32>,
      %swap3A_103 = vector.shape_cast %swap3A_102 : vector<1x16xf32> to vector<16xf32>
      %swap3A_104 = vector.shape_cast %add3A_99 : vector<16xf32> to vector<1x16xf32>
      tpu.vector_store %arg8[%swap3A_100, %swap3A_101], %swap3A_104 {strides = array<i32>} : memref<32x1024xf32, #tpu.memory_space<vmem>>, vector<1x16xf32>,
      %get3A_105 = arith.index_cast %add3A_22 : i32 to index
      %get3A_106 = arith.constant 96 : index
      %get3A_107 = tpu.vector_load %arg8[%get3A_105, %get3A_106] {strides = array<i32>} : memref<32x1024xf32, #tpu.memory_space<vmem>>, vector<1x16xf32>,
      %get3A_108 = vector.shape_cast %get3A_107 : vector<1x16xf32> to vector<16xf32>
      %get3A_109 = arith.index_cast %add3A_22 : i32 to index
      %get3A_110 = arith.constant 96 : index
      %get3A_111 = tpu.vector_load %arg9[%get3A_109, %get3A_110] {strides = array<i32>} : memref<32x1024xf32, #tpu.memory_space<vmem>>, vector<1x16xf32>,
      %get3A_112 = vector.shape_cast %get3A_111 : vector<1x16xf32> to vector<16xf32>
      %add3A_113 = arith.addf %get3A_108, %get3A_112 : vector<16xf32>
      %swap3A_114 = arith.index_cast %add3A_22 : i32 to index
      %swap3A_115 = arith.constant 96 : index
      %swap3A_116 = tpu.vector_load %arg8[%swap3A_114, %swap3A_115] {strides = array<i32>} : memref<32x1024xf32, #tpu.memory_space<vmem>>, vector<1x16xf32>,
      %swap3A_117 = vector.shape_cast %swap3A_116 : vector<1x16xf32> to vector<16xf32>
      %swap3A_118 = vector.shape_cast %add3A_113 : vector<16xf32> to vector<1x16xf32>
      tpu.vector_store %arg8[%swap3A_114, %swap3A_115], %swap3A_118 {strides = array<i32>} : memref<32x1024xf32, #tpu.memory_space<vmem>>, vector<1x16xf32>,
      %get3A_119 = arith.index_cast %add3A_22 : i32 to index
      %get3A_120 = arith.constant 112 : index
      %get3A_121 = tpu.vector_load %arg8[%get3A_119, %get3A_120] {strides = array<i32>} : memref<32x1024xf32, #tpu.memory_space<vmem>>, vector<1x16xf32>,
      %get3A_122 = vector.shape_cast %get3A_121 : vector<1x16xf32> to vector<16xf32>
      %get3A_123 = arith.index_cast %add3A_22 : i32 to index
      %get3A_124 = arith.constant 112 : index
      %get3A_125 = tpu.vector_load %arg9[%get3A_123, %get3A_124] {strides = array<i32>} : memref<32x1024xf32, #tpu.memory_space<vmem>>, vector<1x16xf32>,
      %get3A_126 = vector.shape_cast %get3A_125 : vector<1x16xf32> to vector<16xf32>
      %add3A_127 = arith.addf %get3A_122, %get3A_126 : vector<16xf32>
      %swap3A_128 = arith.index_cast %add3A_22 : i32 to index
      %swap3A_129 = arith.constant 112 : index
      %swap3A_130 = tpu.vector_load %arg8[%swap3A_128, %swap3A_129] {strides = array<i32>} : memref<32x1024xf32, #tpu.memory_space<vmem>>, vector<1x16xf32>,
      %swap3A_131 = vector.shape_cast %swap3A_130 : vector<1x16xf32> to vector<16xf32>
      %swap3A_132 = vector.shape_cast %add3A_127 : vector<16xf32> to vector<1x16xf32>
      tpu.vector_store %arg8[%swap3A_128, %swap3A_129], %swap3A_132 {strides = array<i32>} : memref<32x1024xf32, #tpu.memory_space<vmem>>, vector<1x16xf32>,
      %get3A_133 = arith.index_cast %add3A_22 : i32 to index
      %get3A_134 = arith.constant 128 : index
      %get3A_135 = tpu.vector_load %arg8[%get3A_133, %get3A_134] {strides = array<i32>} : memref<32x1024xf32, #tpu.memory_space<vmem>>, vector<1x16xf32>,
      %get3A_136 = vector.shape_cast %get3A_135 : vector<1x16xf32> to vector<16xf32>
      %get3A_137 = arith.index_cast %add3A_22 : i32 to index
      %get3A_138 = arith.constant 128 : index
      %get3A_139 = tpu.vector_load %arg9[%get3A_137, %get3A_138] {strides = array<i32>} : memref<32x1024xf32, #tpu.memory_space<vmem>>, vector<1x16xf32>,
      %get3A_140 = vector.shape_cast %get3A_139 : vector<1x16xf32> to vector<16xf32>
      %add3A_141 = arith.addf %get3A_136, %get3A_140 : vector<16xf32>
      %swap3A_142 = arith.index_cast %add3A_22 : i32 to index
      %swap3A_143 = arith.constant 128 : index
      %swap3A_144 = tpu.vector_load %arg8[%swap3A_142, %swap3A_143] {strides = array<i32>} : memref<32x1024xf32, #tpu.memory_space<vmem>>, vector<1x16xf32>,
      %swap3A_145 = vector.shape_cast %swap3A_144 : vector<1x16xf32> to vector<16xf32>
      %swap3A_146 = vector.shape_cast %add3A_141 : vector<16xf32> to vector<1x16xf32>
      tpu.vector_store %arg8[%swap3A_142, %swap3A_143], %swap3A_146 {strides = array<i32>} : memref<32x1024xf32, #tpu.memory_space<vmem>>, vector<1x16xf32>,
      %get3A_147 = arith.index_cast %add3A_22 : i32 to index
      %get3A_148 = arith.constant 144 : index
      %get3A_149 = tpu.vector_load %arg8[%get3A_147, %get3A_148] {strides = array<i32>} : memref<32x1024xf32, #tpu.memory_space<vmem>>, vector<1x16xf32>,
      %get3A_150 = vector.shape_cast %get3A_149 : vector<1x16xf32> to vector<16xf32>
      %get3A_151 = arith.index_cast %add3A_22 : i32 to index
      %get3A_152 = arith.constant 144 : index
      %get3A_153 = tpu.vector_load %arg9[%get3A_151, %get3A_152] {strides = array<i32>} : memref<32x1024xf32, #tpu.memory_space<vmem>>, vector<1x16xf32>,
      %get3A_154 = vector.shape_cast %get3A_153 : vector<1x16xf32> to vector<16xf32>
      %add3A_155 = arith.addf %get3A_150, %get3A_154 : vector<16xf32>
      %swap3A_156 = arith.index_cast %add3A_22 : i32 to index
      %swap3A_157 = arith.constant 144 : index
      %swap3A_158 = tpu.vector_load %arg8[%swap3A_156, %swap3A_157] {strides = array<i32>} : memref<32x1024xf32, #tpu.memory_space<vmem>>, vector<1x16xf32>,
      %swap3A_159 = vector.shape_cast %swap3A_158 : vector<1x16xf32> to vector<16xf32>
      %swap3A_160 = vector.shape_cast %add3A_155 : vector<16xf32> to vector<1x16xf32>
      tpu.vector_store %arg8[%swap3A_156, %swap3A_157], %swap3A_160 {strides = array<i32>} : memref<32x1024xf32, #tpu.memory_space<vmem>>, vector<1x16xf32>,
      %get3A_161 = arith.index_cast %add3A_22 : i32 to index
      %get3A_162 = arith.constant 160 : index
      %get3A_163 = tpu.vector_load %arg8[%get3A_161, %get3A_162] {strides = array<i32>} : memref<32x1024xf32, #tpu.memory_space<vmem>>, vector<1x16xf32>,
      %get3A_164 = vector.shape_cast %get3A_163 : vector<1x16xf32> to vector<16xf32>
      %get3A_165 = arith.index_cast %add3A_22 : i32 to index
      %get3A_166 = arith.constant 160 : index
      %get3A_167 = tpu.vector_load %arg9[%get3A_165, %get3A_166] {strides = array<i32>} : memref<32x1024xf32, #tpu.memory_space<vmem>>, vector<1x16xf32>,
      %get3A_168 = vector.shape_cast %get3A_167 : vector<1x16xf32> to vector<16xf32>
      %add3A_169 = arith.addf %get3A_164, %get3A_168 : vector<16xf32>
      %swap3A_170 = arith.index_cast %add3A_22 : i32 to index
      %swap3A_171 = arith.constant 160 : index
      %swap3A_172 = tpu.vector_load %arg8[%swap3A_170, %swap3A_171] {strides = array<i32>} : memref<32x1024xf32, #tpu.memory_space<vmem>>, vector<1x16xf32>,
      %swap3A_173 = vector.shape_cast %swap3A_172 : vector<1x16xf32> to vector<16xf32>
      %swap3A_174 = vector.shape_cast %add3A_169 : vector<16xf32> to vector<1x16xf32>
      tpu.vector_store %arg8[%swap3A_170, %swap3A_171], %swap3A_174 {strides = array<i32>} : memref<32x1024xf32, #tpu.memory_space<vmem>>, vector<1x16xf32>,
      %get3A_175 = arith.index_cast %add3A_22 : i32 to index
      %get3A_176 = arith.constant 176 : index
      %get3A_177 = tpu.vector_load %arg8[%get3A_175, %get3A_176] {strides = array<i32>} : memref<32x1024xf32, #tpu.memory_space<vmem>>, vector<1x16xf32>,
      %get3A_178 = vector.shape_cast %get3A_177 : vector<1x16xf32> to vector<16xf32>
      %get3A_179 = arith.index_cast %add3A_22 : i32 to index
      %get3A_180 = arith.constant 176 : index
      %get3A_181 = tpu.vector_load %arg9[%get3A_179, %get3A_180] {strides = array<i32>} : memref<32x1024xf32, #tpu.memory_space<vmem>>, vector<1x16xf32>,
      %get3A_182 = vector.shape_cast %get3A_181 : vector<1x16xf32> to vector<16xf32>
      %add3A_183 = arith.addf %get3A_178, %get3A_182 : vector<16xf32>
      %swap3A_184 = arith.index_cast %add3A_22 : i32 to index
      %swap3A_185 = arith.constant 176 : index
      %swap3A_186 = tpu.vector_load %arg8[%swap3A_184, %swap3A_185] {strides = array<i32>} : memref<32x1024xf32, #tpu.memory_space<vmem>>, vector<1x16xf32>,
      %swap3A_187 = vector.shape_cast %swap3A_186 : vector<1x16xf32> to vector<16xf32>
      %swap3A_188 = vector.shape_cast %add3A_183 : vector<16xf32> to vector<1x16xf32>
      tpu.vector_store %arg8[%swap3A_184, %swap3A_185], %swap3A_188 {strides = array<i32>} : memref<32x1024xf32, #tpu.memory_space<vmem>>, vector<1x16xf32>,
      %get3A_189 = arith.index_cast %add3A_22 : i32 to index
      %get3A_190 = arith.constant 192 : index
      %get3A_191 = tpu.vector_load %arg8[%get3A_189, %get3A_190] {strides = array<i32>} : memref<32x1024xf32, #tpu.memory_space<vmem>>, vector<1x16xf32>,
      %get3A_192 = vector.shape_cast %get3A_191 : vector<1x16xf32> to vector<16xf32>
      %get3A_193 = arith.index_cast %add3A_22 : i32 to index
      %get3A_194 = arith.constant 192 : index
      %get3A_195 = tpu.vector_load %arg9[%get3A_193, %get3A_194] {strides = array<i32>} : memref<32x1024xf32, #tpu.memory_space<vmem>>, vector<1x16xf32>,
      %get3A_196 = vector.shape_cast %get3A_195 : vector<1x16xf32> to vector<16xf32>
      %add3A_197 = arith.addf %get3A_192, %get3A_196 : vector<16xf32>
      %swap3A_198 = arith.index_cast %add3A_22 : i32 to index
      %swap3A_199 = arith.constant 192 : index
      %swap3A_200 = tpu.vector_load %arg8[%swap3A_198, %swap3A_199] {strides = array<i32>} : memref<32x1024xf32, #tpu.memory_space<vmem>>, vector<1x16xf32>,
      %swap3A_201 = vector.shape_cast %swap3A_200 : vector<1x16xf32> to vector<16xf32>
      %swap3A_202 = vector.shape_cast %add3A_197 : vector<16xf32> to vector<1x16xf32>
      tpu.vector_store %arg8[%swap3A_198, %swap3A_199], %swap3A_202 {strides = array<i32>} : memref<32x1024xf32, #tpu.memory_space<vmem>>, vector<1x16xf32>,
      %get3A_203 = arith.index_cast %add3A_22 : i32 to index
      %get3A_204 = arith.constant 208 : index
      %get3A_205 = tpu.vector_load %arg8[%get3A_203, %get3A_204] {strides = array<i32>} : memref<32x1024xf32, #tpu.memory_space<vmem>>, vector<1x16xf32>,
      %get3A_206 = vector.shape_cast %get3A_205 : vector<1x16xf32> to vector<16xf32>
      %get3A_207 = arith.index_cast %add3A_22 : i32 to index
      %get3A_208 = arith.constant 208 : index
      %get3A_209 = tpu.vector_load %arg9[%get3A_207, %get3A_208] {strides = array<i32>} : memref<32x1024xf32, #tpu.memory_space<vmem>>, vector<1x16xf32>,
      %get3A_210 = vector.shape_cast %get3A_209 : vector<1x16xf32> to vector<16xf32>
      %add3A_211 = arith.addf %get3A_206, %get3A_210 : vector<16xf32>
      %swap3A_212 = arith.index_cast %add3A_22 : i32 to index
      %swap3A_213 = arith.constant 208 : index
      %swap3A_214 = tpu.vector_load %arg8[%swap3A_212, %swap3A_213] {strides = array<i32>} : memref<32x1024xf32, #tpu.memory_space<vmem>>, vector<1x16xf32>,
      %swap3A_215 = vector.shape_cast %swap3A_214 : vector<1x16xf32> to vector<16xf32>
      %swap3A_216 = vector.shape_cast %add3A_211 : vector<16xf32> to vector<1x16xf32>
      tpu.vector_store %arg8[%swap3A_212, %swap3A_213], %swap3A_216 {strides = array<i32>} : memref<32x1024xf32, #tpu.memory_space<vmem>>, vector<1x16xf32>,
      %get3A_217 = arith.index_cast %add3A_22 : i32 to index
      %get3A_218 = arith.constant 224 : index
      %get3A_219 = tpu.vector_load %arg8[%get3A_217, %get3A_218] {strides = array<i32>} : memref<32x1024xf32, #tpu.memory_space<vmem>>, vector<1x16xf32>,
      %get3A_220 = vector.shape_cast %get3A_219 : vector<1x16xf32> to vector<16xf32>
      %get3A_221 = arith.index_cast %add3A_22 : i32 to index
      %get3A_222 = arith.constant 224 : index
      %get3A_223 = tpu.vector_load %arg9[%get3A_221, %get3A_222] {strides = array<i32>} : memref<32x1024xf32, #tpu.memory_space<vmem>>, vector<1x16xf32>,
      %get3A_224 = vector.shape_cast %get3A_223 : vector<1x16xf32> to vector<16xf32>
      %add3A_225 = arith.addf %get3A_220, %get3A_224 : vector<16xf32>
      %swap3A_226 = arith.index_cast %add3A_22 : i32 to index
      %swap3A_227 = arith.constant 224 : index
      %swap3A_228 = tpu.vector_load %arg8[%swap3A_226, %swap3A_227] {strides = array<i32>} : memref<32x1024xf32, #tpu.memory_space<vmem>>, vector<1x16xf32>,
      %swap3A_229 = vector.shape_cast %swap3A_228 : vector<1x16xf32> to vector<16xf32>
      %swap3A_230 = vector.shape_cast %add3A_225 : vector<16xf32> to vector<1x16xf32>
      tpu.vector_store %arg8[%swap3A_226, %swap3A_227], %swap3A_230 {strides = array<i32>} : memref<32x1024xf32, #tpu.memory_space<vmem>>, vector<1x16xf32>,
      %get3A_231 = arith.index_cast %add3A_22 : i32 to index
      %get3A_232 = arith.constant 240 : index
      %get3A_233 = tpu.vector_load %arg8[%get3A_231, %get3A_232] {strides = array<i32>} : memref<32x1024xf32, #tpu.memory_space<vmem>>, vector<1x16xf32>,
      %get3A_234 = vector.shape_cast %get3A_233 : vector<1x16xf32> to vector<16xf32>
      %get3A_235 = arith.index_cast %add3A_22 : i32 to index
      %get3A_236 = arith.constant 240 : index
      %get3A_237 = tpu.vector_load %arg9[%get3A_235, %get3A_236] {strides = array<i32>} : memref<32x1024xf32, #tpu.memory_space<vmem>>, vector<1x16xf32>,
      %get3A_238 = vector.shape_cast %get3A_237 : vector<1x16xf32> to vector<16xf32>
      %add3A_239 = arith.addf %get3A_234, %get3A_238 : vector<16xf32>
      %swap3A_240 = arith.index_cast %add3A_22 : i32 to index
      %swap3A_241 = arith.constant 240 : index
      %swap3A_242 = tpu.vector_load %arg8[%swap3A_240, %swap3A_241] {strides = array<i32>} : memref<32x1024xf32, #tpu.memory_space<vmem>>, vector<1x16xf32>,
      %swap3A_243 = vector.shape_cast %swap3A_242 : vector<1x16xf32> to vector<16xf32>
      %swap3A_244 = vector.shape_cast %add3A_239 : vector<16xf32> to vector<1x16xf32>
      tpu.vector_store %arg8[%swap3A_240, %swap3A_241], %swap3A_244 {strides = array<i32>} : memref<32x1024xf32, #tpu.memory_space<vmem>>, vector<1x16xf32>,
      %get3A_245 = arith.index_cast %add3A_22 : i32 to index
      %get3A_246 = arith.constant 256 : index
      %get3A_247 = tpu.vector_load %arg8[%get3A_245, %get3A_246] {strides = array<i32>} : memref<32x1024xf32, #tpu.memory_space<vmem>>, vector<1x16xf32>,
      %get3A_248 = vector.shape_cast %get3A_247 : vector<1x16xf32> to vector<16xf32>
      %get3A_249 = arith.index_cast %add3A_22 : i32 to index
      %get3A_250 = arith.constant 256 : index
      %get3A_251 = tpu.vector_load %arg9[%get3A_249, %get3A_250] {strides = array<i32>} : memref<32x1024xf32, #tpu.memory_space<vmem>>, vector<1x16xf32>,
      %get3A_252 = vector.shape_cast %get3A_251 : vector<1x16xf32> to vector<16xf32>
      %add3A_253 = arith.addf %get3A_248, %get3A_252 : vector<16xf32>
      %swap3A_254 = arith.index_cast %add3A_22 : i32 to index
      %swap3A_255 = arith.constant 256 : index
      %swap3A_256 = tpu.vector_load %arg8[%swap3A_254, %swap3A_255] {strides = array<i32>} : memref<32x1024xf32, #tpu.memory_space<vmem>>, vector<1x16xf32>,
      %swap3A_257 = vector.shape_cast %swap3A_256 : vector<1x16xf32> to vector<16xf32>
      %swap3A_258 = vector.shape_cast %add3A_253 : vector<16xf32> to vector<1x16xf32>
      tpu.vector_store %arg8[%swap3A_254, %swap3A_255], %swap3A_258 {strides = array<i32>} : memref<32x1024xf32, #tpu.memory_space<vmem>>, vector<1x16xf32>,
      %get3A_259 = arith.index_cast %add3A_22 : i32 to index
      %get3A_260 = arith.constant 272 : index
      %get3A_261 = tpu.vector_load %arg8[%get3A_259, %get3A_260] {strides = array<i32>} : memref<32x1024xf32, #tpu.memory_space<vmem>>, vector<1x16xf32>,
      %get3A_262 = vector.shape_cast %get3A_261 : vector<1x16xf32> to vector<16xf32>
      %get3A_263 = arith.index_cast %add3A_22 : i32 to index
      %get3A_264 = arith.constant 272 : index
      %get3A_265 = tpu.vector_load %arg9[%get3A_263, %get3A_264] {strides = array<i32>} : memref<32x1024xf32, #tpu.memory_space<vmem>>, vector<1x16xf32>,
      %get3A_266 = vector.shape_cast %get3A_265 : vector<1x16xf32> to vector<16xf32>
      %add3A_267 = arith.addf %get3A_262, %get3A_266 : vector<16xf32>
      %swap3A_268 = arith.index_cast %add3A_22 : i32 to index
      %swap3A_269 = arith.constant 272 : index
      %swap3A_270 = tpu.vector_load %arg8[%swap3A_268, %swap3A_269] {strides = array<i32>} : memref<32x1024xf32, #tpu.memory_space<vmem>>, vector<1x16xf32>,
      %swap3A_271 = vector.shape_cast %swap3A_270 : vector<1x16xf32> to vector<16xf32>
      %swap3A_272 = vector.shape_cast %add3A_267 : vector<16xf32> to vector<1x16xf32>
      tpu.vector_store %arg8[%swap3A_268, %swap3A_269], %swap3A_272 {strides = array<i32>} : memref<32x1024xf32, #tpu.memory_space<vmem>>, vector<1x16xf32>,
      %get3A_273 = arith.index_cast %add3A_22 : i32 to index
      %get3A_274 = arith.constant 288 : index
      %get3A_275 = tpu.vector_load %arg8[%get3A_273, %get3A_274] {strides = array<i32>} : memref<32x1024xf32, #tpu.memory_space<vmem>>, vector<1x16xf32>,
      %get3A_276 = vector.shape_cast %get3A_275 : vector<1x16xf32> to vector<16xf32>
      %get3A_277 = arith.index_cast %add3A_22 : i32 to index
      %get3A_278 = arith.constant 288 : index
      %get3A_279 = tpu.vector_load %arg9[%get3A_277, %get3A_278] {strides = array<i32>} : memref<32x1024xf32, #tpu.memory_space<vmem>>, vector<1x16xf32>,
      %get3A_280 = vector.shape_cast %get3A_279 : vector<1x16xf32> to vector<16xf32>
      %add3A_281 = arith.addf %get3A_276, %get3A_280 : vector<16xf32>
      %swap3A_282 = arith.index_cast %add3A_22 : i32 to index
      %swap3A_283 = arith.constant 288 : index
      %swap3A_284 = tpu.vector_load %arg8[%swap3A_282, %swap3A_283] {strides = array<i32>} : memref<32x1024xf32, #tpu.memory_space<vmem>>, vector<1x16xf32>,
      %swap3A_285 = vector.shape_cast %swap3A_284 : vector<1x16xf32> to vector<16xf32>
      %swap3A_286 = vector.shape_cast %add3A_281 : vector<16xf32> to vector<1x16xf32>
      tpu.vector_store %arg8[%swap3A_282, %swap3A_283], %swap3A_286 {strides = array<i32>} : memref<32x1024xf32, #tpu.memory_space<vmem>>, vector<1x16xf32>,
      %get3A_287 = arith.index_cast %add3A_22 : i32 to index
      %get3A_288 = arith.constant 304 : index
      %get3A_289 = tpu.vector_load %arg8[%get3A_287, %get3A_288] {strides = array<i32>} : memref<32x1024xf32, #tpu.memory_space<vmem>>, vector<1x16xf32>,
      %get3A_290 = vector.shape_cast %get3A_289 : vector<1x16xf32> to vector<16xf32>
      %get3A_291 = arith.index_cast %add3A_22 : i32 to index
      %get3A_292 = arith.constant 304 : index
      %get3A_293 = tpu.vector_load %arg9[%get3A_291, %get3A_292] {strides = array<i32>} : memref<32x1024xf32, #tpu.memory_space<vmem>>, vector<1x16xf32>,
      %get3A_294 = vector.shape_cast %get3A_293 : vector<1x16xf32> to vector<16xf32>
      %add3A_295 = arith.addf %get3A_290, %get3A_294 : vector<16xf32>
      %swap3A_296 = arith.index_cast %add3A_22 : i32 to index
      %swap3A_297 = arith.constant 304 : index
      %swap3A_298 = tpu.vector_load %arg8[%swap3A_296, %swap3A_297] {strides = array<i32>} : memref<32x1024xf32, #tpu.memory_space<vmem>>, vector<1x16xf32>,
      %swap3A_299 = vector.shape_cast %swap3A_298 : vector<1x16xf32> to vector<16xf32>
      %swap3A_300 = vector.shape_cast %add3A_295 : vector<16xf32> to vector<1x16xf32>
      tpu.vector_store %arg8[%swap3A_296, %swap3A_297], %swap3A_300 {strides = array<i32>} : memref<32x1024xf32, #tpu.memory_space<vmem>>, vector<1x16xf32>,
      %get3A_301 = arith.index_cast %add3A_22 : i32 to index
      %get3A_302 = arith.constant 320 : index
      %get3A_303 = tpu.vector_load %arg8[%get3A_301, %get3A_302] {strides = array<i32>} : memref<32x1024xf32, #tpu.memory_space<vmem>>, vector<1x16xf32>,
      %get3A_304 = vector.shape_cast %get3A_303 : vector<1x16xf32> to vector<16xf32>
      %get3A_305 = arith.index_cast %add3A_22 : i32 to index
      %get3A_306 = arith.constant 320 : index
      %get3A_307 = tpu.vector_load %arg9[%get3A_305, %get3A_306] {strides = array<i32>} : memref<32x1024xf32, #tpu.memory_space<vmem>>, vector<1x16xf32>,
      %get3A_308 = vector.shape_cast %get3A_307 : vector<1x16xf32> to vector<16xf32>
      %add3A_309 = arith.addf %get3A_304, %get3A_308 : vector<16xf32>
      %swap3A_310 = arith.index_cast %add3A_22 : i32 to index
      %swap3A_311 = arith.constant 320 : index
      %swap3A_312 = tpu.vector_load %arg8[%swap3A_310, %swap3A_311] {strides = array<i32>} : memref<32x1024xf32, #tpu.memory_space<vmem>>, vector<1x16xf32>,
      %swap3A_313 = vector.shape_cast %swap3A_312 : vector<1x16xf32> to vector<16xf32>
      %swap3A_314 = vector.shape_cast %add3A_309 : vector<16xf32> to vector<1x16xf32>
      tpu.vector_store %arg8[%swap3A_310, %swap3A_311], %swap3A_314 {strides = array<i32>} : memref<32x1024xf32, #tpu.memory_space<vmem>>, vector<1x16xf32>,
      %get3A_315 = arith.index_cast %add3A_22 : i32 to index
      %get3A_316 = arith.constant 336 : index
      %get3A_317 = tpu.vector_load %arg8[%get3A_315, %get3A_316] {strides = array<i32>} : memref<32x1024xf32, #tpu.memory_space<vmem>>, vector<1x16xf32>,
      %get3A_318 = vector.shape_cast %get3A_317 : vector<1x16xf32> to vector<16xf32>
      %get3A_319 = arith.index_cast %add3A_22 : i32 to index
      %get3A_320 = arith.constant 336 : index
      %get3A_321 = tpu.vector_load %arg9[%get3A_319, %get3A_320] {strides = array<i32>} : memref<32x1024xf32, #tpu.memory_space<vmem>>, vector<1x16xf32>,
      %get3A_322 = vector.shape_cast %get3A_321 : vector<1x16xf32> to vector<16xf32>
      %add3A_323 = arith.addf %get3A_318, %get3A_322 : vector<16xf32>
      %swap3A_324 = arith.index_cast %add3A_22 : i32 to index
      %swap3A_325 = arith.constant 336 : index
      %swap3A_326 = tpu.vector_load %arg8[%swap3A_324, %swap3A_325] {strides = array<i32>} : memref<32x1024xf32, #tpu.memory_space<vmem>>, vector<1x16xf32>,
      %swap3A_327 = vector.shape_cast %swap3A_326 : vector<1x16xf32> to vector<16xf32>
      %swap3A_328 = vector.shape_cast %add3A_323 : vector<16xf32> to vector<1x16xf32>
      tpu.vector_store %arg8[%swap3A_324, %swap3A_325], %swap3A_328 {strides = array<i32>} : memref<32x1024xf32, #tpu.memory_space<vmem>>, vector<1x16xf32>,
      %get3A_329 = arith.index_cast %add3A_22 : i32 to index
      %get3A_330 = arith.constant 352 : index
      %get3A_331 = tpu.vector_load %arg8[%get3A_329, %get3A_330] {strides = array<i32>} : memref<32x1024xf32, #tpu.memory_space<vmem>>, vector<1x16xf32>,
      %get3A_332 = vector.shape_cast %get3A_331 : vector<1x16xf32> to vector<16xf32>
      %get3A_333 = arith.index_cast %add3A_22 : i32 to index
      %get3A_334 = arith.constant 352 : index
      %get3A_335 = tpu.vector_load %arg9[%get3A_333, %get3A_334] {strides = array<i32>} : memref<32x1024xf32, #tpu.memory_space<vmem>>, vector<1x16xf32>,
      %get3A_336 = vector.shape_cast %get3A_335 : vector<1x16xf32> to vector<16xf32>
      %add3A_337 = arith.addf %get3A_332, %get3A_336 : vector<16xf32>
      %swap3A_338 = arith.index_cast %add3A_22 : i32 to index
      %swap3A_339 = arith.constant 352 : index
      %swap3A_340 = tpu.vector_load %arg8[%swap3A_338, %swap3A_339] {strides = array<i32>} : memref<32x1024xf32, #tpu.memory_space<vmem>>, vector<1x16xf32>,
      %swap3A_341 = vector.shape_cast %swap3A_340 : vector<1x16xf32> to vector<16xf32>
      %swap3A_342 = vector.shape_cast %add3A_337 : vector<16xf32> to vector<1x16xf32>
      tpu.vector_store %arg8[%swap3A_338, %swap3A_339], %swap3A_342 {strides = array<i32>} : memref<32x1024xf32, #tpu.memory_space<vmem>>, vector<1x16xf32>,
      %get3A_343 = arith.index_cast %add3A_22 : i32 to index
      %get3A_344 = arith.constant 368 : index
      %get3A_345 = tpu.vector_load %arg8[%get3A_343, %get3A_344] {strides = array<i32>} : memref<32x1024xf32, #tpu.memory_space<vmem>>, vector<1x16xf32>,
      %get3A_346 = vector.shape_cast %get3A_345 : vector<1x16xf32> to vector<16xf32>
      %get3A_347 = arith.index_cast %add3A_22 : i32 to index
      %get3A_348 = arith.constant 368 : index
      %get3A_349 = tpu.vector_load %arg9[%get3A_347, %get3A_348] {strides = array<i32>} : memref<32x1024xf32, #tpu.memory_space<vmem>>, vector<1x16xf32>,
      %get3A_350 = vector.shape_cast %get3A_349 : vector<1x16xf32> to vector<16xf32>
      %add3A_351 = arith.addf %get3A_346, %get3A_350 : vector<16xf32>
      %swap3A_352 = arith.index_cast %add3A_22 : i32 to index
      %swap3A_353 = arith.constant 368 : index
      %swap3A_354 = tpu.vector_load %arg8[%swap3A_352, %swap3A_353] {strides = array<i32>} : memref<32x1024xf32, #tpu.memory_space<vmem>>, vector<1x16xf32>,
      %swap3A_355 = vector.shape_cast %swap3A_354 : vector<1x16xf32> to vector<16xf32>
      %swap3A_356 = vector.shape_cast %add3A_351 : vector<16xf32> to vector<1x16xf32>
      tpu.vector_store %arg8[%swap3A_352, %swap3A_353], %swap3A_356 {strides = array<i32>} : memref<32x1024xf32, #tpu.memory_space<vmem>>, vector<1x16xf32>,
      %get3A_357 = arith.index_cast %add3A_22 : i32 to index
      %get3A_358 = arith.constant 384 : index
      %get3A_359 = tpu.vector_load %arg8[%get3A_357, %get3A_358] {strides = array<i32>} : memref<32x1024xf32, #tpu.memory_space<vmem>>, vector<1x16xf32>,
      %get3A_360 = vector.shape_cast %get3A_359 : vector<1x16xf32> to vector<16xf32>
      %get3A_361 = arith.index_cast %add3A_22 : i32 to index
      %get3A_362 = arith.constant 384 : index
      %get3A_363 = tpu.vector_load %arg9[%get3A_361, %get3A_362] {strides = array<i32>} : memref<32x1024xf32, #tpu.memory_space<vmem>>, vector<1x16xf32>,
      %get3A_364 = vector.shape_cast %get3A_363 : vector<1x16xf32> to vector<16xf32>
      %add3A_365 = arith.addf %get3A_360, %get3A_364 : vector<16xf32>
      %swap3A_366 = arith.index_cast %add3A_22 : i32 to index
      %swap3A_367 = arith.constant 384 : index
      %swap3A_368 = tpu.vector_load %arg8[%swap3A_366, %swap3A_367] {strides = array<i32>} : memref<32x1024xf32, #tpu.memory_space<vmem>>, vector<1x16xf32>,
      %swap3A_369 = vector.shape_cast %swap3A_368 : vector<1x16xf32> to vector<16xf32>
      %swap3A_370 = vector.shape_cast %add3A_365 : vector<16xf32> to vector<1x16xf32>
      tpu.vector_store %arg8[%swap3A_366, %swap3A_367], %swap3A_370 {strides = array<i32>} : memref<32x1024xf32, #tpu.memory_space<vmem>>, vector<1x16xf32>,
      %get3A_371 = arith.index_cast %add3A_22 : i32 to index
      %get3A_372 = arith.constant 400 : index
      %get3A_373 = tpu.vector_load %arg8[%get3A_371, %get3A_372] {strides = array<i32>} : memref<32x1024xf32, #tpu.memory_space<vmem>>, vector<1x16xf32>,
      %get3A_374 = vector.shape_cast %get3A_373 : vector<1x16xf32> to vector<16xf32>
      %get3A_375 = arith.index_cast %add3A_22 : i32 to index
      %get3A_376 = arith.constant 400 : index
      %get3A_377 = tpu.vector_load %arg9[%get3A_375, %get3A_376] {strides = array<i32>} : memref<32x1024xf32, #tpu.memory_space<vmem>>, vector<1x16xf32>,
      %get3A_378 = vector.shape_cast %get3A_377 : vector<1x16xf32> to vector<16xf32>
      %add3A_379 = arith.addf %get3A_374, %get3A_378 : vector<16xf32>
      %swap3A_380 = arith.index_cast %add3A_22 : i32 to index
      %swap3A_381 = arith.constant 400 : index
      %swap3A_382 = tpu.vector_load %arg8[%swap3A_380, %swap3A_381] {strides = array<i32>} : memref<32x1024xf32, #tpu.memory_space<vmem>>, vector<1x16xf32>,
      %swap3A_383 = vector.shape_cast %swap3A_382 : vector<1x16xf32> to vector<16xf32>
      %swap3A_384 = vector.shape_cast %add3A_379 : vector<16xf32> to vector<1x16xf32>
      tpu.vector_store %arg8[%swap3A_380, %swap3A_381], %swap3A_384 {strides = array<i32>} : memref<32x1024xf32, #tpu.memory_space<vmem>>, vector<1x16xf32>,
      %get3A_385 = arith.index_cast %add3A_22 : i32 to index
      %get3A_386 = arith.constant 416 : index
      %get3A_387 = tpu.vector_load %arg8[%get3A_385, %get3A_386] {strides = array<i32>} : memref<32x1024xf32, #tpu.memory_space<vmem>>, vector<1x16xf32>,
      %get3A_388 = vector.shape_cast %get3A_387 : vector<1x16xf32> to vector<16xf32>
      %get3A_389 = arith.index_cast %add3A_22 : i32 to index
      %get3A_390 = arith.constant 416 : index
      %get3A_391 = tpu.vector_load %arg9[%get3A_389, %get3A_390] {strides = array<i32>} : memref<32x1024xf32, #tpu.memory_space<vmem>>, vector<1x16xf32>,
      %get3A_392 = vector.shape_cast %get3A_391 : vector<1x16xf32> to vector<16xf32>
      %add3A_393 = arith.addf %get3A_388, %get3A_392 : vector<16xf32>
      %swap3A_394 = arith.index_cast %add3A_22 : i32 to index
      %swap3A_395 = arith.constant 416 : index
      %swap3A_396 = tpu.vector_load %arg8[%swap3A_394, %swap3A_395] {strides = array<i32>} : memref<32x1024xf32, #tpu.memory_space<vmem>>, vector<1x16xf32>,
      %swap3A_397 = vector.shape_cast %swap3A_396 : vector<1x16xf32> to vector<16xf32>
      %swap3A_398 = vector.shape_cast %add3A_393 : vector<16xf32> to vector<1x16xf32>
      tpu.vector_store %arg8[%swap3A_394, %swap3A_395], %swap3A_398 {strides = array<i32>} : memref<32x1024xf32, #tpu.memory_space<vmem>>, vector<1x16xf32>,
      %get3A_399 = arith.index_cast %add3A_22 : i32 to index
      %get3A_400 = arith.constant 432 : index
      %get3A_401 = tpu.vector_load %arg8[%get3A_399, %get3A_400] {strides = array<i32>} : memref<32x1024xf32, #tpu.memory_space<vmem>>, vector<1x16xf32>,
      %get3A_402 = vector.shape_cast %get3A_401 : vector<1x16xf32> to vector<16xf32>
      %get3A_403 = arith.index_cast %add3A_22 : i32 to index
      %get3A_404 = arith.constant 432 : index
      %get3A_405 = tpu.vector_load %arg9[%get3A_403, %get3A_404] {strides = array<i32>} : memref<32x1024xf32, #tpu.memory_space<vmem>>, vector<1x16xf32>,
      %get3A_406 = vector.shape_cast %get3A_405 : vector<1x16xf32> to vector<16xf32>
      %add3A_407 = arith.addf %get3A_402, %get3A_406 : vector<16xf32>
      %swap3A_408 = arith.index_cast %add3A_22 : i32 to index
      %swap3A_409 = arith.constant 432 : index
      %swap3A_410 = tpu.vector_load %arg8[%swap3A_408, %swap3A_409] {strides = array<i32>} : memref<32x1024xf32, #tpu.memory_space<vmem>>, vector<1x16xf32>,
      %swap3A_411 = vector.shape_cast %swap3A_410 : vector<1x16xf32> to vector<16xf32>
      %swap3A_412 = vector.shape_cast %add3A_407 : vector<16xf32> to vector<1x16xf32>
      tpu.vector_store %arg8[%swap3A_408, %swap3A_409], %swap3A_412 {strides = array<i32>} : memref<32x1024xf32, #tpu.memory_space<vmem>>, vector<1x16xf32>,
      %get3A_413 = arith.index_cast %add3A_22 : i32 to index
      %get3A_414 = arith.constant 448 : index
      %get3A_415 = tpu.vector_load %arg8[%get3A_413, %get3A_414] {strides = array<i32>} : memref<32x1024xf32, #tpu.memory_space<vmem>>, vector<1x16xf32>,
      %get3A_416 = vector.shape_cast %get3A_415 : vector<1x16xf32> to vector<16xf32>
      %get3A_417 = arith.index_cast %add3A_22 : i32 to index
      %get3A_418 = arith.constant 448 : index
      %get3A_419 = tpu.vector_load %arg9[%get3A_417, %get3A_418] {strides = array<i32>} : memref<32x1024xf32, #tpu.memory_space<vmem>>, vector<1x16xf32>,
      %get3A_420 = vector.shape_cast %get3A_419 : vector<1x16xf32> to vector<16xf32>
      %add3A_421 = arith.addf %get3A_416, %get3A_420 : vector<16xf32>
      %swap3A_422 = arith.index_cast %add3A_22 : i32 to index
      %swap3A_423 = arith.constant 448 : index
      %swap3A_424 = tpu.vector_load %arg8[%swap3A_422, %swap3A_423] {strides = array<i32>} : memref<32x1024xf32, #tpu.memory_space<vmem>>, vector<1x16xf32>,
      %swap3A_425 = vector.shape_cast %swap3A_424 : vector<1x16xf32> to vector<16xf32>
      %swap3A_426 = vector.shape_cast %add3A_421 : vector<16xf32> to vector<1x16xf32>
      tpu.vector_store %arg8[%swap3A_422, %swap3A_423], %swap3A_426 {strides = array<i32>} : memref<32x1024xf32, #tpu.memory_space<vmem>>, vector<1x16xf32>,
      %get3A_427 = arith.index_cast %add3A_22 : i32 to index
      %get3A_428 = arith.constant 464 : index
      %get3A_429 = tpu.vector_load %arg8[%get3A_427, %get3A_428] {strides = array<i32>} : memref<32x1024xf32, #tpu.memory_space<vmem>>, vector<1x16xf32>,
      %get3A_430 = vector.shape_cast %get3A_429 : vector<1x16xf32> to vector<16xf32>
      %get3A_431 = arith.index_cast %add3A_22 : i32 to index
      %get3A_432 = arith.constant 464 : index
      %get3A_433 = tpu.vector_load %arg9[%get3A_431, %get3A_432] {strides = array<i32>} : memref<32x1024xf32, #tpu.memory_space<vmem>>, vector<1x16xf32>,
      %get3A_434 = vector.shape_cast %get3A_433 : vector<1x16xf32> to vector<16xf32>
      %add3A_435 = arith.addf %get3A_430, %get3A_434 : vector<16xf32>
      %swap3A_436 = arith.index_cast %add3A_22 : i32 to index
      %swap3A_437 = arith.constant 464 : index
      %swap3A_438 = tpu.vector_load %arg8[%swap3A_436, %swap3A_437] {strides = array<i32>} : memref<32x1024xf32, #tpu.memory_space<vmem>>, vector<1x16xf32>,
      %swap3A_439 = vector.shape_cast %swap3A_438 : vector<1x16xf32> to vector<16xf32>
      %swap3A_440 = vector.shape_cast %add3A_435 : vector<16xf32> to vector<1x16xf32>
      tpu.vector_store %arg8[%swap3A_436, %swap3A_437], %swap3A_440 {strides = array<i32>} : memref<32x1024xf32, #tpu.memory_space<vmem>>, vector<1x16xf32>,
      %get3A_441 = arith.index_cast %add3A_22 : i32 to index
      %get3A_442 = arith.constant 480 : index
      %get3A_443 = tpu.vector_load %arg8[%get3A_441, %get3A_442] {strides = array<i32>} : memref<32x1024xf32, #tpu.memory_space<vmem>>, vector<1x16xf32>,
      %get3A_444 = vector.shape_cast %get3A_443 : vector<1x16xf32> to vector<16xf32>
      %get3A_445 = arith.index_cast %add3A_22 : i32 to index
      %get3A_446 = arith.constant 480 : index
      %get3A_447 = tpu.vector_load %arg9[%get3A_445, %get3A_446] {strides = array<i32>} : memref<32x1024xf32, #tpu.memory_space<vmem>>, vector<1x16xf32>,
      %get3A_448 = vector.shape_cast %get3A_447 : vector<1x16xf32> to vector<16xf32>
      %add3A_449 = arith.addf %get3A_444, %get3A_448 : vector<16xf32>
      %swap3A_450 = arith.index_cast %add3A_22 : i32 to index
      %swap3A_451 = arith.constant 480 : index
      %swap3A_452 = tpu.vector_load %arg8[%swap3A_450, %swap3A_451] {strides = array<i32>} : memref<32x1024xf32, #tpu.memory_space<vmem>>, vector<1x16xf32>,
      %swap3A_453 = vector.shape_cast %swap3A_452 : vector<1x16xf32> to vector<16xf32>
      %swap3A_454 = vector.shape_cast %add3A_449 : vector<16xf32> to vector<1x16xf32>
      tpu.vector_store %arg8[%swap3A_450, %swap3A_451], %swap3A_454 {strides = array<i32>} : memref<32x1024xf32, #tpu.memory_space<vmem>>, vector<1x16xf32>,
      %get3A_455 = arith.index_cast %add3A_22 : i32 to index
      %get3A_456 = arith.constant 496 : index
      %get3A_457 = tpu.vector_load %arg8[%get3A_455, %get3A_456] {strides = array<i32>} : memref<32x1024xf32, #tpu.memory_space<vmem>>, vector<1x16xf32>,
      %get3A_458 = vector.shape_cast %get3A_457 : vector<1x16xf32> to vector<16xf32>
      %get3A_459 = arith.index_cast %add3A_22 : i32 to index
      %get3A_460 = arith.constant 496 : index
      %get3A_461 = tpu.vector_load %arg9[%get3A_459, %get3A_460] {strides = array<i32>} : memref<32x1024xf32, #tpu.memory_space<vmem>>, vector<1x16xf32>,
      %get3A_462 = vector.shape_cast %get3A_461 : vector<1x16xf32> to vector<16xf32>
      %add3A_463 = arith.addf %get3A_458, %get3A_462 : vector<16xf32>
      %swap3A_464 = arith.index_cast %add3A_22 : i32 to index
      %swap3A_465 = arith.constant 496 : index
      %swap3A_466 = tpu.vector_load %arg8[%swap3A_464, %swap3A_465] {strides = array<i32>} : memref<32x1024xf32, #tpu.memory_space<vmem>>, vector<1x16xf32>,
      %swap3A_467 = vector.shape_cast %swap3A_466 : vector<1x16xf32> to vector<16xf32>
      %swap3A_468 = vector.shape_cast %add3A_463 : vector<16xf32> to vector<1x16xf32>
      tpu.vector_store %arg8[%swap3A_464, %swap3A_465], %swap3A_468 {strides = array<i32>} : memref<32x1024xf32, #tpu.memory_space<vmem>>, vector<1x16xf32>,
      %get3A_469 = arith.index_cast %add3A_22 : i32 to index
      %get3A_470 = arith.constant 512 : index
      %get3A_471 = tpu.vector_load %arg8[%get3A_469, %get3A_470] {strides = array<i32>} : memref<32x1024xf32, #tpu.memory_space<vmem>>, vector<1x16xf32>,
      %get3A_472 = vector.shape_cast %get3A_471 : vector<1x16xf32> to vector<16xf32>
      %get3A_473 = arith.index_cast %add3A_22 : i32 to index
      %get3A_474 = arith.constant 512 : index
      %get3A_475 = tpu.vector_load %arg9[%get3A_473, %get3A_474] {strides = array<i32>} : memref<32x1024xf32, #tpu.memory_space<vmem>>, vector<1x16xf32>,
      %get3A_476 = vector.shape_cast %get3A_475 : vector<1x16xf32> to vector<16xf32>
      %add3A_477 = arith.addf %get3A_472, %get3A_476 : vector<16xf32>
      %swap3A_478 = arith.index_cast %add3A_22 : i32 to index
      %swap3A_479 = arith.constant 512 : index
      %swap3A_480 = tpu.vector_load %arg8[%swap3A_478, %swap3A_479] {strides = array<i32>} : memref<32x1024xf32, #tpu.memory_space<vmem>>, vector<1x16xf32>,
      %swap3A_481 = vector.shape_cast %swap3A_480 : vector<1x16xf32> to vector<16xf32>
      %swap3A_482 = vector.shape_cast %add3A_477 : vector<16xf32> to vector<1x16xf32>
      tpu.vector_store %arg8[%swap3A_478, %swap3A_479], %swap3A_482 {strides = array<i32>} : memref<32x1024xf32, #tpu.memory_space<vmem>>, vector<1x16xf32>,
      %get3A_483 = arith.index_cast %add3A_22 : i32 to index
      %get3A_484 = arith.constant 528 : index
      %get3A_485 = tpu.vector_load %arg8[%get3A_483, %get3A_484] {strides = array<i32>} : memref<32x1024xf32, #tpu.memory_space<vmem>>, vector<1x16xf32>,
      %get3A_486 = vector.shape_cast %get3A_485 : vector<1x16xf32> to vector<16xf32>
      %get3A_487 = arith.index_cast %add3A_22 : i32 to index
      %get3A_488 = arith.constant 528 : index
      %get3A_489 = tpu.vector_load %arg9[%get3A_487, %get3A_488] {strides = array<i32>} : memref<32x1024xf32, #tpu.memory_space<vmem>>, vector<1x16xf32>,
      %get3A_490 = vector.shape_cast %get3A_489 : vector<1x16xf32> to vector<16xf32>
      %add3A_491 = arith.addf %get3A_486, %get3A_490 : vector<16xf32>
      %swap3A_492 = arith.index_cast %add3A_22 : i32 to index
      %swap3A_493 = arith.constant 528 : index
      %swap3A_494 = tpu.vector_load %arg8[%swap3A_492, %swap3A_493] {strides = array<i32>} : memref<32x1024xf32, #tpu.memory_space<vmem>>, vector<1x16xf32>,
      %swap3A_495 = vector.shape_cast %swap3A_494 : vector<1x16xf32> to vector<16xf32>
      %swap3A_496 = vector.shape_cast %add3A_491 : vector<16xf32> to vector<1x16xf32>
      tpu.vector_store %arg8[%swap3A_492, %swap3A_493], %swap3A_496 {strides = array<i32>} : memref<32x1024xf32, #tpu.memory_space<vmem>>, vector<1x16xf32>,
      %get3A_497 = arith.index_cast %add3A_22 : i32 to index
      %get3A_498 = arith.constant 544 : index
      %get3A_499 = tpu.vector_load %arg8[%get3A_497, %get3A_498] {strides = array<i32>} : memref<32x1024xf32, #tpu.memory_space<vmem>>, vector<1x16xf32>,
      %get3A_500 = vector.shape_cast %get3A_499 : vector<1x16xf32> to vector<16xf32>
      %get3A_501 = arith.index_cast %add3A_22 : i32 to index
      %get3A_502 = arith.constant 544 : index
      %get3A_503 = tpu.vector_load %arg9[%get3A_501, %get3A_502] {strides = array<i32>} : memref<32x1024xf32, #tpu.memory_space<vmem>>, vector<1x16xf32>,
      %get3A_504 = vector.shape_cast %get3A_503 : vector<1x16xf32> to vector<16xf32>
      %add3A_505 = arith.addf %get3A_500, %get3A_504 : vector<16xf32>
      %swap3A_506 = arith.index_cast %add3A_22 : i32 to index
      %swap3A_507 = arith.constant 544 : index
      %swap3A_508 = tpu.vector_load %arg8[%swap3A_506, %swap3A_507] {strides = array<i32>} : memref<32x1024xf32, #tpu.memory_space<vmem>>, vector<1x16xf32>,
      %swap3A_509 = vector.shape_cast %swap3A_508 : vector<1x16xf32> to vector<16xf32>
      %swap3A_510 = vector.shape_cast %add3A_505 : vector<16xf32> to vector<1x16xf32>
      tpu.vector_store %arg8[%swap3A_506, %swap3A_507], %swap3A_510 {strides = array<i32>} : memref<32x1024xf32, #tpu.memory_space<vmem>>, vector<1x16xf32>,
      %get3A_511 = arith.index_cast %add3A_22 : i32 to index
      %get3A_512 = arith.constant 560 : index
      %get3A_513 = tpu.vector_load %arg8[%get3A_511, %get3A_512] {strides = array<i32>} : memref<32x1024xf32, #tpu.memory_space<vmem>>, vector<1x16xf32>,
      %get3A_514 = vector.shape_cast %get3A_513 : vector<1x16xf32> to vector<16xf32>
      %get3A_515 = arith.index_cast %add3A_22 : i32 to index
      %get3A_516 = arith.constant 560 : index
      %get3A_517 = tpu.vector_load %arg9[%get3A_515, %get3A_516] {strides = array<i32>} : memref<32x1024xf32, #tpu.memory_space<vmem>>, vector<1x16xf32>,
      %get3A_518 = vector.shape_cast %get3A_517 : vector<1x16xf32> to vector<16xf32>
      %add3A_519 = arith.addf %get3A_514, %get3A_518 : vector<16xf32>
      %swap3A_520 = arith.index_cast %add3A_22 : i32 to index
      %swap3A_521 = arith.constant 560 : index
      %swap3A_522 = tpu.vector_load %arg8[%swap3A_520, %swap3A_521] {strides = array<i32>} : memref<32x1024xf32, #tpu.memory_space<vmem>>, vector<1x16xf32>,
      %swap3A_523 = vector.shape_cast %swap3A_522 : vector<1x16xf32> to vector<16xf32>
      %swap3A_524 = vector.shape_cast %add3A_519 : vector<16xf32> to vector<1x16xf32>
      tpu.vector_store %arg8[%swap3A_520, %swap3A_521], %swap3A_524 {strides = array<i32>} : memref<32x1024xf32, #tpu.memory_space<vmem>>, vector<1x16xf32>,
      %get3A_525 = arith.index_cast %add3A_22 : i32 to index
      %get3A_526 = arith.constant 576 : index
      %get3A_527 = tpu.vector_load %arg8[%get3A_525, %get3A_526] {strides = array<i32>} : memref<32x1024xf32, #tpu.memory_space<vmem>>, vector<1x16xf32>,
      %get3A_528 = vector.shape_cast %get3A_527 : vector<1x16xf32> to vector<16xf32>
      %get3A_529 = arith.index_cast %add3A_22 : i32 to index
      %get3A_530 = arith.constant 576 : index
      %get3A_531 = tpu.vector_load %arg9[%get3A_529, %get3A_530] {strides = array<i32>} : memref<32x1024xf32, #tpu.memory_space<vmem>>, vector<1x16xf32>,
      %get3A_532 = vector.shape_cast %get3A_531 : vector<1x16xf32> to vector<16xf32>
      %add3A_533 = arith.addf %get3A_528, %get3A_532 : vector<16xf32>
      %swap3A_534 = arith.index_cast %add3A_22 : i32 to index
      %swap3A_535 = arith.constant 576 : index
      %swap3A_536 = tpu.vector_load %arg8[%swap3A_534, %swap3A_535] {strides = array<i32>} : memref<32x1024xf32, #tpu.memory_space<vmem>>, vector<1x16xf32>,
      %swap3A_537 = vector.shape_cast %swap3A_536 : vector<1x16xf32> to vector<16xf32>
      %swap3A_538 = vector.shape_cast %add3A_533 : vector<16xf32> to vector<1x16xf32>
      tpu.vector_store %arg8[%swap3A_534, %swap3A_535], %swap3A_538 {strides = array<i32>} : memref<32x1024xf32, #tpu.memory_space<vmem>>, vector<1x16xf32>,
      %get3A_539 = arith.index_cast %add3A_22 : i32 to index
      %get3A_540 = arith.constant 592 : index
      %get3A_541 = tpu.vector_load %arg8[%get3A_539, %get3A_540] {strides = array<i32>} : memref<32x1024xf32, #tpu.memory_space<vmem>>, vector<1x16xf32>,
      %get3A_542 = vector.shape_cast %get3A_541 : vector<1x16xf32> to vector<16xf32>
      %get3A_543 = arith.index_cast %add3A_22 : i32 to index
      %get3A_544 = arith.constant 592 : index
      %get3A_545 = tpu.vector_load %arg9[%get3A_543, %get3A_544] {strides = array<i32>} : memref<32x1024xf32, #tpu.memory_space<vmem>>, vector<1x16xf32>,
      %get3A_546 = vector.shape_cast %get3A_545 : vector<1x16xf32> to vector<16xf32>
      %add3A_547 = arith.addf %get3A_542, %get3A_546 : vector<16xf32>
      %swap3A_548 = arith.index_cast %add3A_22 : i32 to index
      %swap3A_549 = arith.constant 592 : index
      %swap3A_550 = tpu.vector_load %arg8[%swap3A_548, %swap3A_549] {strides = array<i32>} : memref<32x1024xf32, #tpu.memory_space<vmem>>, vector<1x16xf32>,
      %swap3A_551 = vector.shape_cast %swap3A_550 : vector<1x16xf32> to vector<16xf32>
      %swap3A_552 = vector.shape_cast %add3A_547 : vector<16xf32> to vector<1x16xf32>
      tpu.vector_store %arg8[%swap3A_548, %swap3A_549], %swap3A_552 {strides = array<i32>} : memref<32x1024xf32, #tpu.memory_space<vmem>>, vector<1x16xf32>,
      %get3A_553 = arith.index_cast %add3A_22 : i32 to index
      %get3A_554 = arith.constant 608 : index
      %get3A_555 = tpu.vector_load %arg8[%get3A_553, %get3A_554] {strides = array<i32>} : memref<32x1024xf32, #tpu.memory_space<vmem>>, vector<1x16xf32>,
      %get3A_556 = vector.shape_cast %get3A_555 : vector<1x16xf32> to vector<16xf32>
      %get3A_557 = arith.index_cast %add3A_22 : i32 to index
      %get3A_558 = arith.constant 608 : index
      %get3A_559 = tpu.vector_load %arg9[%get3A_557, %get3A_558] {strides = array<i32>} : memref<32x1024xf32, #tpu.memory_space<vmem>>, vector<1x16xf32>,
      %get3A_560 = vector.shape_cast %get3A_559 : vector<1x16xf32> to vector<16xf32>
      %add3A_561 = arith.addf %get3A_556, %get3A_560 : vector<16xf32>
      %swap3A_562 = arith.index_cast %add3A_22 : i32 to index
      %swap3A_563 = arith.constant 608 : index
      %swap3A_564 = tpu.vector_load %arg8[%swap3A_562, %swap3A_563] {strides = array<i32>} : memref<32x1024xf32, #tpu.memory_space<vmem>>, vector<1x16xf32>,
      %swap3A_565 = vector.shape_cast %swap3A_564 : vector<1x16xf32> to vector<16xf32>
      %swap3A_566 = vector.shape_cast %add3A_561 : vector<16xf32> to vector<1x16xf32>
      tpu.vector_store %arg8[%swap3A_562, %swap3A_563], %swap3A_566 {strides = array<i32>} : memref<32x1024xf32, #tpu.memory_space<vmem>>, vector<1x16xf32>,
      %get3A_567 = arith.index_cast %add3A_22 : i32 to index
      %get3A_568 = arith.constant 624 : index
      %get3A_569 = tpu.vector_load %arg8[%get3A_567, %get3A_568] {strides = array<i32>} : memref<32x1024xf32, #tpu.memory_space<vmem>>, vector<1x16xf32>,
      %get3A_570 = vector.shape_cast %get3A_569 : vector<1x16xf32> to vector<16xf32>
      %get3A_571 = arith.index_cast %add3A_22 : i32 to index
      %get3A_572 = arith.constant 624 : index
      %get3A_573 = tpu.vector_load %arg9[%get3A_571, %get3A_572] {strides = array<i32>} : memref<32x1024xf32, #tpu.memory_space<vmem>>, vector<1x16xf32>,
      %get3A_574 = vector.shape_cast %get3A_573 : vector<1x16xf32> to vector<16xf32>
      %add3A_575 = arith.addf %get3A_570, %get3A_574 : vector<16xf32>
      %swap3A_576 = arith.index_cast %add3A_22 : i32 to index
      %swap3A_577 = arith.constant 624 : index
      %swap3A_578 = tpu.vector_load %arg8[%swap3A_576, %swap3A_577] {strides = array<i32>} : memref<32x1024xf32, #tpu.memory_space<vmem>>, vector<1x16xf32>,
      %swap3A_579 = vector.shape_cast %swap3A_578 : vector<1x16xf32> to vector<16xf32>
      %swap3A_580 = vector.shape_cast %add3A_575 : vector<16xf32> to vector<1x16xf32>
      tpu.vector_store %arg8[%swap3A_576, %swap3A_577], %swap3A_580 {strides = array<i32>} : memref<32x1024xf32, #tpu.memory_space<vmem>>, vector<1x16xf32>,
      %get3A_581 = arith.index_cast %add3A_22 : i32 to index
      %get3A_582 = arith.constant 640 : index
      %get3A_583 = tpu.vector_load %arg8[%get3A_581, %get3A_582] {strides = array<i32>} : memref<32x1024xf32, #tpu.memory_space<vmem>>, vector<1x16xf32>,
      %get3A_584 = vector.shape_cast %get3A_583 : vector<1x16xf32> to vector<16xf32>
      %get3A_585 = arith.index_cast %add3A_22 : i32 to index
      %get3A_586 = arith.constant 640 : index
      %get3A_587 = tpu.vector_load %arg9[%get3A_585, %get3A_586] {strides = array<i32>} : memref<32x1024xf32, #tpu.memory_space<vmem>>, vector<1x16xf32>,
      %get3A_588 = vector.shape_cast %get3A_587 : vector<1x16xf32> to vector<16xf32>
      %add3A_589 = arith.addf %get3A_584, %get3A_588 : vector<16xf32>
      %swap3A_590 = arith.index_cast %add3A_22 : i32 to index
      %swap3A_591 = arith.constant 640 : index
      %swap3A_592 = tpu.vector_load %arg8[%swap3A_590, %swap3A_591] {strides = array<i32>} : memref<32x1024xf32, #tpu.memory_space<vmem>>, vector<1x16xf32>,
      %swap3A_593 = vector.shape_cast %swap3A_592 : vector<1x16xf32> to vector<16xf32>
      %swap3A_594 = vector.shape_cast %add3A_589 : vector<16xf32> to vector<1x16xf32>
      tpu.vector_store %arg8[%swap3A_590, %swap3A_591], %swap3A_594 {strides = array<i32>} : memref<32x1024xf32, #tpu.memory_space<vmem>>, vector<1x16xf32>,
      %get3A_595 = arith.index_cast %add3A_22 : i32 to index
      %get3A_596 = arith.constant 656 : index
      %get3A_597 = tpu.vector_load %arg8[%get3A_595, %get3A_596] {strides = array<i32>} : memref<32x1024xf32, #tpu.memory_space<vmem>>, vector<1x16xf32>,
      %get3A_598 = vector.shape_cast %get3A_597 : vector<1x16xf32> to vector<16xf32>
      %get3A_599 = arith.index_cast %add3A_22 : i32 to index
      %get3A_600 = arith.constant 656 : index
      %get3A_601 = tpu.vector_load %arg9[%get3A_599, %get3A_600] {strides = array<i32>} : memref<32x1024xf32, #tpu.memory_space<vmem>>, vector<1x16xf32>,
      %get3A_602 = vector.shape_cast %get3A_601 : vector<1x16xf32> to vector<16xf32>
      %add3A_603 = arith.addf %get3A_598, %get3A_602 : vector<16xf32>
      %swap3A_604 = arith.index_cast %add3A_22 : i32 to index
      %swap3A_605 = arith.constant 656 : index
      %swap3A_606 = tpu.vector_load %arg8[%swap3A_604, %swap3A_605] {strides = array<i32>} : memref<32x1024xf32, #tpu.memory_space<vmem>>, vector<1x16xf32>,
      %swap3A_607 = vector.shape_cast %swap3A_606 : vector<1x16xf32> to vector<16xf32>
      %swap3A_608 = vector.shape_cast %add3A_603 : vector<16xf32> to vector<1x16xf32>
      tpu.vector_store %arg8[%swap3A_604, %swap3A_605], %swap3A_608 {strides = array<i32>} : memref<32x1024xf32, #tpu.memory_space<vmem>>, vector<1x16xf32>,
      %get3A_609 = arith.index_cast %add3A_22 : i32 to index
      %get3A_610 = arith.constant 672 : index
      %get3A_611 = tpu.vector_load %arg8[%get3A_609, %get3A_610] {strides = array<i32>} : memref<32x1024xf32, #tpu.memory_space<vmem>>, vector<1x16xf32>,
      %get3A_612 = vector.shape_cast %get3A_611 : vector<1x16xf32> to vector<16xf32>
      %get3A_613 = arith.index_cast %add3A_22 : i32 to index
      %get3A_614 = arith.constant 672 : index
      %get3A_615 = tpu.vector_load %arg9[%get3A_613, %get3A_614] {strides = array<i32>} : memref<32x1024xf32, #tpu.memory_space<vmem>>, vector<1x16xf32>,
      %get3A_616 = vector.shape_cast %get3A_615 : vector<1x16xf32> to vector<16xf32>
      %add3A_617 = arith.addf %get3A_612, %get3A_616 : vector<16xf32>
      %swap3A_618 = arith.index_cast %add3A_22 : i32 to index
      %swap3A_619 = arith.constant 672 : index
      %swap3A_620 = tpu.vector_load %arg8[%swap3A_618, %swap3A_619] {strides = array<i32>} : memref<32x1024xf32, #tpu.memory_space<vmem>>, vector<1x16xf32>,
      %swap3A_621 = vector.shape_cast %swap3A_620 : vector<1x16xf32> to vector<16xf32>
      %swap3A_622 = vector.shape_cast %add3A_617 : vector<16xf32> to vector<1x16xf32>
      tpu.vector_store %arg8[%swap3A_618, %swap3A_619], %swap3A_622 {strides = array<i32>} : memref<32x1024xf32, #tpu.memory_space<vmem>>, vector<1x16xf32>,
      %get3A_623 = arith.index_cast %add3A_22 : i32 to index
      %get3A_624 = arith.constant 688 : index
      %get3A_625 = tpu.vector_load %arg8[%get3A_623, %get3A_624] {strides = array<i32>} : memref<32x1024xf32, #tpu.memory_space<vmem>>, vector<1x16xf32>,
      %get3A_626 = vector.shape_cast %get3A_625 : vector<1x16xf32> to vector<16xf32>
      %get3A_627 = arith.index_cast %add3A_22 : i32 to index
      %get3A_628 = arith.constant 688 : index
      %get3A_629 = tpu.vector_load %arg9[%get3A_627, %get3A_628] {strides = array<i32>} : memref<32x1024xf32, #tpu.memory_space<vmem>>, vector<1x16xf32>,
      %get3A_630 = vector.shape_cast %get3A_629 : vector<1x16xf32> to vector<16xf32>
      %add3A_631 = arith.addf %get3A_626, %get3A_630 : vector<16xf32>
      %swap3A_632 = arith.index_cast %add3A_22 : i32 to index
      %swap3A_633 = arith.constant 688 : index
      %swap3A_634 = tpu.vector_load %arg8[%swap3A_632, %swap3A_633] {strides = array<i32>} : memref<32x1024xf32, #tpu.memory_space<vmem>>, vector<1x16xf32>,
      %swap3A_635 = vector.shape_cast %swap3A_634 : vector<1x16xf32> to vector<16xf32>
      %swap3A_636 = vector.shape_cast %add3A_631 : vector<16xf32> to vector<1x16xf32>
      tpu.vector_store %arg8[%swap3A_632, %swap3A_633], %swap3A_636 {strides = array<i32>} : memref<32x1024xf32, #tpu.memory_space<vmem>>, vector<1x16xf32>,
      %get3A_637 = arith.index_cast %add3A_22 : i32 to index
      %get3A_638 = arith.constant 704 : index
      %get3A_639 = tpu.vector_load %arg8[%get3A_637, %get3A_638] {strides = array<i32>} : memref<32x1024xf32, #tpu.memory_space<vmem>>, vector<1x16xf32>,
      %get3A_640 = vector.shape_cast %get3A_639 : vector<1x16xf32> to vector<16xf32>
      %get3A_641 = arith.index_cast %add3A_22 : i32 to index
      %get3A_642 = arith.constant 704 : index
      %get3A_643 = tpu.vector_load %arg9[%get3A_641, %get3A_642] {strides = array<i32>} : memref<32x1024xf32, #tpu.memory_space<vmem>>, vector<1x16xf32>,
      %get3A_644 = vector.shape_cast %get3A_643 : vector<1x16xf32> to vector<16xf32>
      %add3A_645 = arith.addf %get3A_640, %get3A_644 : vector<16xf32>
      %swap3A_646 = arith.index_cast %add3A_22 : i32 to index
      %swap3A_647 = arith.constant 704 : index
      %swap3A_648 = tpu.vector_load %arg8[%swap3A_646, %swap3A_647] {strides = array<i32>} : memref<32x1024xf32, #tpu.memory_space<vmem>>, vector<1x16xf32>,
      %swap3A_649 = vector.shape_cast %swap3A_648 : vector<1x16xf32> to vector<16xf32>
      %swap3A_650 = vector.shape_cast %add3A_645 : vector<16xf32> to vector<1x16xf32>
      tpu.vector_store %arg8[%swap3A_646, %swap3A_647], %swap3A_650 {strides = array<i32>} : memref<32x1024xf32, #tpu.memory_space<vmem>>, vector<1x16xf32>,
      %get3A_651 = arith.index_cast %add3A_22 : i32 to index
      %get3A_652 = arith.constant 720 : index
      %get3A_653 = tpu.vector_load %arg8[%get3A_651, %get3A_652] {strides = array<i32>} : memref<32x1024xf32, #tpu.memory_space<vmem>>, vector<1x16xf32>,
      %get3A_654 = vector.shape_cast %get3A_653 : vector<1x16xf32> to vector<16xf32>
      %get3A_655 = arith.index_cast %add3A_22 : i32 to index
      %get3A_656 = arith.constant 720 : index
      %get3A_657 = tpu.vector_load %arg9[%get3A_655, %get3A_656] {strides = array<i32>} : memref<32x1024xf32, #tpu.memory_space<vmem>>, vector<1x16xf32>,
      %get3A_658 = vector.shape_cast %get3A_657 : vector<1x16xf32> to vector<16xf32>
      %add3A_659 = arith.addf %get3A_654, %get3A_658 : vector<16xf32>
      %swap3A_660 = arith.index_cast %add3A_22 : i32 to index
      %swap3A_661 = arith.constant 720 : index
      %swap3A_662 = tpu.vector_load %arg8[%swap3A_660, %swap3A_661] {strides = array<i32>} : memref<32x1024xf32, #tpu.memory_space<vmem>>, vector<1x16xf32>,
      %swap3A_663 = vector.shape_cast %swap3A_662 : vector<1x16xf32> to vector<16xf32>
      %swap3A_664 = vector.shape_cast %add3A_659 : vector<16xf32> to vector<1x16xf32>
      tpu.vector_store %arg8[%swap3A_660, %swap3A_661], %swap3A_664 {strides = array<i32>} : memref<32x1024xf32, #tpu.memory_space<vmem>>, vector<1x16xf32>,
      %get3A_665 = arith.index_cast %add3A_22 : i32 to index
      %get3A_666 = arith.constant 736 : index
      %get3A_667 = tpu.vector_load %arg8[%get3A_665, %get3A_666] {strides = array<i32>} : memref<32x1024xf32, #tpu.memory_space<vmem>>, vector<1x16xf32>,
      %get3A_668 = vector.shape_cast %get3A_667 : vector<1x16xf32> to vector<16xf32>
      %get3A_669 = arith.index_cast %add3A_22 : i32 to index
      %get3A_670 = arith.constant 736 : index
      %get3A_671 = tpu.vector_load %arg9[%get3A_669, %get3A_670] {strides = array<i32>} : memref<32x1024xf32, #tpu.memory_space<vmem>>, vector<1x16xf32>,
      %get3A_672 = vector.shape_cast %get3A_671 : vector<1x16xf32> to vector<16xf32>
      %add3A_673 = arith.addf %get3A_668, %get3A_672 : vector<16xf32>
      %swap3A_674 = arith.index_cast %add3A_22 : i32 to index
      %swap3A_675 = arith.constant 736 : index
      %swap3A_676 = tpu.vector_load %arg8[%swap3A_674, %swap3A_675] {strides = array<i32>} : memref<32x1024xf32, #tpu.memory_space<vmem>>, vector<1x16xf32>,
      %swap3A_677 = vector.shape_cast %swap3A_676 : vector<1x16xf32> to vector<16xf32>
      %swap3A_678 = vector.shape_cast %add3A_673 : vector<16xf32> to vector<1x16xf32>
      tpu.vector_store %arg8[%swap3A_674, %swap3A_675], %swap3A_678 {strides = array<i32>} : memref<32x1024xf32, #tpu.memory_space<vmem>>, vector<1x16xf32>,
      %get3A_679 = arith.index_cast %add3A_22 : i32 to index
      %get3A_680 = arith.constant 752 : index
      %get3A_681 = tpu.vector_load %arg8[%get3A_679, %get3A_680] {strides = array<i32>} : memref<32x1024xf32, #tpu.memory_space<vmem>>, vector<1x16xf32>,
      %get3A_682 = vector.shape_cast %get3A_681 : vector<1x16xf32> to vector<16xf32>
      %get3A_683 = arith.index_cast %add3A_22 : i32 to index
      %get3A_684 = arith.constant 752 : index
      %get3A_685 = tpu.vector_load %arg9[%get3A_683, %get3A_684] {strides = array<i32>} : memref<32x1024xf32, #tpu.memory_space<vmem>>, vector<1x16xf32>,
      %get3A_686 = vector.shape_cast %get3A_685 : vector<1x16xf32> to vector<16xf32>
      %add3A_687 = arith.addf %get3A_682, %get3A_686 : vector<16xf32>
      %swap3A_688 = arith.index_cast %add3A_22 : i32 to index
      %swap3A_689 = arith.constant 752 : index
      %swap3A_690 = tpu.vector_load %arg8[%swap3A_688, %swap3A_689] {strides = array<i32>} : memref<32x1024xf32, #tpu.memory_space<vmem>>, vector<1x16xf32>,
      %swap3A_691 = vector.shape_cast %swap3A_690 : vector<1x16xf32> to vector<16xf32>
      %swap3A_692 = vector.shape_cast %add3A_687 : vector<16xf32> to vector<1x16xf32>
      tpu.vector_store %arg8[%swap3A_688, %swap3A_689], %swap3A_692 {strides = array<i32>} : memref<32x1024xf32, #tpu.memory_space<vmem>>, vector<1x16xf32>,
      %get3A_693 = arith.index_cast %add3A_22 : i32 to index
      %get3A_694 = arith.constant 768 : index
      %get3A_695 = tpu.vector_load %arg8[%get3A_693, %get3A_694] {strides = array<i32>} : memref<32x1024xf32, #tpu.memory_space<vmem>>, vector<1x16xf32>,
      %get3A_696 = vector.shape_cast %get3A_695 : vector<1x16xf32> to vector<16xf32>
      %get3A_697 = arith.index_cast %add3A_22 : i32 to index
      %get3A_698 = arith.constant 768 : index
      %get3A_699 = tpu.vector_load %arg9[%get3A_697, %get3A_698] {strides = array<i32>} : memref<32x1024xf32, #tpu.memory_space<vmem>>, vector<1x16xf32>,
      %get3A_700 = vector.shape_cast %get3A_699 : vector<1x16xf32> to vector<16xf32>
      %add3A_701 = arith.addf %get3A_696, %get3A_700 : vector<16xf32>
      %swap3A_702 = arith.index_cast %add3A_22 : i32 to index
      %swap3A_703 = arith.constant 768 : index
      %swap3A_704 = tpu.vector_load %arg8[%swap3A_702, %swap3A_703] {strides = array<i32>} : memref<32x1024xf32, #tpu.memory_space<vmem>>, vector<1x16xf32>,
      %swap3A_705 = vector.shape_cast %swap3A_704 : vector<1x16xf32> to vector<16xf32>
      %swap3A_706 = vector.shape_cast %add3A_701 : vector<16xf32> to vector<1x16xf32>
      tpu.vector_store %arg8[%swap3A_702, %swap3A_703], %swap3A_706 {strides = array<i32>} : memref<32x1024xf32, #tpu.memory_space<vmem>>, vector<1x16xf32>,
      %get3A_707 = arith.index_cast %add3A_22 : i32 to index
      %get3A_708 = arith.constant 784 : index
      %get3A_709 = tpu.vector_load %arg8[%get3A_707, %get3A_708] {strides = array<i32>} : memref<32x1024xf32, #tpu.memory_space<vmem>>, vector<1x16xf32>,
      %get3A_710 = vector.shape_cast %get3A_709 : vector<1x16xf32> to vector<16xf32>
      %get3A_711 = arith.index_cast %add3A_22 : i32 to index
      %get3A_712 = arith.constant 784 : index
      %get3A_713 = tpu.vector_load %arg9[%get3A_711, %get3A_712] {strides = array<i32>} : memref<32x1024xf32, #tpu.memory_space<vmem>>, vector<1x16xf32>,
      %get3A_714 = vector.shape_cast %get3A_713 : vector<1x16xf32> to vector<16xf32>
      %add3A_715 = arith.addf %get3A_710, %get3A_714 : vector<16xf32>
      %swap3A_716 = arith.index_cast %add3A_22 : i32 to index
      %swap3A_717 = arith.constant 784 : index
      %swap3A_718 = tpu.vector_load %arg8[%swap3A_716, %swap3A_717] {strides = array<i32>} : memref<32x1024xf32, #tpu.memory_space<vmem>>, vector<1x16xf32>,
      %swap3A_719 = vector.shape_cast %swap3A_718 : vector<1x16xf32> to vector<16xf32>
      %swap3A_720 = vector.shape_cast %add3A_715 : vector<16xf32> to vector<1x16xf32>
      tpu.vector_store %arg8[%swap3A_716, %swap3A_717], %swap3A_720 {strides = array<i32>} : memref<32x1024xf32, #tpu.memory_space<vmem>>, vector<1x16xf32>,
      %get3A_721 = arith.index_cast %add3A_22 : i32 to index
      %get3A_722 = arith.constant 800 : index
      %get3A_723 = tpu.vector_load %arg8[%get3A_721, %get3A_722] {strides = array<i32>} : memref<32x1024xf32, #tpu.memory_space<vmem>>, vector<1x16xf32>,
      %get3A_724 = vector.shape_cast %get3A_723 : vector<1x16xf32> to vector<16xf32>
      %get3A_725 = arith.index_cast %add3A_22 : i32 to index
      %get3A_726 = arith.constant 800 : index
      %get3A_727 = tpu.vector_load %arg9[%get3A_725, %get3A_726] {strides = array<i32>} : memref<32x1024xf32, #tpu.memory_space<vmem>>, vector<1x16xf32>,
      %get3A_728 = vector.shape_cast %get3A_727 : vector<1x16xf32> to vector<16xf32>
      %add3A_729 = arith.addf %get3A_724, %get3A_728 : vector<16xf32>
      %swap3A_730 = arith.index_cast %add3A_22 : i32 to index
      %swap3A_731 = arith.constant 800 : index
      %swap3A_732 = tpu.vector_load %arg8[%swap3A_730, %swap3A_731] {strides = array<i32>} : memref<32x1024xf32, #tpu.memory_space<vmem>>, vector<1x16xf32>,
      %swap3A_733 = vector.shape_cast %swap3A_732 : vector<1x16xf32> to vector<16xf32>
      %swap3A_734 = vector.shape_cast %add3A_729 : vector<16xf32> to vector<1x16xf32>
      tpu.vector_store %arg8[%swap3A_730, %swap3A_731], %swap3A_734 {strides = array<i32>} : memref<32x1024xf32, #tpu.memory_space<vmem>>, vector<1x16xf32>,
      %get3A_735 = arith.index_cast %add3A_22 : i32 to index
      %get3A_736 = arith.constant 816 : index
      %get3A_737 = tpu.vector_load %arg8[%get3A_735, %get3A_736] {strides = array<i32>} : memref<32x1024xf32, #tpu.memory_space<vmem>>, vector<1x16xf32>,
      %get3A_738 = vector.shape_cast %get3A_737 : vector<1x16xf32> to vector<16xf32>
      %get3A_739 = arith.index_cast %add3A_22 : i32 to index
      %get3A_740 = arith.constant 816 : index
      %get3A_741 = tpu.vector_load %arg9[%get3A_739, %get3A_740] {strides = array<i32>} : memref<32x1024xf32, #tpu.memory_space<vmem>>, vector<1x16xf32>,
      %get3A_742 = vector.shape_cast %get3A_741 : vector<1x16xf32> to vector<16xf32>
      %add3A_743 = arith.addf %get3A_738, %get3A_742 : vector<16xf32>
      %swap3A_744 = arith.index_cast %add3A_22 : i32 to index
      %swap3A_745 = arith.constant 816 : index
      %swap3A_746 = tpu.vector_load %arg8[%swap3A_744, %swap3A_745] {strides = array<i32>} : memref<32x1024xf32, #tpu.memory_space<vmem>>, vector<1x16xf32>,
      %swap3A_747 = vector.shape_cast %swap3A_746 : vector<1x16xf32> to vector<16xf32>
      %swap3A_748 = vector.shape_cast %add3A_743 : vector<16xf32> to vector<1x16xf32>
      tpu.vector_store %arg8[%swap3A_744, %swap3A_745], %swap3A_748 {strides = array<i32>} : memref<32x1024xf32, #tpu.memory_space<vmem>>, vector<1x16xf32>,
      %get3A_749 = arith.index_cast %add3A_22 : i32 to index
      %get3A_750 = arith.constant 832 : index
      %get3A_751 = tpu.vector_load %arg8[%get3A_749, %get3A_750] {strides = array<i32>} : memref<32x1024xf32, #tpu.memory_space<vmem>>, vector<1x16xf32>,
      %get3A_752 = vector.shape_cast %get3A_751 : vector<1x16xf32> to vector<16xf32>
      %get3A_753 = arith.index_cast %add3A_22 : i32 to index
      %get3A_754 = arith.constant 832 : index
      %get3A_755 = tpu.vector_load %arg9[%get3A_753, %get3A_754] {strides = array<i32>} : memref<32x1024xf32, #tpu.memory_space<vmem>>, vector<1x16xf32>,
      %get3A_756 = vector.shape_cast %get3A_755 : vector<1x16xf32> to vector<16xf32>
      %add3A_757 = arith.addf %get3A_752, %get3A_756 : vector<16xf32>
      %swap3A_758 = arith.index_cast %add3A_22 : i32 to index
      %swap3A_759 = arith.constant 832 : index
      %swap3A_760 = tpu.vector_load %arg8[%swap3A_758, %swap3A_759] {strides = array<i32>} : memref<32x1024xf32, #tpu.memory_space<vmem>>, vector<1x16xf32>,
      %swap3A_761 = vector.shape_cast %swap3A_760 : vector<1x16xf32> to vector<16xf32>
      %swap3A_762 = vector.shape_cast %add3A_757 : vector<16xf32> to vector<1x16xf32>
      tpu.vector_store %arg8[%swap3A_758, %swap3A_759], %swap3A_762 {strides = array<i32>} : memref<32x1024xf32, #tpu.memory_space<vmem>>, vector<1x16xf32>,
      %get3A_763 = arith.index_cast %add3A_22 : i32 to index
      %get3A_764 = arith.constant 848 : index
      %get3A_765 = tpu.vector_load %arg8[%get3A_763, %get3A_764] {strides = array<i32>} : memref<32x1024xf32, #tpu.memory_space<vmem>>, vector<1x16xf32>,
      %get3A_766 = vector.shape_cast %get3A_765 : vector<1x16xf32> to vector<16xf32>
      %get3A_767 = arith.index_cast %add3A_22 : i32 to index
      %get3A_768 = arith.constant 848 : index
      %get3A_769 = tpu.vector_load %arg9[%get3A_767, %get3A_768] {strides = array<i32>} : memref<32x1024xf32, #tpu.memory_space<vmem>>, vector<1x16xf32>,
      %get3A_770 = vector.shape_cast %get3A_769 : vector<1x16xf32> to vector<16xf32>
      %add3A_771 = arith.addf %get3A_766, %get3A_770 : vector<16xf32>
      %swap3A_772 = arith.index_cast %add3A_22 : i32 to index
      %swap3A_773 = arith.constant 848 : index
      %swap3A_774 = tpu.vector_load %arg8[%swap3A_772, %swap3A_773] {strides = array<i32>} : memref<32x1024xf32, #tpu.memory_space<vmem>>, vector<1x16xf32>,
      %swap3A_775 = vector.shape_cast %swap3A_774 : vector<1x16xf32> to vector<16xf32>
      %swap3A_776 = vector.shape_cast %add3A_771 : vector<16xf32> to vector<1x16xf32>
      tpu.vector_store %arg8[%swap3A_772, %swap3A_773], %swap3A_776 {strides = array<i32>} : memref<32x1024xf32, #tpu.memory_space<vmem>>, vector<1x16xf32>,
      %get3A_777 = arith.index_cast %add3A_22 : i32 to index
      %get3A_778 = arith.constant 864 : index
      %get3A_779 = tpu.vector_load %arg8[%get3A_777, %get3A_778] {strides = array<i32>} : memref<32x1024xf32, #tpu.memory_space<vmem>>, vector<1x16xf32>,
      %get3A_780 = vector.shape_cast %get3A_779 : vector<1x16xf32> to vector<16xf32>
      %get3A_781 = arith.index_cast %add3A_22 : i32 to index
      %get3A_782 = arith.constant 864 : index
      %get3A_783 = tpu.vector_load %arg9[%get3A_781, %get3A_782] {strides = array<i32>} : memref<32x1024xf32, #tpu.memory_space<vmem>>, vector<1x16xf32>,
      %get3A_784 = vector.shape_cast %get3A_783 : vector<1x16xf32> to vector<16xf32>
      %add3A_785 = arith.addf %get3A_780, %get3A_784 : vector<16xf32>
      %swap3A_786 = arith.index_cast %add3A_22 : i32 to index
      %swap3A_787 = arith.constant 864 : index
      %swap3A_788 = tpu.vector_load %arg8[%swap3A_786, %swap3A_787] {strides = array<i32>} : memref<32x1024xf32, #tpu.memory_space<vmem>>, vector<1x16xf32>,
      %swap3A_789 = vector.shape_cast %swap3A_788 : vector<1x16xf32> to vector<16xf32>
      %swap3A_790 = vector.shape_cast %add3A_785 : vector<16xf32> to vector<1x16xf32>
      tpu.vector_store %arg8[%swap3A_786, %swap3A_787], %swap3A_790 {strides = array<i32>} : memref<32x1024xf32, #tpu.memory_space<vmem>>, vector<1x16xf32>,
      %get3A_791 = arith.index_cast %add3A_22 : i32 to index
      %get3A_792 = arith.constant 880 : index
      %get3A_793 = tpu.vector_load %arg8[%get3A_791, %get3A_792] {strides = array<i32>} : memref<32x1024xf32, #tpu.memory_space<vmem>>, vector<1x16xf32>,
      %get3A_794 = vector.shape_cast %get3A_793 : vector<1x16xf32> to vector<16xf32>
      %get3A_795 = arith.index_cast %add3A_22 : i32 to index
      %get3A_796 = arith.constant 880 : index
      %get3A_797 = tpu.vector_load %arg9[%get3A_795, %get3A_796] {strides = array<i32>} : memref<32x1024xf32, #tpu.memory_space<vmem>>, vector<1x16xf32>,
      %get3A_798 = vector.shape_cast %get3A_797 : vector<1x16xf32> to vector<16xf32>
      %add3A_799 = arith.addf %get3A_794, %get3A_798 : vector<16xf32>
      %swap3A_800 = arith.index_cast %add3A_22 : i32 to index
      %swap3A_801 = arith.constant 880 : index
      %swap3A_802 = tpu.vector_load %arg8[%swap3A_800, %swap3A_801] {strides = array<i32>} : memref<32x1024xf32, #tpu.memory_space<vmem>>, vector<1x16xf32>,
      %swap3A_803 = vector.shape_cast %swap3A_802 : vector<1x16xf32> to vector<16xf32>
      %swap3A_804 = vector.shape_cast %add3A_799 : vector<16xf32> to vector<1x16xf32>
      tpu.vector_store %arg8[%swap3A_800, %swap3A_801], %swap3A_804 {strides = array<i32>} : memref<32x1024xf32, #tpu.memory_space<vmem>>, vector<1x16xf32>,
      %get3A_805 = arith.index_cast %add3A_22 : i32 to index
      %get3A_806 = arith.constant 896 : index
      %get3A_807 = tpu.vector_load %arg8[%get3A_805, %get3A_806] {strides = array<i32>} : memref<32x1024xf32, #tpu.memory_space<vmem>>, vector<1x16xf32>,
      %get3A_808 = vector.shape_cast %get3A_807 : vector<1x16xf32> to vector<16xf32>
      %get3A_809 = arith.index_cast %add3A_22 : i32 to index
      %get3A_810 = arith.constant 896 : index
      %get3A_811 = tpu.vector_load %arg9[%get3A_809, %get3A_810] {strides = array<i32>} : memref<32x1024xf32, #tpu.memory_space<vmem>>, vector<1x16xf32>,
      %get3A_812 = vector.shape_cast %get3A_811 : vector<1x16xf32> to vector<16xf32>
      %add3A_813 = arith.addf %get3A_808, %get3A_812 : vector<16xf32>
      %swap3A_814 = arith.index_cast %add3A_22 : i32 to index
      %swap3A_815 = arith.constant 896 : index
      %swap3A_816 = tpu.vector_load %arg8[%swap3A_814, %swap3A_815] {strides = array<i32>} : memref<32x1024xf32, #tpu.memory_space<vmem>>, vector<1x16xf32>,
      %swap3A_817 = vector.shape_cast %swap3A_816 : vector<1x16xf32> to vector<16xf32>
      %swap3A_818 = vector.shape_cast %add3A_813 : vector<16xf32> to vector<1x16xf32>
      tpu.vector_store %arg8[%swap3A_814, %swap3A_815], %swap3A_818 {strides = array<i32>} : memref<32x1024xf32, #tpu.memory_space<vmem>>, vector<1x16xf32>,
      %get3A_819 = arith.index_cast %add3A_22 : i32 to index
      %get3A_820 = arith.constant 912 : index
      %get3A_821 = tpu.vector_load %arg8[%get3A_819, %get3A_820] {strides = array<i32>} : memref<32x1024xf32, #tpu.memory_space<vmem>>, vector<1x16xf32>,
      %get3A_822 = vector.shape_cast %get3A_821 : vector<1x16xf32> to vector<16xf32>
      %get3A_823 = arith.index_cast %add3A_22 : i32 to index
      %get3A_824 = arith.constant 912 : index
      %get3A_825 = tpu.vector_load %arg9[%get3A_823, %get3A_824] {strides = array<i32>} : memref<32x1024xf32, #tpu.memory_space<vmem>>, vector<1x16xf32>,
      %get3A_826 = vector.shape_cast %get3A_825 : vector<1x16xf32> to vector<16xf32>
      %add3A_827 = arith.addf %get3A_822, %get3A_826 : vector<16xf32>
      %swap3A_828 = arith.index_cast %add3A_22 : i32 to index
      %swap3A_829 = arith.constant 912 : index
      %swap3A_830 = tpu.vector_load %arg8[%swap3A_828, %swap3A_829] {strides = array<i32>} : memref<32x1024xf32, #tpu.memory_space<vmem>>, vector<1x16xf32>,
      %swap3A_831 = vector.shape_cast %swap3A_830 : vector<1x16xf32> to vector<16xf32>
      %swap3A_832 = vector.shape_cast %add3A_827 : vector<16xf32> to vector<1x16xf32>
      tpu.vector_store %arg8[%swap3A_828, %swap3A_829], %swap3A_832 {strides = array<i32>} : memref<32x1024xf32, #tpu.memory_space<vmem>>, vector<1x16xf32>,
      %get3A_833 = arith.index_cast %add3A_22 : i32 to index
      %get3A_834 = arith.constant 928 : index
      %get3A_835 = tpu.vector_load %arg8[%get3A_833, %get3A_834] {strides = array<i32>} : memref<32x1024xf32, #tpu.memory_space<vmem>>, vector<1x16xf32>,
      %get3A_836 = vector.shape_cast %get3A_835 : vector<1x16xf32> to vector<16xf32>
      %get3A_837 = arith.index_cast %add3A_22 : i32 to index
      %get3A_838 = arith.constant 928 : index
      %get3A_839 = tpu.vector_load %arg9[%get3A_837, %get3A_838] {strides = array<i32>} : memref<32x1024xf32, #tpu.memory_space<vmem>>, vector<1x16xf32>,
      %get3A_840 = vector.shape_cast %get3A_839 : vector<1x16xf32> to vector<16xf32>
      %add3A_841 = arith.addf %get3A_836, %get3A_840 : vector<16xf32>
      %swap3A_842 = arith.index_cast %add3A_22 : i32 to index
      %swap3A_843 = arith.constant 928 : index
      %swap3A_844 = tpu.vector_load %arg8[%swap3A_842, %swap3A_843] {strides = array<i32>} : memref<32x1024xf32, #tpu.memory_space<vmem>>, vector<1x16xf32>,
      %swap3A_845 = vector.shape_cast %swap3A_844 : vector<1x16xf32> to vector<16xf32>
      %swap3A_846 = vector.shape_cast %add3A_841 : vector<16xf32> to vector<1x16xf32>
      tpu.vector_store %arg8[%swap3A_842, %swap3A_843], %swap3A_846 {strides = array<i32>} : memref<32x1024xf32, #tpu.memory_space<vmem>>, vector<1x16xf32>,
      %get3A_847 = arith.index_cast %add3A_22 : i32 to index
      %get3A_848 = arith.constant 944 : index
      %get3A_849 = tpu.vector_load %arg8[%get3A_847, %get3A_848] {strides = array<i32>} : memref<32x1024xf32, #tpu.memory_space<vmem>>, vector<1x16xf32>,
      %get3A_850 = vector.shape_cast %get3A_849 : vector<1x16xf32> to vector<16xf32>
      %get3A_851 = arith.index_cast %add3A_22 : i32 to index
      %get3A_852 = arith.constant 944 : index
      %get3A_853 = tpu.vector_load %arg9[%get3A_851, %get3A_852] {strides = array<i32>} : memref<32x1024xf32, #tpu.memory_space<vmem>>, vector<1x16xf32>,
      %get3A_854 = vector.shape_cast %get3A_853 : vector<1x16xf32> to vector<16xf32>
      %add3A_855 = arith.addf %get3A_850, %get3A_854 : vector<16xf32>
      %swap3A_856 = arith.index_cast %add3A_22 : i32 to index
      %swap3A_857 = arith.constant 944 : index
      %swap3A_858 = tpu.vector_load %arg8[%swap3A_856, %swap3A_857] {strides = array<i32>} : memref<32x1024xf32, #tpu.memory_space<vmem>>, vector<1x16xf32>,
      %swap3A_859 = vector.shape_cast %swap3A_858 : vector<1x16xf32> to vector<16xf32>
      %swap3A_860 = vector.shape_cast %add3A_855 : vector<16xf32> to vector<1x16xf32>
      tpu.vector_store %arg8[%swap3A_856, %swap3A_857], %swap3A_860 {strides = array<i32>} : memref<32x1024xf32, #tpu.memory_space<vmem>>, vector<1x16xf32>,
      %get3A_861 = arith.index_cast %add3A_22 : i32 to index
      %get3A_862 = arith.constant 960 : index
      %get3A_863 = tpu.vector_load %arg8[%get3A_861, %get3A_862] {strides = array<i32>} : memref<32x1024xf32, #tpu.memory_space<vmem>>, vector<1x16xf32>,
      %get3A_864 = vector.shape_cast %get3A_863 : vector<1x16xf32> to vector<16xf32>
      %get3A_865 = arith.index_cast %add3A_22 : i32 to index
      %get3A_866 = arith.constant 960 : index
      %get3A_867 = tpu.vector_load %arg9[%get3A_865, %get3A_866] {strides = array<i32>} : memref<32x1024xf32, #tpu.memory_space<vmem>>, vector<1x16xf32>,
      %get3A_868 = vector.shape_cast %get3A_867 : vector<1x16xf32> to vector<16xf32>
      %add3A_869 = arith.addf %get3A_864, %get3A_868 : vector<16xf32>
      %swap3A_870 = arith.index_cast %add3A_22 : i32 to index
      %swap3A_871 = arith.constant 960 : index
      %swap3A_872 = tpu.vector_load %arg8[%swap3A_870, %swap3A_871] {strides = array<i32>} : memref<32x1024xf32, #tpu.memory_space<vmem>>, vector<1x16xf32>,
      %swap3A_873 = vector.shape_cast %swap3A_872 : vector<1x16xf32> to vector<16xf32>
      %swap3A_874 = vector.shape_cast %add3A_869 : vector<16xf32> to vector<1x16xf32>
      tpu.vector_store %arg8[%swap3A_870, %swap3A_871], %swap3A_874 {strides = array<i32>} : memref<32x1024xf32, #tpu.memory_space<vmem>>, vector<1x16xf32>,
      %get3A_875 = arith.index_cast %add3A_22 : i32 to index
      %get3A_876 = arith.constant 976 : index
      %get3A_877 = tpu.vector_load %arg8[%get3A_875, %get3A_876] {strides = array<i32>} : memref<32x1024xf32, #tpu.memory_space<vmem>>, vector<1x16xf32>,
      %get3A_878 = vector.shape_cast %get3A_877 : vector<1x16xf32> to vector<16xf32>
      %get3A_879 = arith.index_cast %add3A_22 : i32 to index
      %get3A_880 = arith.constant 976 : index
      %get3A_881 = tpu.vector_load %arg9[%get3A_879, %get3A_880] {strides = array<i32>} : memref<32x1024xf32, #tpu.memory_space<vmem>>, vector<1x16xf32>,
      %get3A_882 = vector.shape_cast %get3A_881 : vector<1x16xf32> to vector<16xf32>
      %add3A_883 = arith.addf %get3A_878, %get3A_882 : vector<16xf32>
      %swap3A_884 = arith.index_cast %add3A_22 : i32 to index
      %swap3A_885 = arith.constant 976 : index
      %swap3A_886 = tpu.vector_load %arg8[%swap3A_884, %swap3A_885] {strides = array<i32>} : memref<32x1024xf32, #tpu.memory_space<vmem>>, vector<1x16xf32>,
      %swap3A_887 = vector.shape_cast %swap3A_886 : vector<1x16xf32> to vector<16xf32>
      %swap3A_888 = vector.shape_cast %add3A_883 : vector<16xf32> to vector<1x16xf32>
      tpu.vector_store %arg8[%swap3A_884, %swap3A_885], %swap3A_888 {strides = array<i32>} : memref<32x1024xf32, #tpu.memory_space<vmem>>, vector<1x16xf32>,
      %get3A_889 = arith.index_cast %add3A_22 : i32 to index
      %get3A_890 = arith.constant 992 : index
      %get3A_891 = tpu.vector_load %arg8[%get3A_889, %get3A_890] {strides = array<i32>} : memref<32x1024xf32, #tpu.memory_space<vmem>>, vector<1x16xf32>,
      %get3A_892 = vector.shape_cast %get3A_891 : vector<1x16xf32> to vector<16xf32>
      %get3A_893 = arith.index_cast %add3A_22 : i32 to index
      %get3A_894 = arith.constant 992 : index
      %get3A_895 = tpu.vector_load %arg9[%get3A_893, %get3A_894] {strides = array<i32>} : memref<32x1024xf32, #tpu.memory_space<vmem>>, vector<1x16xf32>,
      %get3A_896 = vector.shape_cast %get3A_895 : vector<1x16xf32> to vector<16xf32>
      %add3A_897 = arith.addf %get3A_892, %get3A_896 : vector<16xf32>
      %swap3A_898 = arith.index_cast %add3A_22 : i32 to index
      %swap3A_899 = arith.constant 992 : index
      %swap3A_900 = tpu.vector_load %arg8[%swap3A_898, %swap3A_899] {strides = array<i32>} : memref<32x1024xf32, #tpu.memory_space<vmem>>, vector<1x16xf32>,
      %swap3A_901 = vector.shape_cast %swap3A_900 : vector<1x16xf32> to vector<16xf32>
      %swap3A_902 = vector.shape_cast %add3A_897 : vector<16xf32> to vector<1x16xf32>
      tpu.vector_store %arg8[%swap3A_898, %swap3A_899], %swap3A_902 {strides = array<i32>} : memref<32x1024xf32, #tpu.memory_space<vmem>>, vector<1x16xf32>,
      %get3A_903 = arith.index_cast %add3A_22 : i32 to index
      %get3A_904 = arith.constant 1008 : index
      %get3A_905 = tpu.vector_load %arg8[%get3A_903, %get3A_904] {strides = array<i32>} : memref<32x1024xf32, #tpu.memory_space<vmem>>, vector<1x16xf32>,
      %get3A_906 = vector.shape_cast %get3A_905 : vector<1x16xf32> to vector<16xf32>
      %get3A_907 = arith.index_cast %add3A_22 : i32 to index
      %get3A_908 = arith.constant 1008 : index
      %get3A_909 = tpu.vector_load %arg9[%get3A_907, %get3A_908] {strides = array<i32>} : memref<32x1024xf32, #tpu.memory_space<vmem>>, vector<1x16xf32>,
      %get3A_910 = vector.shape_cast %get3A_909 : vector<1x16xf32> to vector<16xf32>
      %add3A_911 = arith.addf %get3A_906, %get3A_910 : vector<16xf32>
      %swap3A_912 = arith.index_cast %add3A_22 : i32 to index
      %swap3A_913 = arith.constant 1008 : index
      %swap3A_914 = tpu.vector_load %arg8[%swap3A_912, %swap3A_913] {strides = array<i32>} : memref<32x1024xf32, #tpu.memory_space<vmem>>, vector<1x16xf32>,
      %swap3A_915 = vector.shape_cast %swap3A_914 : vector<1x16xf32> to vector<16xf32>
      %swap3A_916 = vector.shape_cast %add3A_911 : vector<16xf32> to vector<1x16xf32>
      tpu.vector_store %arg8[%swap3A_912, %swap3A_913], %swap3A_916 {strides = array<i32>} : memref<32x1024xf32, #tpu.memory_space<vmem>>, vector<1x16xf32>,
    }
    %scan3A_8 = arith.constant 32 : i32
    "tpu.region"() ({
      %run_scoped3A = tpu.sem_alloc : memref<!tpu.dma_semaphore, #tpu.memory_space<semaphore_mem>>
      %dma_start3A = arith.constant 0 : i32
      %dma_start3A_18 = tpu.memref_slice %arg5[%add3A_4, %dma_start3A] : memref<2048x1024xf32, #tpu.memory_space<hbm>> -> memref<32x1024xf32, #tpu.memory_space<hbm>>
      %dma_start3A_19 = arith.constant 0 : i32
      %dma_start3A_20 = tpu.memref_slice %arg5[%add3A_4, %dma_start3A_19] : memref<2048x1024xf32, #tpu.memory_space<hbm>> -> memref<32x1024xf32, #tpu.memory_space<hbm>>
      tpu.enqueue_dma source(%arg8 : memref<32x1024xf32, #tpu.memory_space<vmem>>) target(%dma_start3A_20 : memref<32x1024xf32, #tpu.memory_space<hbm>>) target_semaphore(%run_scoped3A : memref<!tpu.dma_semaphore, #tpu.memory_space<semaphore_mem>>)
      %dma_wait3A = arith.constant 0 : i32
      %dma_wait3A_21 = tpu.memref_slice %arg5[%add3A_4, %dma_wait3A] : memref<2048x1024xf32, #tpu.memory_space<hbm>> -> memref<32x1024xf32, #tpu.memory_space<hbm>>
      %dma_wait3A_22 = arith.constant 0 : i32
      %dma_wait3A_23 = tpu.memref_slice %arg5[%add3A_4, %dma_wait3A_22] : memref<2048x1024xf32, #tpu.memory_space<hbm>> -> memref<32x1024xf32, #tpu.memory_space<hbm>>
      tpu.wait_dma2 semaphore(%run_scoped3A : memref<!tpu.dma_semaphore, #tpu.memory_space<semaphore_mem>>) src(%arg8 : memref<32x1024xf32, #tpu.memory_space<vmem>>) dst(%dma_wait3A_23 : memref<32x1024xf32, #tpu.memory_space<hbm>>)
      tpu.yield
    }) : () -> ()
    %mul3A_9 = arith.constant 64 : i32
    %mul3A_10 = arith.muli %add3A, %mul3A_9 : i32
    %add3A_11 = arith.constant 32 : i32
    %add3A_12 = arith.addi %mul3A_10, %add3A_11 : i32
    "tpu.region"() ({
      %run_scoped3A = tpu.sem_alloc : memref<!tpu.dma_semaphore, #tpu.memory_space<semaphore_mem>>
      %dma_start3A = tpu.memref_slice %arg2[%add3A_12] : memref<2048xi32, #tpu.memory_space<hbm>> -> memref<32xi32, #tpu.memory_space<hbm>>
      %dma_start3A_18 = tpu.memref_slice %arg2[%add3A_12] : memref<2048xi32, #tpu.memory_space<hbm>> -> memref<32xi32, #tpu.memory_space<hbm>>
      tpu.enqueue_dma source(%dma_start3A_18 : memref<32xi32, #tpu.memory_space<hbm>>) target(%arg6 : memref<32xi32, #tpu.memory_space<vmem>>) target_semaphore(%run_scoped3A : memref<!tpu.dma_semaphore, #tpu.memory_space<semaphore_mem>>)
      %dma_wait3A = tpu.memref_slice %arg2[%add3A_12] : memref<2048xi32, #tpu.memory_space<hbm>> -> memref<32xi32, #tpu.memory_space<hbm>>
      %dma_wait3A_19 = tpu.memref_slice %arg2[%add3A_12] : memref<2048xi32, #tpu.memory_space<hbm>> -> memref<32xi32, #tpu.memory_space<hbm>>
      tpu.wait_dma2 semaphore(%run_scoped3A : memref<!tpu.dma_semaphore, #tpu.memory_space<semaphore_mem>>) src(%dma_wait3A_19 : memref<32xi32, #tpu.memory_space<hbm>>) dst(%arg6 : memref<32xi32, #tpu.memory_space<vmem>>)
      tpu.yield
    }) : () -> ()
    "tpu.region"() ({
      %run_scoped3A = tpu.sem_alloc : memref<!tpu.dma_semaphore, #tpu.memory_space<semaphore_mem>>
      %dma_start3A = tpu.memref_slice %arg3[%add3A_12] : memref<2048xi32, #tpu.memory_space<hbm>> -> memref<32xi32, #tpu.memory_space<hbm>>
      %dma_start3A_18 = tpu.memref_slice %arg3[%add3A_12] : memref<2048xi32, #tpu.memory_space<hbm>> -> memref<32xi32, #tpu.memory_space<hbm>>
      tpu.enqueue_dma source(%dma_start3A_18 : memref<32xi32, #tpu.memory_space<hbm>>) target(%arg7 : memref<32xi32, #tpu.memory_space<vmem>>) target_semaphore(%run_scoped3A : memref<!tpu.dma_semaphore, #tpu.memory_space<semaphore_mem>>)
      %dma_wait3A = tpu.memref_slice %arg3[%add3A_12] : memref<2048xi32, #tpu.memory_space<hbm>> -> memref<32xi32, #tpu.memory_space<hbm>>
      %dma_wait3A_19 = tpu.memref_slice %arg3[%add3A_12] : memref<2048xi32, #tpu.memory_space<hbm>> -> memref<32xi32, #tpu.memory_space<hbm>>
      tpu.wait_dma2 semaphore(%run_scoped3A : memref<!tpu.dma_semaphore, #tpu.memory_space<semaphore_mem>>) src(%dma_wait3A_19 : memref<32xi32, #tpu.memory_space<hbm>>) dst(%arg7 : memref<32xi32, #tpu.memory_space<vmem>>)
      tpu.yield
    }) : () -> ()
    "tpu.region"() ({
      %run_scoped3A = tpu.sem_alloc : memref<!tpu.dma_semaphore, #tpu.memory_space<semaphore_mem>>
      %dma_start3A = arith.constant 0 : i32
      %dma_start3A_18 = arith.constant 0 : i32
      %dma_start3A_19 = tpu.memref_slice %arg4[%dma_start3A, %dma_start3A_18] : memref<5120x1024xf32, #tpu.memory_space<hbm>> -> memref<5120x1024xf32, #tpu.memory_space<hbm>>
      tpu.enqueue_indirect_dma source(%dma_start3A_19 : memref<5120x1024xf32, #tpu.memory_space<hbm>>) target(%arg8 : memref<32x1024xf32, #tpu.memory_space<vmem>>) offsets(%arg6 : memref<32xi32, #tpu.memory_space<vmem>>) semaphore(%run_scoped3A : memref<!tpu.dma_semaphore, #tpu.memory_space<semaphore_mem>>)
      %dma_wait3A = arith.constant 0 : i32
      %dma_wait3A_20 = arith.constant 0 : i32
      %dma_wait3A_21 = tpu.memref_slice %arg4[%dma_wait3A, %dma_wait3A_20] : memref<5120x1024xf32, #tpu.memory_space<hbm>> -> memref<5120x1024xf32, #tpu.memory_space<hbm>>
      tpu.wait_indirect_dma semaphore(%run_scoped3A : memref<!tpu.dma_semaphore, #tpu.memory_space<semaphore_mem>>) src(%dma_wait3A_21 : memref<5120x1024xf32, #tpu.memory_space<hbm>>) dst(%arg8 : memref<32x1024xf32, #tpu.memory_space<vmem>>)
      tpu.yield
    }) : () -> ()
    "tpu.region"() ({
      %run_scoped3A = tpu.sem_alloc : memref<!tpu.dma_semaphore, #tpu.memory_space<semaphore_mem>>
      %dma_start3A = arith.constant 0 : i32
      %dma_start3A_18 = arith.constant 0 : i32
      %dma_start3A_19 = tpu.memref_slice %arg4[%dma_start3A, %dma_start3A_18] : memref<5120x1024xf32, #tpu.memory_space<hbm>> -> memref<5120x1024xf32, #tpu.memory_space<hbm>>
      tpu.enqueue_indirect_dma source(%dma_start3A_19 : memref<5120x1024xf32, #tpu.memory_space<hbm>>) target(%arg9 : memref<32x1024xf32, #tpu.memory_space<vmem>>) offsets(%arg7 : memref<32xi32, #tpu.memory_space<vmem>>) semaphore(%run_scoped3A : memref<!tpu.dma_semaphore, #tpu.memory_space<semaphore_mem>>)
      %dma_wait3A = arith.constant 0 : i32
      %dma_wait3A_20 = arith.constant 0 : i32
      %dma_wait3A_21 = tpu.memref_slice %arg4[%dma_wait3A, %dma_wait3A_20] : memref<5120x1024xf32, #tpu.memory_space<hbm>> -> memref<5120x1024xf32, #tpu.memory_space<hbm>>
      tpu.wait_indirect_dma semaphore(%run_scoped3A : memref<!tpu.dma_semaphore, #tpu.memory_space<semaphore_mem>>) src(%dma_wait3A_21 : memref<5120x1024xf32, #tpu.memory_space<hbm>>) dst(%arg9 : memref<32x1024xf32, #tpu.memory_space<vmem>>)
      tpu.yield
    }) : () -> ()
    %scan3A_13 = arith.constant 0 : i32
    %scan3A_14 = arith.constant 32 : i32
    %scan3A_15 = arith.addi %scan3A_13, %scan3A_14 : i32
    %scan3A_16 = arith.constant 1 : i32
    scf.for %scan3A_18 = %scan3A_13 to %scan3A_15 step %scan3A_16  : i32 {
      %mul3A_19 = arith.constant 1 : i32
      %mul3A_20 = arith.muli %scan3A_18, %mul3A_19 : i32
      %add3A_21 = arith.constant 0 : i32
      %add3A_22 = arith.addi %add3A_21, %mul3A_20 : i32
      %get3A = arith.index_cast %add3A_22 : i32 to index
      %get3A_23 = arith.constant 0 : index
      %get3A_24 = tpu.vector_load %arg8[%get3A, %get3A_23] {strides = array<i32>} : memref<32x1024xf32, #tpu.memory_space<vmem>>, vector<1x16xf32>,
      %get3A_25 = vector.shape_cast %get3A_24 : vector<1x16xf32> to vector<16xf32>
      %get3A_26 = arith.index_cast %add3A_22 : i32 to index
      %get3A_27 = arith.constant 0 : index
      %get3A_28 = tpu.vector_load %arg9[%get3A_26, %get3A_27] {strides = array<i32>} : memref<32x1024xf32, #tpu.memory_space<vmem>>, vector<1x16xf32>,
      %get3A_29 = vector.shape_cast %get3A_28 : vector<1x16xf32> to vector<16xf32>
      %add3A_30 = arith.addf %get3A_25, %get3A_29 : vector<16xf32>
      %swap3A = arith.index_cast %add3A_22 : i32 to index
      %swap3A_31 = arith.constant 0 : index
      %swap3A_32 = tpu.vector_load %arg8[%swap3A, %swap3A_31] {strides = array<i32>} : memref<32x1024xf32, #tpu.memory_space<vmem>>, vector<1x16xf32>,
      %swap3A_33 = vector.shape_cast %swap3A_32 : vector<1x16xf32> to vector<16xf32>
      %swap3A_34 = vector.shape_cast %add3A_30 : vector<16xf32> to vector<1x16xf32>
      tpu.vector_store %arg8[%swap3A, %swap3A_31], %swap3A_34 {strides = array<i32>} : memref<32x1024xf32, #tpu.memory_space<vmem>>, vector<1x16xf32>,
      %get3A_35 = arith.index_cast %add3A_22 : i32 to index
      %get3A_36 = arith.constant 16 : index
      %get3A_37 = tpu.vector_load %arg8[%get3A_35, %get3A_36] {strides = array<i32>} : memref<32x1024xf32, #tpu.memory_space<vmem>>, vector<1x16xf32>,
      %get3A_38 = vector.shape_cast %get3A_37 : vector<1x16xf32> to vector<16xf32>
      %get3A_39 = arith.index_cast %add3A_22 : i32 to index
      %get3A_40 = arith.constant 16 : index
      %get3A_41 = tpu.vector_load %arg9[%get3A_39, %get3A_40] {strides = array<i32>} : memref<32x1024xf32, #tpu.memory_space<vmem>>, vector<1x16xf32>,
      %get3A_42 = vector.shape_cast %get3A_41 : vector<1x16xf32> to vector<16xf32>
      %add3A_43 = arith.addf %get3A_38, %get3A_42 : vector<16xf32>
      %swap3A_44 = arith.index_cast %add3A_22 : i32 to index
      %swap3A_45 = arith.constant 16 : index
      %swap3A_46 = tpu.vector_load %arg8[%swap3A_44, %swap3A_45] {strides = array<i32>} : memref<32x1024xf32, #tpu.memory_space<vmem>>, vector<1x16xf32>,
      %swap3A_47 = vector.shape_cast %swap3A_46 : vector<1x16xf32> to vector<16xf32>
      %swap3A_48 = vector.shape_cast %add3A_43 : vector<16xf32> to vector<1x16xf32>
      tpu.vector_store %arg8[%swap3A_44, %swap3A_45], %swap3A_48 {strides = array<i32>} : memref<32x1024xf32, #tpu.memory_space<vmem>>, vector<1x16xf32>,
      %get3A_49 = arith.index_cast %add3A_22 : i32 to index
      %get3A_50 = arith.constant 32 : index
      %get3A_51 = tpu.vector_load %arg8[%get3A_49, %get3A_50] {strides = array<i32>} : memref<32x1024xf32, #tpu.memory_space<vmem>>, vector<1x16xf32>,
      %get3A_52 = vector.shape_cast %get3A_51 : vector<1x16xf32> to vector<16xf32>
      %get3A_53 = arith.index_cast %add3A_22 : i32 to index
      %get3A_54 = arith.constant 32 : index
      %get3A_55 = tpu.vector_load %arg9[%get3A_53, %get3A_54] {strides = array<i32>} : memref<32x1024xf32, #tpu.memory_space<vmem>>, vector<1x16xf32>,
      %get3A_56 = vector.shape_cast %get3A_55 : vector<1x16xf32> to vector<16xf32>
      %add3A_57 = arith.addf %get3A_52, %get3A_56 : vector<16xf32>
      %swap3A_58 = arith.index_cast %add3A_22 : i32 to index
      %swap3A_59 = arith.constant 32 : index
      %swap3A_60 = tpu.vector_load %arg8[%swap3A_58, %swap3A_59] {strides = array<i32>} : memref<32x1024xf32, #tpu.memory_space<vmem>>, vector<1x16xf32>,
      %swap3A_61 = vector.shape_cast %swap3A_60 : vector<1x16xf32> to vector<16xf32>
      %swap3A_62 = vector.shape_cast %add3A_57 : vector<16xf32> to vector<1x16xf32>
      tpu.vector_store %arg8[%swap3A_58, %swap3A_59], %swap3A_62 {strides = array<i32>} : memref<32x1024xf32, #tpu.memory_space<vmem>>, vector<1x16xf32>,
      %get3A_63 = arith.index_cast %add3A_22 : i32 to index
      %get3A_64 = arith.constant 48 : index
      %get3A_65 = tpu.vector_load %arg8[%get3A_63, %get3A_64] {strides = array<i32>} : memref<32x1024xf32, #tpu.memory_space<vmem>>, vector<1x16xf32>,
      %get3A_66 = vector.shape_cast %get3A_65 : vector<1x16xf32> to vector<16xf32>
      %get3A_67 = arith.index_cast %add3A_22 : i32 to index
      %get3A_68 = arith.constant 48 : index
      %get3A_69 = tpu.vector_load %arg9[%get3A_67, %get3A_68] {strides = array<i32>} : memref<32x1024xf32, #tpu.memory_space<vmem>>, vector<1x16xf32>,
      %get3A_70 = vector.shape_cast %get3A_69 : vector<1x16xf32> to vector<16xf32>
      %add3A_71 = arith.addf %get3A_66, %get3A_70 : vector<16xf32>
      %swap3A_72 = arith.index_cast %add3A_22 : i32 to index
      %swap3A_73 = arith.constant 48 : index
      %swap3A_74 = tpu.vector_load %arg8[%swap3A_72, %swap3A_73] {strides = array<i32>} : memref<32x1024xf32, #tpu.memory_space<vmem>>, vector<1x16xf32>,
      %swap3A_75 = vector.shape_cast %swap3A_74 : vector<1x16xf32> to vector<16xf32>
      %swap3A_76 = vector.shape_cast %add3A_71 : vector<16xf32> to vector<1x16xf32>
      tpu.vector_store %arg8[%swap3A_72, %swap3A_73], %swap3A_76 {strides = array<i32>} : memref<32x1024xf32, #tpu.memory_space<vmem>>, vector<1x16xf32>,
      %get3A_77 = arith.index_cast %add3A_22 : i32 to index
      %get3A_78 = arith.constant 64 : index
      %get3A_79 = tpu.vector_load %arg8[%get3A_77, %get3A_78] {strides = array<i32>} : memref<32x1024xf32, #tpu.memory_space<vmem>>, vector<1x16xf32>,
      %get3A_80 = vector.shape_cast %get3A_79 : vector<1x16xf32> to vector<16xf32>
      %get3A_81 = arith.index_cast %add3A_22 : i32 to index
      %get3A_82 = arith.constant 64 : index
      %get3A_83 = tpu.vector_load %arg9[%get3A_81, %get3A_82] {strides = array<i32>} : memref<32x1024xf32, #tpu.memory_space<vmem>>, vector<1x16xf32>,
      %get3A_84 = vector.shape_cast %get3A_83 : vector<1x16xf32> to vector<16xf32>
      %add3A_85 = arith.addf %get3A_80, %get3A_84 : vector<16xf32>
      %swap3A_86 = arith.index_cast %add3A_22 : i32 to index
      %swap3A_87 = arith.constant 64 : index
      %swap3A_88 = tpu.vector_load %arg8[%swap3A_86, %swap3A_87] {strides = array<i32>} : memref<32x1024xf32, #tpu.memory_space<vmem>>, vector<1x16xf32>,
      %swap3A_89 = vector.shape_cast %swap3A_88 : vector<1x16xf32> to vector<16xf32>
      %swap3A_90 = vector.shape_cast %add3A_85 : vector<16xf32> to vector<1x16xf32>
      tpu.vector_store %arg8[%swap3A_86, %swap3A_87], %swap3A_90 {strides = array<i32>} : memref<32x1024xf32, #tpu.memory_space<vmem>>, vector<1x16xf32>,
      %get3A_91 = arith.index_cast %add3A_22 : i32 to index
      %get3A_92 = arith.constant 80 : index
      %get3A_93 = tpu.vector_load %arg8[%get3A_91, %get3A_92] {strides = array<i32>} : memref<32x1024xf32, #tpu.memory_space<vmem>>, vector<1x16xf32>,
      %get3A_94 = vector.shape_cast %get3A_93 : vector<1x16xf32> to vector<16xf32>
      %get3A_95 = arith.index_cast %add3A_22 : i32 to index
      %get3A_96 = arith.constant 80 : index
      %get3A_97 = tpu.vector_load %arg9[%get3A_95, %get3A_96] {strides = array<i32>} : memref<32x1024xf32, #tpu.memory_space<vmem>>, vector<1x16xf32>,
      %get3A_98 = vector.shape_cast %get3A_97 : vector<1x16xf32> to vector<16xf32>
      %add3A_99 = arith.addf %get3A_94, %get3A_98 : vector<16xf32>
      %swap3A_100 = arith.index_cast %add3A_22 : i32 to index
      %swap3A_101 = arith.constant 80 : index
      %swap3A_102 = tpu.vector_load %arg8[%swap3A_100, %swap3A_101] {strides = array<i32>} : memref<32x1024xf32, #tpu.memory_space<vmem>>, vector<1x16xf32>,
      %swap3A_103 = vector.shape_cast %swap3A_102 : vector<1x16xf32> to vector<16xf32>
      %swap3A_104 = vector.shape_cast %add3A_99 : vector<16xf32> to vector<1x16xf32>
      tpu.vector_store %arg8[%swap3A_100, %swap3A_101], %swap3A_104 {strides = array<i32>} : memref<32x1024xf32, #tpu.memory_space<vmem>>, vector<1x16xf32>,
      %get3A_105 = arith.index_cast %add3A_22 : i32 to index
      %get3A_106 = arith.constant 96 : index
      %get3A_107 = tpu.vector_load %arg8[%get3A_105, %get3A_106] {strides = array<i32>} : memref<32x1024xf32, #tpu.memory_space<vmem>>, vector<1x16xf32>,
      %get3A_108 = vector.shape_cast %get3A_107 : vector<1x16xf32> to vector<16xf32>
      %get3A_109 = arith.index_cast %add3A_22 : i32 to index
      %get3A_110 = arith.constant 96 : index
      %get3A_111 = tpu.vector_load %arg9[%get3A_109, %get3A_110] {strides = array<i32>} : memref<32x1024xf32, #tpu.memory_space<vmem>>, vector<1x16xf32>,
      %get3A_112 = vector.shape_cast %get3A_111 : vector<1x16xf32> to vector<16xf32>
      %add3A_113 = arith.addf %get3A_108, %get3A_112 : vector<16xf32>
      %swap3A_114 = arith.index_cast %add3A_22 : i32 to index
      %swap3A_115 = arith.constant 96 : index
      %swap3A_116 = tpu.vector_load %arg8[%swap3A_114, %swap3A_115] {strides = array<i32>} : memref<32x1024xf32, #tpu.memory_space<vmem>>, vector<1x16xf32>,
      %swap3A_117 = vector.shape_cast %swap3A_116 : vector<1x16xf32> to vector<16xf32>
      %swap3A_118 = vector.shape_cast %add3A_113 : vector<16xf32> to vector<1x16xf32>
      tpu.vector_store %arg8[%swap3A_114, %swap3A_115], %swap3A_118 {strides = array<i32>} : memref<32x1024xf32, #tpu.memory_space<vmem>>, vector<1x16xf32>,
      %get3A_119 = arith.index_cast %add3A_22 : i32 to index
      %get3A_120 = arith.constant 112 : index
      %get3A_121 = tpu.vector_load %arg8[%get3A_119, %get3A_120] {strides = array<i32>} : memref<32x1024xf32, #tpu.memory_space<vmem>>, vector<1x16xf32>,
      %get3A_122 = vector.shape_cast %get3A_121 : vector<1x16xf32> to vector<16xf32>
      %get3A_123 = arith.index_cast %add3A_22 : i32 to index
      %get3A_124 = arith.constant 112 : index
      %get3A_125 = tpu.vector_load %arg9[%get3A_123, %get3A_124] {strides = array<i32>} : memref<32x1024xf32, #tpu.memory_space<vmem>>, vector<1x16xf32>,
      %get3A_126 = vector.shape_cast %get3A_125 : vector<1x16xf32> to vector<16xf32>
      %add3A_127 = arith.addf %get3A_122, %get3A_126 : vector<16xf32>
      %swap3A_128 = arith.index_cast %add3A_22 : i32 to index
      %swap3A_129 = arith.constant 112 : index
      %swap3A_130 = tpu.vector_load %arg8[%swap3A_128, %swap3A_129] {strides = array<i32>} : memref<32x1024xf32, #tpu.memory_space<vmem>>, vector<1x16xf32>,
      %swap3A_131 = vector.shape_cast %swap3A_130 : vector<1x16xf32> to vector<16xf32>
      %swap3A_132 = vector.shape_cast %add3A_127 : vector<16xf32> to vector<1x16xf32>
      tpu.vector_store %arg8[%swap3A_128, %swap3A_129], %swap3A_132 {strides = array<i32>} : memref<32x1024xf32, #tpu.memory_space<vmem>>, vector<1x16xf32>,
      %get3A_133 = arith.index_cast %add3A_22 : i32 to index
      %get3A_134 = arith.constant 128 : index
      %get3A_135 = tpu.vector_load %arg8[%get3A_133, %get3A_134] {strides = array<i32>} : memref<32x1024xf32, #tpu.memory_space<vmem>>, vector<1x16xf32>,
      %get3A_136 = vector.shape_cast %get3A_135 : vector<1x16xf32> to vector<16xf32>
      %get3A_137 = arith.index_cast %add3A_22 : i32 to index
      %get3A_138 = arith.constant 128 : index
      %get3A_139 = tpu.vector_load %arg9[%get3A_137, %get3A_138] {strides = array<i32>} : memref<32x1024xf32, #tpu.memory_space<vmem>>, vector<1x16xf32>,
      %get3A_140 = vector.shape_cast %get3A_139 : vector<1x16xf32> to vector<16xf32>
      %add3A_141 = arith.addf %get3A_136, %get3A_140 : vector<16xf32>
      %swap3A_142 = arith.index_cast %add3A_22 : i32 to index
      %swap3A_143 = arith.constant 128 : index
      %swap3A_144 = tpu.vector_load %arg8[%swap3A_142, %swap3A_143] {strides = array<i32>} : memref<32x1024xf32, #tpu.memory_space<vmem>>, vector<1x16xf32>,
      %swap3A_145 = vector.shape_cast %swap3A_144 : vector<1x16xf32> to vector<16xf32>
      %swap3A_146 = vector.shape_cast %add3A_141 : vector<16xf32> to vector<1x16xf32>
      tpu.vector_store %arg8[%swap3A_142, %swap3A_143], %swap3A_146 {strides = array<i32>} : memref<32x1024xf32, #tpu.memory_space<vmem>>, vector<1x16xf32>,
      %get3A_147 = arith.index_cast %add3A_22 : i32 to index
      %get3A_148 = arith.constant 144 : index
      %get3A_149 = tpu.vector_load %arg8[%get3A_147, %get3A_148] {strides = array<i32>} : memref<32x1024xf32, #tpu.memory_space<vmem>>, vector<1x16xf32>,
      %get3A_150 = vector.shape_cast %get3A_149 : vector<1x16xf32> to vector<16xf32>
      %get3A_151 = arith.index_cast %add3A_22 : i32 to index
      %get3A_152 = arith.constant 144 : index
      %get3A_153 = tpu.vector_load %arg9[%get3A_151, %get3A_152] {strides = array<i32>} : memref<32x1024xf32, #tpu.memory_space<vmem>>, vector<1x16xf32>,
      %get3A_154 = vector.shape_cast %get3A_153 : vector<1x16xf32> to vector<16xf32>
      %add3A_155 = arith.addf %get3A_150, %get3A_154 : vector<16xf32>
      %swap3A_156 = arith.index_cast %add3A_22 : i32 to index
      %swap3A_157 = arith.constant 144 : index
      %swap3A_158 = tpu.vector_load %arg8[%swap3A_156, %swap3A_157] {strides = array<i32>} : memref<32x1024xf32, #tpu.memory_space<vmem>>, vector<1x16xf32>,
      %swap3A_159 = vector.shape_cast %swap3A_158 : vector<1x16xf32> to vector<16xf32>
      %swap3A_160 = vector.shape_cast %add3A_155 : vector<16xf32> to vector<1x16xf32>
      tpu.vector_store %arg8[%swap3A_156, %swap3A_157], %swap3A_160 {strides = array<i32>} : memref<32x1024xf32, #tpu.memory_space<vmem>>, vector<1x16xf32>,
      %get3A_161 = arith.index_cast %add3A_22 : i32 to index
      %get3A_162 = arith.constant 160 : index
      %get3A_163 = tpu.vector_load %arg8[%get3A_161, %get3A_162] {strides = array<i32>} : memref<32x1024xf32, #tpu.memory_space<vmem>>, vector<1x16xf32>,
      %get3A_164 = vector.shape_cast %get3A_163 : vector<1x16xf32> to vector<16xf32>
      %get3A_165 = arith.index_cast %add3A_22 : i32 to index
      %get3A_166 = arith.constant 160 : index
      %get3A_167 = tpu.vector_load %arg9[%get3A_165, %get3A_166] {strides = array<i32>} : memref<32x1024xf32, #tpu.memory_space<vmem>>, vector<1x16xf32>,
      %get3A_168 = vector.shape_cast %get3A_167 : vector<1x16xf32> to vector<16xf32>
      %add3A_169 = arith.addf %get3A_164, %get3A_168 : vector<16xf32>
      %swap3A_170 = arith.index_cast %add3A_22 : i32 to index
      %swap3A_171 = arith.constant 160 : index
      %swap3A_172 = tpu.vector_load %arg8[%swap3A_170, %swap3A_171] {strides = array<i32>} : memref<32x1024xf32, #tpu.memory_space<vmem>>, vector<1x16xf32>,
      %swap3A_173 = vector.shape_cast %swap3A_172 : vector<1x16xf32> to vector<16xf32>
      %swap3A_174 = vector.shape_cast %add3A_169 : vector<16xf32> to vector<1x16xf32>
      tpu.vector_store %arg8[%swap3A_170, %swap3A_171], %swap3A_174 {strides = array<i32>} : memref<32x1024xf32, #tpu.memory_space<vmem>>, vector<1x16xf32>,
      %get3A_175 = arith.index_cast %add3A_22 : i32 to index
      %get3A_176 = arith.constant 176 : index
      %get3A_177 = tpu.vector_load %arg8[%get3A_175, %get3A_176] {strides = array<i32>} : memref<32x1024xf32, #tpu.memory_space<vmem>>, vector<1x16xf32>,
      %get3A_178 = vector.shape_cast %get3A_177 : vector<1x16xf32> to vector<16xf32>
      %get3A_179 = arith.index_cast %add3A_22 : i32 to index
      %get3A_180 = arith.constant 176 : index
      %get3A_181 = tpu.vector_load %arg9[%get3A_179, %get3A_180] {strides = array<i32>} : memref<32x1024xf32, #tpu.memory_space<vmem>>, vector<1x16xf32>,
      %get3A_182 = vector.shape_cast %get3A_181 : vector<1x16xf32> to vector<16xf32>
      %add3A_183 = arith.addf %get3A_178, %get3A_182 : vector<16xf32>
      %swap3A_184 = arith.index_cast %add3A_22 : i32 to index
      %swap3A_185 = arith.constant 176 : index
      %swap3A_186 = tpu.vector_load %arg8[%swap3A_184, %swap3A_185] {strides = array<i32>} : memref<32x1024xf32, #tpu.memory_space<vmem>>, vector<1x16xf32>,
      %swap3A_187 = vector.shape_cast %swap3A_186 : vector<1x16xf32> to vector<16xf32>
      %swap3A_188 = vector.shape_cast %add3A_183 : vector<16xf32> to vector<1x16xf32>
      tpu.vector_store %arg8[%swap3A_184, %swap3A_185], %swap3A_188 {strides = array<i32>} : memref<32x1024xf32, #tpu.memory_space<vmem>>, vector<1x16xf32>,
      %get3A_189 = arith.index_cast %add3A_22 : i32 to index
      %get3A_190 = arith.constant 192 : index
      %get3A_191 = tpu.vector_load %arg8[%get3A_189, %get3A_190] {strides = array<i32>} : memref<32x1024xf32, #tpu.memory_space<vmem>>, vector<1x16xf32>,
      %get3A_192 = vector.shape_cast %get3A_191 : vector<1x16xf32> to vector<16xf32>
      %get3A_193 = arith.index_cast %add3A_22 : i32 to index
      %get3A_194 = arith.constant 192 : index
      %get3A_195 = tpu.vector_load %arg9[%get3A_193, %get3A_194] {strides = array<i32>} : memref<32x1024xf32, #tpu.memory_space<vmem>>, vector<1x16xf32>,
      %get3A_196 = vector.shape_cast %get3A_195 : vector<1x16xf32> to vector<16xf32>
      %add3A_197 = arith.addf %get3A_192, %get3A_196 : vector<16xf32>
      %swap3A_198 = arith.index_cast %add3A_22 : i32 to index
      %swap3A_199 = arith.constant 192 : index
      %swap3A_200 = tpu.vector_load %arg8[%swap3A_198, %swap3A_199] {strides = array<i32>} : memref<32x1024xf32, #tpu.memory_space<vmem>>, vector<1x16xf32>,
      %swap3A_201 = vector.shape_cast %swap3A_200 : vector<1x16xf32> to vector<16xf32>
      %swap3A_202 = vector.shape_cast %add3A_197 : vector<16xf32> to vector<1x16xf32>
      tpu.vector_store %arg8[%swap3A_198, %swap3A_199], %swap3A_202 {strides = array<i32>} : memref<32x1024xf32, #tpu.memory_space<vmem>>, vector<1x16xf32>,
      %get3A_203 = arith.index_cast %add3A_22 : i32 to index
      %get3A_204 = arith.constant 208 : index
      %get3A_205 = tpu.vector_load %arg8[%get3A_203, %get3A_204] {strides = array<i32>} : memref<32x1024xf32, #tpu.memory_space<vmem>>, vector<1x16xf32>,
      %get3A_206 = vector.shape_cast %get3A_205 : vector<1x16xf32> to vector<16xf32>
      %get3A_207 = arith.index_cast %add3A_22 : i32 to index
      %get3A_208 = arith.constant 208 : index
      %get3A_209 = tpu.vector_load %arg9[%get3A_207, %get3A_208] {strides = array<i32>} : memref<32x1024xf32, #tpu.memory_space<vmem>>, vector<1x16xf32>,
      %get3A_210 = vector.shape_cast %get3A_209 : vector<1x16xf32> to vector<16xf32>
      %add3A_211 = arith.addf %get3A_206, %get3A_210 : vector<16xf32>
      %swap3A_212 = arith.index_cast %add3A_22 : i32 to index
      %swap3A_213 = arith.constant 208 : index
      %swap3A_214 = tpu.vector_load %arg8[%swap3A_212, %swap3A_213] {strides = array<i32>} : memref<32x1024xf32, #tpu.memory_space<vmem>>, vector<1x16xf32>,
      %swap3A_215 = vector.shape_cast %swap3A_214 : vector<1x16xf32> to vector<16xf32>
      %swap3A_216 = vector.shape_cast %add3A_211 : vector<16xf32> to vector<1x16xf32>
      tpu.vector_store %arg8[%swap3A_212, %swap3A_213], %swap3A_216 {strides = array<i32>} : memref<32x1024xf32, #tpu.memory_space<vmem>>, vector<1x16xf32>,
      %get3A_217 = arith.index_cast %add3A_22 : i32 to index
      %get3A_218 = arith.constant 224 : index
      %get3A_219 = tpu.vector_load %arg8[%get3A_217, %get3A_218] {strides = array<i32>} : memref<32x1024xf32, #tpu.memory_space<vmem>>, vector<1x16xf32>,
      %get3A_220 = vector.shape_cast %get3A_219 : vector<1x16xf32> to vector<16xf32>
      %get3A_221 = arith.index_cast %add3A_22 : i32 to index
      %get3A_222 = arith.constant 224 : index
      %get3A_223 = tpu.vector_load %arg9[%get3A_221, %get3A_222] {strides = array<i32>} : memref<32x1024xf32, #tpu.memory_space<vmem>>, vector<1x16xf32>,
      %get3A_224 = vector.shape_cast %get3A_223 : vector<1x16xf32> to vector<16xf32>
      %add3A_225 = arith.addf %get3A_220, %get3A_224 : vector<16xf32>
      %swap3A_226 = arith.index_cast %add3A_22 : i32 to index
      %swap3A_227 = arith.constant 224 : index
      %swap3A_228 = tpu.vector_load %arg8[%swap3A_226, %swap3A_227] {strides = array<i32>} : memref<32x1024xf32, #tpu.memory_space<vmem>>, vector<1x16xf32>,
      %swap3A_229 = vector.shape_cast %swap3A_228 : vector<1x16xf32> to vector<16xf32>
      %swap3A_230 = vector.shape_cast %add3A_225 : vector<16xf32> to vector<1x16xf32>
      tpu.vector_store %arg8[%swap3A_226, %swap3A_227], %swap3A_230 {strides = array<i32>} : memref<32x1024xf32, #tpu.memory_space<vmem>>, vector<1x16xf32>,
      %get3A_231 = arith.index_cast %add3A_22 : i32 to index
      %get3A_232 = arith.constant 240 : index
      %get3A_233 = tpu.vector_load %arg8[%get3A_231, %get3A_232] {strides = array<i32>} : memref<32x1024xf32, #tpu.memory_space<vmem>>, vector<1x16xf32>,
      %get3A_234 = vector.shape_cast %get3A_233 : vector<1x16xf32> to vector<16xf32>
      %get3A_235 = arith.index_cast %add3A_22 : i32 to index
      %get3A_236 = arith.constant 240 : index
      %get3A_237 = tpu.vector_load %arg9[%get3A_235, %get3A_236] {strides = array<i32>} : memref<32x1024xf32, #tpu.memory_space<vmem>>, vector<1x16xf32>,
      %get3A_238 = vector.shape_cast %get3A_237 : vector<1x16xf32> to vector<16xf32>
      %add3A_239 = arith.addf %get3A_234, %get3A_238 : vector<16xf32>
      %swap3A_240 = arith.index_cast %add3A_22 : i32 to index
      %swap3A_241 = arith.constant 240 : index
      %swap3A_242 = tpu.vector_load %arg8[%swap3A_240, %swap3A_241] {strides = array<i32>} : memref<32x1024xf32, #tpu.memory_space<vmem>>, vector<1x16xf32>,
      %swap3A_243 = vector.shape_cast %swap3A_242 : vector<1x16xf32> to vector<16xf32>
      %swap3A_244 = vector.shape_cast %add3A_239 : vector<16xf32> to vector<1x16xf32>
      tpu.vector_store %arg8[%swap3A_240, %swap3A_241], %swap3A_244 {strides = array<i32>} : memref<32x1024xf32, #tpu.memory_space<vmem>>, vector<1x16xf32>,
      %get3A_245 = arith.index_cast %add3A_22 : i32 to index
      %get3A_246 = arith.constant 256 : index
      %get3A_247 = tpu.vector_load %arg8[%get3A_245, %get3A_246] {strides = array<i32>} : memref<32x1024xf32, #tpu.memory_space<vmem>>, vector<1x16xf32>,
      %get3A_248 = vector.shape_cast %get3A_247 : vector<1x16xf32> to vector<16xf32>
      %get3A_249 = arith.index_cast %add3A_22 : i32 to index
      %get3A_250 = arith.constant 256 : index
      %get3A_251 = tpu.vector_load %arg9[%get3A_249, %get3A_250] {strides = array<i32>} : memref<32x1024xf32, #tpu.memory_space<vmem>>, vector<1x16xf32>,
      %get3A_252 = vector.shape_cast %get3A_251 : vector<1x16xf32> to vector<16xf32>
      %add3A_253 = arith.addf %get3A_248, %get3A_252 : vector<16xf32>
      %swap3A_254 = arith.index_cast %add3A_22 : i32 to index
      %swap3A_255 = arith.constant 256 : index
      %swap3A_256 = tpu.vector_load %arg8[%swap3A_254, %swap3A_255] {strides = array<i32>} : memref<32x1024xf32, #tpu.memory_space<vmem>>, vector<1x16xf32>,
      %swap3A_257 = vector.shape_cast %swap3A_256 : vector<1x16xf32> to vector<16xf32>
      %swap3A_258 = vector.shape_cast %add3A_253 : vector<16xf32> to vector<1x16xf32>
      tpu.vector_store %arg8[%swap3A_254, %swap3A_255], %swap3A_258 {strides = array<i32>} : memref<32x1024xf32, #tpu.memory_space<vmem>>, vector<1x16xf32>,
      %get3A_259 = arith.index_cast %add3A_22 : i32 to index
      %get3A_260 = arith.constant 272 : index
      %get3A_261 = tpu.vector_load %arg8[%get3A_259, %get3A_260] {strides = array<i32>} : memref<32x1024xf32, #tpu.memory_space<vmem>>, vector<1x16xf32>,
      %get3A_262 = vector.shape_cast %get3A_261 : vector<1x16xf32> to vector<16xf32>
      %get3A_263 = arith.index_cast %add3A_22 : i32 to index
      %get3A_264 = arith.constant 272 : index
      %get3A_265 = tpu.vector_load %arg9[%get3A_263, %get3A_264] {strides = array<i32>} : memref<32x1024xf32, #tpu.memory_space<vmem>>, vector<1x16xf32>,
      %get3A_266 = vector.shape_cast %get3A_265 : vector<1x16xf32> to vector<16xf32>
      %add3A_267 = arith.addf %get3A_262, %get3A_266 : vector<16xf32>
      %swap3A_268 = arith.index_cast %add3A_22 : i32 to index
      %swap3A_269 = arith.constant 272 : index
      %swap3A_270 = tpu.vector_load %arg8[%swap3A_268, %swap3A_269] {strides = array<i32>} : memref<32x1024xf32, #tpu.memory_space<vmem>>, vector<1x16xf32>,
      %swap3A_271 = vector.shape_cast %swap3A_270 : vector<1x16xf32> to vector<16xf32>
      %swap3A_272 = vector.shape_cast %add3A_267 : vector<16xf32> to vector<1x16xf32>
      tpu.vector_store %arg8[%swap3A_268, %swap3A_269], %swap3A_272 {strides = array<i32>} : memref<32x1024xf32, #tpu.memory_space<vmem>>, vector<1x16xf32>,
      %get3A_273 = arith.index_cast %add3A_22 : i32 to index
      %get3A_274 = arith.constant 288 : index
      %get3A_275 = tpu.vector_load %arg8[%get3A_273, %get3A_274] {strides = array<i32>} : memref<32x1024xf32, #tpu.memory_space<vmem>>, vector<1x16xf32>,
      %get3A_276 = vector.shape_cast %get3A_275 : vector<1x16xf32> to vector<16xf32>
      %get3A_277 = arith.index_cast %add3A_22 : i32 to index
      %get3A_278 = arith.constant 288 : index
      %get3A_279 = tpu.vector_load %arg9[%get3A_277, %get3A_278] {strides = array<i32>} : memref<32x1024xf32, #tpu.memory_space<vmem>>, vector<1x16xf32>,
      %get3A_280 = vector.shape_cast %get3A_279 : vector<1x16xf32> to vector<16xf32>
      %add3A_281 = arith.addf %get3A_276, %get3A_280 : vector<16xf32>
      %swap3A_282 = arith.index_cast %add3A_22 : i32 to index
      %swap3A_283 = arith.constant 288 : index
      %swap3A_284 = tpu.vector_load %arg8[%swap3A_282, %swap3A_283] {strides = array<i32>} : memref<32x1024xf32, #tpu.memory_space<vmem>>, vector<1x16xf32>,
      %swap3A_285 = vector.shape_cast %swap3A_284 : vector<1x16xf32> to vector<16xf32>
      %swap3A_286 = vector.shape_cast %add3A_281 : vector<16xf32> to vector<1x16xf32>
      tpu.vector_store %arg8[%swap3A_282, %swap3A_283], %swap3A_286 {strides = array<i32>} : memref<32x1024xf32, #tpu.memory_space<vmem>>, vector<1x16xf32>,
      %get3A_287 = arith.index_cast %add3A_22 : i32 to index
      %get3A_288 = arith.constant 304 : index
      %get3A_289 = tpu.vector_load %arg8[%get3A_287, %get3A_288] {strides = array<i32>} : memref<32x1024xf32, #tpu.memory_space<vmem>>, vector<1x16xf32>,
      %get3A_290 = vector.shape_cast %get3A_289 : vector<1x16xf32> to vector<16xf32>
      %get3A_291 = arith.index_cast %add3A_22 : i32 to index
      %get3A_292 = arith.constant 304 : index
      %get3A_293 = tpu.vector_load %arg9[%get3A_291, %get3A_292] {strides = array<i32>} : memref<32x1024xf32, #tpu.memory_space<vmem>>, vector<1x16xf32>,
      %get3A_294 = vector.shape_cast %get3A_293 : vector<1x16xf32> to vector<16xf32>
      %add3A_295 = arith.addf %get3A_290, %get3A_294 : vector<16xf32>
      %swap3A_296 = arith.index_cast %add3A_22 : i32 to index
      %swap3A_297 = arith.constant 304 : index
      %swap3A_298 = tpu.vector_load %arg8[%swap3A_296, %swap3A_297] {strides = array<i32>} : memref<32x1024xf32, #tpu.memory_space<vmem>>, vector<1x16xf32>,
      %swap3A_299 = vector.shape_cast %swap3A_298 : vector<1x16xf32> to vector<16xf32>
      %swap3A_300 = vector.shape_cast %add3A_295 : vector<16xf32> to vector<1x16xf32>
      tpu.vector_store %arg8[%swap3A_296, %swap3A_297], %swap3A_300 {strides = array<i32>} : memref<32x1024xf32, #tpu.memory_space<vmem>>, vector<1x16xf32>,
      %get3A_301 = arith.index_cast %add3A_22 : i32 to index
      %get3A_302 = arith.constant 320 : index
      %get3A_303 = tpu.vector_load %arg8[%get3A_301, %get3A_302] {strides = array<i32>} : memref<32x1024xf32, #tpu.memory_space<vmem>>, vector<1x16xf32>,
      %get3A_304 = vector.shape_cast %get3A_303 : vector<1x16xf32> to vector<16xf32>
      %get3A_305 = arith.index_cast %add3A_22 : i32 to index
      %get3A_306 = arith.constant 320 : index
      %get3A_307 = tpu.vector_load %arg9[%get3A_305, %get3A_306] {strides = array<i32>} : memref<32x1024xf32, #tpu.memory_space<vmem>>, vector<1x16xf32>,
      %get3A_308 = vector.shape_cast %get3A_307 : vector<1x16xf32> to vector<16xf32>
      %add3A_309 = arith.addf %get3A_304, %get3A_308 : vector<16xf32>
      %swap3A_310 = arith.index_cast %add3A_22 : i32 to index
      %swap3A_311 = arith.constant 320 : index
      %swap3A_312 = tpu.vector_load %arg8[%swap3A_310, %swap3A_311] {strides = array<i32>} : memref<32x1024xf32, #tpu.memory_space<vmem>>, vector<1x16xf32>,
      %swap3A_313 = vector.shape_cast %swap3A_312 : vector<1x16xf32> to vector<16xf32>
      %swap3A_314 = vector.shape_cast %add3A_309 : vector<16xf32> to vector<1x16xf32>
      tpu.vector_store %arg8[%swap3A_310, %swap3A_311], %swap3A_314 {strides = array<i32>} : memref<32x1024xf32, #tpu.memory_space<vmem>>, vector<1x16xf32>,
      %get3A_315 = arith.index_cast %add3A_22 : i32 to index
      %get3A_316 = arith.constant 336 : index
      %get3A_317 = tpu.vector_load %arg8[%get3A_315, %get3A_316] {strides = array<i32>} : memref<32x1024xf32, #tpu.memory_space<vmem>>, vector<1x16xf32>,
      %get3A_318 = vector.shape_cast %get3A_317 : vector<1x16xf32> to vector<16xf32>
      %get3A_319 = arith.index_cast %add3A_22 : i32 to index
      %get3A_320 = arith.constant 336 : index
      %get3A_321 = tpu.vector_load %arg9[%get3A_319, %get3A_320] {strides = array<i32>} : memref<32x1024xf32, #tpu.memory_space<vmem>>, vector<1x16xf32>,
      %get3A_322 = vector.shape_cast %get3A_321 : vector<1x16xf32> to vector<16xf32>
      %add3A_323 = arith.addf %get3A_318, %get3A_322 : vector<16xf32>
      %swap3A_324 = arith.index_cast %add3A_22 : i32 to index
      %swap3A_325 = arith.constant 336 : index
      %swap3A_326 = tpu.vector_load %arg8[%swap3A_324, %swap3A_325] {strides = array<i32>} : memref<32x1024xf32, #tpu.memory_space<vmem>>, vector<1x16xf32>,
      %swap3A_327 = vector.shape_cast %swap3A_326 : vector<1x16xf32> to vector<16xf32>
      %swap3A_328 = vector.shape_cast %add3A_323 : vector<16xf32> to vector<1x16xf32>
      tpu.vector_store %arg8[%swap3A_324, %swap3A_325], %swap3A_328 {strides = array<i32>} : memref<32x1024xf32, #tpu.memory_space<vmem>>, vector<1x16xf32>,
      %get3A_329 = arith.index_cast %add3A_22 : i32 to index
      %get3A_330 = arith.constant 352 : index
      %get3A_331 = tpu.vector_load %arg8[%get3A_329, %get3A_330] {strides = array<i32>} : memref<32x1024xf32, #tpu.memory_space<vmem>>, vector<1x16xf32>,
      %get3A_332 = vector.shape_cast %get3A_331 : vector<1x16xf32> to vector<16xf32>
      %get3A_333 = arith.index_cast %add3A_22 : i32 to index
      %get3A_334 = arith.constant 352 : index
      %get3A_335 = tpu.vector_load %arg9[%get3A_333, %get3A_334] {strides = array<i32>} : memref<32x1024xf32, #tpu.memory_space<vmem>>, vector<1x16xf32>,
      %get3A_336 = vector.shape_cast %get3A_335 : vector<1x16xf32> to vector<16xf32>
      %add3A_337 = arith.addf %get3A_332, %get3A_336 : vector<16xf32>
      %swap3A_338 = arith.index_cast %add3A_22 : i32 to index
      %swap3A_339 = arith.constant 352 : index
      %swap3A_340 = tpu.vector_load %arg8[%swap3A_338, %swap3A_339] {strides = array<i32>} : memref<32x1024xf32, #tpu.memory_space<vmem>>, vector<1x16xf32>,
      %swap3A_341 = vector.shape_cast %swap3A_340 : vector<1x16xf32> to vector<16xf32>
      %swap3A_342 = vector.shape_cast %add3A_337 : vector<16xf32> to vector<1x16xf32>
      tpu.vector_store %arg8[%swap3A_338, %swap3A_339], %swap3A_342 {strides = array<i32>} : memref<32x1024xf32, #tpu.memory_space<vmem>>, vector<1x16xf32>,
      %get3A_343 = arith.index_cast %add3A_22 : i32 to index
      %get3A_344 = arith.constant 368 : index
      %get3A_345 = tpu.vector_load %arg8[%get3A_343, %get3A_344] {strides = array<i32>} : memref<32x1024xf32, #tpu.memory_space<vmem>>, vector<1x16xf32>,
      %get3A_346 = vector.shape_cast %get3A_345 : vector<1x16xf32> to vector<16xf32>
      %get3A_347 = arith.index_cast %add3A_22 : i32 to index
      %get3A_348 = arith.constant 368 : index
      %get3A_349 = tpu.vector_load %arg9[%get3A_347, %get3A_348] {strides = array<i32>} : memref<32x1024xf32, #tpu.memory_space<vmem>>, vector<1x16xf32>,
      %get3A_350 = vector.shape_cast %get3A_349 : vector<1x16xf32> to vector<16xf32>
      %add3A_351 = arith.addf %get3A_346, %get3A_350 : vector<16xf32>
      %swap3A_352 = arith.index_cast %add3A_22 : i32 to index
      %swap3A_353 = arith.constant 368 : index
      %swap3A_354 = tpu.vector_load %arg8[%swap3A_352, %swap3A_353] {strides = array<i32>} : memref<32x1024xf32, #tpu.memory_space<vmem>>, vector<1x16xf32>,
      %swap3A_355 = vector.shape_cast %swap3A_354 : vector<1x16xf32> to vector<16xf32>
      %swap3A_356 = vector.shape_cast %add3A_351 : vector<16xf32> to vector<1x16xf32>
      tpu.vector_store %arg8[%swap3A_352, %swap3A_353], %swap3A_356 {strides = array<i32>} : memref<32x1024xf32, #tpu.memory_space<vmem>>, vector<1x16xf32>,
      %get3A_357 = arith.index_cast %add3A_22 : i32 to index
      %get3A_358 = arith.constant 384 : index
      %get3A_359 = tpu.vector_load %arg8[%get3A_357, %get3A_358] {strides = array<i32>} : memref<32x1024xf32, #tpu.memory_space<vmem>>, vector<1x16xf32>,
      %get3A_360 = vector.shape_cast %get3A_359 : vector<1x16xf32> to vector<16xf32>
      %get3A_361 = arith.index_cast %add3A_22 : i32 to index
      %get3A_362 = arith.constant 384 : index
      %get3A_363 = tpu.vector_load %arg9[%get3A_361, %get3A_362] {strides = array<i32>} : memref<32x1024xf32, #tpu.memory_space<vmem>>, vector<1x16xf32>,
      %get3A_364 = vector.shape_cast %get3A_363 : vector<1x16xf32> to vector<16xf32>
      %add3A_365 = arith.addf %get3A_360, %get3A_364 : vector<16xf32>
      %swap3A_366 = arith.index_cast %add3A_22 : i32 to index
      %swap3A_367 = arith.constant 384 : index
      %swap3A_368 = tpu.vector_load %arg8[%swap3A_366, %swap3A_367] {strides = array<i32>} : memref<32x1024xf32, #tpu.memory_space<vmem>>, vector<1x16xf32>,
      %swap3A_369 = vector.shape_cast %swap3A_368 : vector<1x16xf32> to vector<16xf32>
      %swap3A_370 = vector.shape_cast %add3A_365 : vector<16xf32> to vector<1x16xf32>
      tpu.vector_store %arg8[%swap3A_366, %swap3A_367], %swap3A_370 {strides = array<i32>} : memref<32x1024xf32, #tpu.memory_space<vmem>>, vector<1x16xf32>,
      %get3A_371 = arith.index_cast %add3A_22 : i32 to index
      %get3A_372 = arith.constant 400 : index
      %get3A_373 = tpu.vector_load %arg8[%get3A_371, %get3A_372] {strides = array<i32>} : memref<32x1024xf32, #tpu.memory_space<vmem>>, vector<1x16xf32>,
      %get3A_374 = vector.shape_cast %get3A_373 : vector<1x16xf32> to vector<16xf32>
      %get3A_375 = arith.index_cast %add3A_22 : i32 to index
      %get3A_376 = arith.constant 400 : index
      %get3A_377 = tpu.vector_load %arg9[%get3A_375, %get3A_376] {strides = array<i32>} : memref<32x1024xf32, #tpu.memory_space<vmem>>, vector<1x16xf32>,
      %get3A_378 = vector.shape_cast %get3A_377 : vector<1x16xf32> to vector<16xf32>
      %add3A_379 = arith.addf %get3A_374, %get3A_378 : vector<16xf32>
      %swap3A_380 = arith.index_cast %add3A_22 : i32 to index
      %swap3A_381 = arith.constant 400 : index
      %swap3A_382 = tpu.vector_load %arg8[%swap3A_380, %swap3A_381] {strides = array<i32>} : memref<32x1024xf32, #tpu.memory_space<vmem>>, vector<1x16xf32>,
      %swap3A_383 = vector.shape_cast %swap3A_382 : vector<1x16xf32> to vector<16xf32>
      %swap3A_384 = vector.shape_cast %add3A_379 : vector<16xf32> to vector<1x16xf32>
      tpu.vector_store %arg8[%swap3A_380, %swap3A_381], %swap3A_384 {strides = array<i32>} : memref<32x1024xf32, #tpu.memory_space<vmem>>, vector<1x16xf32>,
      %get3A_385 = arith.index_cast %add3A_22 : i32 to index
      %get3A_386 = arith.constant 416 : index
      %get3A_387 = tpu.vector_load %arg8[%get3A_385, %get3A_386] {strides = array<i32>} : memref<32x1024xf32, #tpu.memory_space<vmem>>, vector<1x16xf32>,
      %get3A_388 = vector.shape_cast %get3A_387 : vector<1x16xf32> to vector<16xf32>
      %get3A_389 = arith.index_cast %add3A_22 : i32 to index
      %get3A_390 = arith.constant 416 : index
      %get3A_391 = tpu.vector_load %arg9[%get3A_389, %get3A_390] {strides = array<i32>} : memref<32x1024xf32, #tpu.memory_space<vmem>>, vector<1x16xf32>,
      %get3A_392 = vector.shape_cast %get3A_391 : vector<1x16xf32> to vector<16xf32>
      %add3A_393 = arith.addf %get3A_388, %get3A_392 : vector<16xf32>
      %swap3A_394 = arith.index_cast %add3A_22 : i32 to index
      %swap3A_395 = arith.constant 416 : index
      %swap3A_396 = tpu.vector_load %arg8[%swap3A_394, %swap3A_395] {strides = array<i32>} : memref<32x1024xf32, #tpu.memory_space<vmem>>, vector<1x16xf32>,
      %swap3A_397 = vector.shape_cast %swap3A_396 : vector<1x16xf32> to vector<16xf32>
      %swap3A_398 = vector.shape_cast %add3A_393 : vector<16xf32> to vector<1x16xf32>
      tpu.vector_store %arg8[%swap3A_394, %swap3A_395], %swap3A_398 {strides = array<i32>} : memref<32x1024xf32, #tpu.memory_space<vmem>>, vector<1x16xf32>,
      %get3A_399 = arith.index_cast %add3A_22 : i32 to index
      %get3A_400 = arith.constant 432 : index
      %get3A_401 = tpu.vector_load %arg8[%get3A_399, %get3A_400] {strides = array<i32>} : memref<32x1024xf32, #tpu.memory_space<vmem>>, vector<1x16xf32>,
      %get3A_402 = vector.shape_cast %get3A_401 : vector<1x16xf32> to vector<16xf32>
      %get3A_403 = arith.index_cast %add3A_22 : i32 to index
      %get3A_404 = arith.constant 432 : index
      %get3A_405 = tpu.vector_load %arg9[%get3A_403, %get3A_404] {strides = array<i32>} : memref<32x1024xf32, #tpu.memory_space<vmem>>, vector<1x16xf32>,
      %get3A_406 = vector.shape_cast %get3A_405 : vector<1x16xf32> to vector<16xf32>
      %add3A_407 = arith.addf %get3A_402, %get3A_406 : vector<16xf32>
      %swap3A_408 = arith.index_cast %add3A_22 : i32 to index
      %swap3A_409 = arith.constant 432 : index
      %swap3A_410 = tpu.vector_load %arg8[%swap3A_408, %swap3A_409] {strides = array<i32>} : memref<32x1024xf32, #tpu.memory_space<vmem>>, vector<1x16xf32>,
      %swap3A_411 = vector.shape_cast %swap3A_410 : vector<1x16xf32> to vector<16xf32>
      %swap3A_412 = vector.shape_cast %add3A_407 : vector<16xf32> to vector<1x16xf32>
      tpu.vector_store %arg8[%swap3A_408, %swap3A_409], %swap3A_412 {strides = array<i32>} : memref<32x1024xf32, #tpu.memory_space<vmem>>, vector<1x16xf32>,
      %get3A_413 = arith.index_cast %add3A_22 : i32 to index
      %get3A_414 = arith.constant 448 : index
      %get3A_415 = tpu.vector_load %arg8[%get3A_413, %get3A_414] {strides = array<i32>} : memref<32x1024xf32, #tpu.memory_space<vmem>>, vector<1x16xf32>,
      %get3A_416 = vector.shape_cast %get3A_415 : vector<1x16xf32> to vector<16xf32>
      %get3A_417 = arith.index_cast %add3A_22 : i32 to index
      %get3A_418 = arith.constant 448 : index
      %get3A_419 = tpu.vector_load %arg9[%get3A_417, %get3A_418] {strides = array<i32>} : memref<32x1024xf32, #tpu.memory_space<vmem>>, vector<1x16xf32>,
      %get3A_420 = vector.shape_cast %get3A_419 : vector<1x16xf32> to vector<16xf32>
      %add3A_421 = arith.addf %get3A_416, %get3A_420 : vector<16xf32>
      %swap3A_422 = arith.index_cast %add3A_22 : i32 to index
      %swap3A_423 = arith.constant 448 : index
      %swap3A_424 = tpu.vector_load %arg8[%swap3A_422, %swap3A_423] {strides = array<i32>} : memref<32x1024xf32, #tpu.memory_space<vmem>>, vector<1x16xf32>,
      %swap3A_425 = vector.shape_cast %swap3A_424 : vector<1x16xf32> to vector<16xf32>
      %swap3A_426 = vector.shape_cast %add3A_421 : vector<16xf32> to vector<1x16xf32>
      tpu.vector_store %arg8[%swap3A_422, %swap3A_423], %swap3A_426 {strides = array<i32>} : memref<32x1024xf32, #tpu.memory_space<vmem>>, vector<1x16xf32>,
      %get3A_427 = arith.index_cast %add3A_22 : i32 to index
      %get3A_428 = arith.constant 464 : index
      %get3A_429 = tpu.vector_load %arg8[%get3A_427, %get3A_428] {strides = array<i32>} : memref<32x1024xf32, #tpu.memory_space<vmem>>, vector<1x16xf32>,
      %get3A_430 = vector.shape_cast %get3A_429 : vector<1x16xf32> to vector<16xf32>
      %get3A_431 = arith.index_cast %add3A_22 : i32 to index
      %get3A_432 = arith.constant 464 : index
      %get3A_433 = tpu.vector_load %arg9[%get3A_431, %get3A_432] {strides = array<i32>} : memref<32x1024xf32, #tpu.memory_space<vmem>>, vector<1x16xf32>,
      %get3A_434 = vector.shape_cast %get3A_433 : vector<1x16xf32> to vector<16xf32>
      %add3A_435 = arith.addf %get3A_430, %get3A_434 : vector<16xf32>
      %swap3A_436 = arith.index_cast %add3A_22 : i32 to index
      %swap3A_437 = arith.constant 464 : index
      %swap3A_438 = tpu.vector_load %arg8[%swap3A_436, %swap3A_437] {strides = array<i32>} : memref<32x1024xf32, #tpu.memory_space<vmem>>, vector<1x16xf32>,
      %swap3A_439 = vector.shape_cast %swap3A_438 : vector<1x16xf32> to vector<16xf32>
      %swap3A_440 = vector.shape_cast %add3A_435 : vector<16xf32> to vector<1x16xf32>
      tpu.vector_store %arg8[%swap3A_436, %swap3A_437], %swap3A_440 {strides = array<i32>} : memref<32x1024xf32, #tpu.memory_space<vmem>>, vector<1x16xf32>,
      %get3A_441 = arith.index_cast %add3A_22 : i32 to index
      %get3A_442 = arith.constant 480 : index
      %get3A_443 = tpu.vector_load %arg8[%get3A_441, %get3A_442] {strides = array<i32>} : memref<32x1024xf32, #tpu.memory_space<vmem>>, vector<1x16xf32>,
      %get3A_444 = vector.shape_cast %get3A_443 : vector<1x16xf32> to vector<16xf32>
      %get3A_445 = arith.index_cast %add3A_22 : i32 to index
      %get3A_446 = arith.constant 480 : index
      %get3A_447 = tpu.vector_load %arg9[%get3A_445, %get3A_446] {strides = array<i32>} : memref<32x1024xf32, #tpu.memory_space<vmem>>, vector<1x16xf32>,
      %get3A_448 = vector.shape_cast %get3A_447 : vector<1x16xf32> to vector<16xf32>
      %add3A_449 = arith.addf %get3A_444, %get3A_448 : vector<16xf32>
      %swap3A_450 = arith.index_cast %add3A_22 : i32 to index
      %swap3A_451 = arith.constant 480 : index
      %swap3A_452 = tpu.vector_load %arg8[%swap3A_450, %swap3A_451] {strides = array<i32>} : memref<32x1024xf32, #tpu.memory_space<vmem>>, vector<1x16xf32>,
      %swap3A_453 = vector.shape_cast %swap3A_452 : vector<1x16xf32> to vector<16xf32>
      %swap3A_454 = vector.shape_cast %add3A_449 : vector<16xf32> to vector<1x16xf32>
      tpu.vector_store %arg8[%swap3A_450, %swap3A_451], %swap3A_454 {strides = array<i32>} : memref<32x1024xf32, #tpu.memory_space<vmem>>, vector<1x16xf32>,
      %get3A_455 = arith.index_cast %add3A_22 : i32 to index
      %get3A_456 = arith.constant 496 : index
      %get3A_457 = tpu.vector_load %arg8[%get3A_455, %get3A_456] {strides = array<i32>} : memref<32x1024xf32, #tpu.memory_space<vmem>>, vector<1x16xf32>,
      %get3A_458 = vector.shape_cast %get3A_457 : vector<1x16xf32> to vector<16xf32>
      %get3A_459 = arith.index_cast %add3A_22 : i32 to index
      %get3A_460 = arith.constant 496 : index
      %get3A_461 = tpu.vector_load %arg9[%get3A_459, %get3A_460] {strides = array<i32>} : memref<32x1024xf32, #tpu.memory_space<vmem>>, vector<1x16xf32>,
      %get3A_462 = vector.shape_cast %get3A_461 : vector<1x16xf32> to vector<16xf32>
      %add3A_463 = arith.addf %get3A_458, %get3A_462 : vector<16xf32>
      %swap3A_464 = arith.index_cast %add3A_22 : i32 to index
      %swap3A_465 = arith.constant 496 : index
      %swap3A_466 = tpu.vector_load %arg8[%swap3A_464, %swap3A_465] {strides = array<i32>} : memref<32x1024xf32, #tpu.memory_space<vmem>>, vector<1x16xf32>,
      %swap3A_467 = vector.shape_cast %swap3A_466 : vector<1x16xf32> to vector<16xf32>
      %swap3A_468 = vector.shape_cast %add3A_463 : vector<16xf32> to vector<1x16xf32>
      tpu.vector_store %arg8[%swap3A_464, %swap3A_465], %swap3A_468 {strides = array<i32>} : memref<32x1024xf32, #tpu.memory_space<vmem>>, vector<1x16xf32>,
      %get3A_469 = arith.index_cast %add3A_22 : i32 to index
      %get3A_470 = arith.constant 512 : index
      %get3A_471 = tpu.vector_load %arg8[%get3A_469, %get3A_470] {strides = array<i32>} : memref<32x1024xf32, #tpu.memory_space<vmem>>, vector<1x16xf32>,
      %get3A_472 = vector.shape_cast %get3A_471 : vector<1x16xf32> to vector<16xf32>
      %get3A_473 = arith.index_cast %add3A_22 : i32 to index
      %get3A_474 = arith.constant 512 : index
      %get3A_475 = tpu.vector_load %arg9[%get3A_473, %get3A_474] {strides = array<i32>} : memref<32x1024xf32, #tpu.memory_space<vmem>>, vector<1x16xf32>,
      %get3A_476 = vector.shape_cast %get3A_475 : vector<1x16xf32> to vector<16xf32>
      %add3A_477 = arith.addf %get3A_472, %get3A_476 : vector<16xf32>
      %swap3A_478 = arith.index_cast %add3A_22 : i32 to index
      %swap3A_479 = arith.constant 512 : index
      %swap3A_480 = tpu.vector_load %arg8[%swap3A_478, %swap3A_479] {strides = array<i32>} : memref<32x1024xf32, #tpu.memory_space<vmem>>, vector<1x16xf32>,
      %swap3A_481 = vector.shape_cast %swap3A_480 : vector<1x16xf32> to vector<16xf32>
      %swap3A_482 = vector.shape_cast %add3A_477 : vector<16xf32> to vector<1x16xf32>
      tpu.vector_store %arg8[%swap3A_478, %swap3A_479], %swap3A_482 {strides = array<i32>} : memref<32x1024xf32, #tpu.memory_space<vmem>>, vector<1x16xf32>,
      %get3A_483 = arith.index_cast %add3A_22 : i32 to index
      %get3A_484 = arith.constant 528 : index
      %get3A_485 = tpu.vector_load %arg8[%get3A_483, %get3A_484] {strides = array<i32>} : memref<32x1024xf32, #tpu.memory_space<vmem>>, vector<1x16xf32>,
      %get3A_486 = vector.shape_cast %get3A_485 : vector<1x16xf32> to vector<16xf32>
      %get3A_487 = arith.index_cast %add3A_22 : i32 to index
      %get3A_488 = arith.constant 528 : index
      %get3A_489 = tpu.vector_load %arg9[%get3A_487, %get3A_488] {strides = array<i32>} : memref<32x1024xf32, #tpu.memory_space<vmem>>, vector<1x16xf32>,
      %get3A_490 = vector.shape_cast %get3A_489 : vector<1x16xf32> to vector<16xf32>
      %add3A_491 = arith.addf %get3A_486, %get3A_490 : vector<16xf32>
      %swap3A_492 = arith.index_cast %add3A_22 : i32 to index
      %swap3A_493 = arith.constant 528 : index
      %swap3A_494 = tpu.vector_load %arg8[%swap3A_492, %swap3A_493] {strides = array<i32>} : memref<32x1024xf32, #tpu.memory_space<vmem>>, vector<1x16xf32>,
      %swap3A_495 = vector.shape_cast %swap3A_494 : vector<1x16xf32> to vector<16xf32>
      %swap3A_496 = vector.shape_cast %add3A_491 : vector<16xf32> to vector<1x16xf32>
      tpu.vector_store %arg8[%swap3A_492, %swap3A_493], %swap3A_496 {strides = array<i32>} : memref<32x1024xf32, #tpu.memory_space<vmem>>, vector<1x16xf32>,
      %get3A_497 = arith.index_cast %add3A_22 : i32 to index
      %get3A_498 = arith.constant 544 : index
      %get3A_499 = tpu.vector_load %arg8[%get3A_497, %get3A_498] {strides = array<i32>} : memref<32x1024xf32, #tpu.memory_space<vmem>>, vector<1x16xf32>,
      %get3A_500 = vector.shape_cast %get3A_499 : vector<1x16xf32> to vector<16xf32>
      %get3A_501 = arith.index_cast %add3A_22 : i32 to index
      %get3A_502 = arith.constant 544 : index
      %get3A_503 = tpu.vector_load %arg9[%get3A_501, %get3A_502] {strides = array<i32>} : memref<32x1024xf32, #tpu.memory_space<vmem>>, vector<1x16xf32>,
      %get3A_504 = vector.shape_cast %get3A_503 : vector<1x16xf32> to vector<16xf32>
      %add3A_505 = arith.addf %get3A_500, %get3A_504 : vector<16xf32>
      %swap3A_506 = arith.index_cast %add3A_22 : i32 to index
      %swap3A_507 = arith.constant 544 : index
      %swap3A_508 = tpu.vector_load %arg8[%swap3A_506, %swap3A_507] {strides = array<i32>} : memref<32x1024xf32, #tpu.memory_space<vmem>>, vector<1x16xf32>,
      %swap3A_509 = vector.shape_cast %swap3A_508 : vector<1x16xf32> to vector<16xf32>
      %swap3A_510 = vector.shape_cast %add3A_505 : vector<16xf32> to vector<1x16xf32>
      tpu.vector_store %arg8[%swap3A_506, %swap3A_507], %swap3A_510 {strides = array<i32>} : memref<32x1024xf32, #tpu.memory_space<vmem>>, vector<1x16xf32>,
      %get3A_511 = arith.index_cast %add3A_22 : i32 to index
      %get3A_512 = arith.constant 560 : index
      %get3A_513 = tpu.vector_load %arg8[%get3A_511, %get3A_512] {strides = array<i32>} : memref<32x1024xf32, #tpu.memory_space<vmem>>, vector<1x16xf32>,
      %get3A_514 = vector.shape_cast %get3A_513 : vector<1x16xf32> to vector<16xf32>
      %get3A_515 = arith.index_cast %add3A_22 : i32 to index
      %get3A_516 = arith.constant 560 : index
      %get3A_517 = tpu.vector_load %arg9[%get3A_515, %get3A_516] {strides = array<i32>} : memref<32x1024xf32, #tpu.memory_space<vmem>>, vector<1x16xf32>,
      %get3A_518 = vector.shape_cast %get3A_517 : vector<1x16xf32> to vector<16xf32>
      %add3A_519 = arith.addf %get3A_514, %get3A_518 : vector<16xf32>
      %swap3A_520 = arith.index_cast %add3A_22 : i32 to index
      %swap3A_521 = arith.constant 560 : index
      %swap3A_522 = tpu.vector_load %arg8[%swap3A_520, %swap3A_521] {strides = array<i32>} : memref<32x1024xf32, #tpu.memory_space<vmem>>, vector<1x16xf32>,
      %swap3A_523 = vector.shape_cast %swap3A_522 : vector<1x16xf32> to vector<16xf32>
      %swap3A_524 = vector.shape_cast %add3A_519 : vector<16xf32> to vector<1x16xf32>
      tpu.vector_store %arg8[%swap3A_520, %swap3A_521], %swap3A_524 {strides = array<i32>} : memref<32x1024xf32, #tpu.memory_space<vmem>>, vector<1x16xf32>,
      %get3A_525 = arith.index_cast %add3A_22 : i32 to index
      %get3A_526 = arith.constant 576 : index
      %get3A_527 = tpu.vector_load %arg8[%get3A_525, %get3A_526] {strides = array<i32>} : memref<32x1024xf32, #tpu.memory_space<vmem>>, vector<1x16xf32>,
      %get3A_528 = vector.shape_cast %get3A_527 : vector<1x16xf32> to vector<16xf32>
      %get3A_529 = arith.index_cast %add3A_22 : i32 to index
      %get3A_530 = arith.constant 576 : index
      %get3A_531 = tpu.vector_load %arg9[%get3A_529, %get3A_530] {strides = array<i32>} : memref<32x1024xf32, #tpu.memory_space<vmem>>, vector<1x16xf32>,
      %get3A_532 = vector.shape_cast %get3A_531 : vector<1x16xf32> to vector<16xf32>
      %add3A_533 = arith.addf %get3A_528, %get3A_532 : vector<16xf32>
      %swap3A_534 = arith.index_cast %add3A_22 : i32 to index
      %swap3A_535 = arith.constant 576 : index
      %swap3A_536 = tpu.vector_load %arg8[%swap3A_534, %swap3A_535] {strides = array<i32>} : memref<32x1024xf32, #tpu.memory_space<vmem>>, vector<1x16xf32>,
      %swap3A_537 = vector.shape_cast %swap3A_536 : vector<1x16xf32> to vector<16xf32>
      %swap3A_538 = vector.shape_cast %add3A_533 : vector<16xf32> to vector<1x16xf32>
      tpu.vector_store %arg8[%swap3A_534, %swap3A_535], %swap3A_538 {strides = array<i32>} : memref<32x1024xf32, #tpu.memory_space<vmem>>, vector<1x16xf32>,
      %get3A_539 = arith.index_cast %add3A_22 : i32 to index
      %get3A_540 = arith.constant 592 : index
      %get3A_541 = tpu.vector_load %arg8[%get3A_539, %get3A_540] {strides = array<i32>} : memref<32x1024xf32, #tpu.memory_space<vmem>>, vector<1x16xf32>,
      %get3A_542 = vector.shape_cast %get3A_541 : vector<1x16xf32> to vector<16xf32>
      %get3A_543 = arith.index_cast %add3A_22 : i32 to index
      %get3A_544 = arith.constant 592 : index
      %get3A_545 = tpu.vector_load %arg9[%get3A_543, %get3A_544] {strides = array<i32>} : memref<32x1024xf32, #tpu.memory_space<vmem>>, vector<1x16xf32>,
      %get3A_546 = vector.shape_cast %get3A_545 : vector<1x16xf32> to vector<16xf32>
      %add3A_547 = arith.addf %get3A_542, %get3A_546 : vector<16xf32>
      %swap3A_548 = arith.index_cast %add3A_22 : i32 to index
      %swap3A_549 = arith.constant 592 : index
      %swap3A_550 = tpu.vector_load %arg8[%swap3A_548, %swap3A_549] {strides = array<i32>} : memref<32x1024xf32, #tpu.memory_space<vmem>>, vector<1x16xf32>,
      %swap3A_551 = vector.shape_cast %swap3A_550 : vector<1x16xf32> to vector<16xf32>
      %swap3A_552 = vector.shape_cast %add3A_547 : vector<16xf32> to vector<1x16xf32>
      tpu.vector_store %arg8[%swap3A_548, %swap3A_549], %swap3A_552 {strides = array<i32>} : memref<32x1024xf32, #tpu.memory_space<vmem>>, vector<1x16xf32>,
      %get3A_553 = arith.index_cast %add3A_22 : i32 to index
      %get3A_554 = arith.constant 608 : index
      %get3A_555 = tpu.vector_load %arg8[%get3A_553, %get3A_554] {strides = array<i32>} : memref<32x1024xf32, #tpu.memory_space<vmem>>, vector<1x16xf32>,
      %get3A_556 = vector.shape_cast %get3A_555 : vector<1x16xf32> to vector<16xf32>
      %get3A_557 = arith.index_cast %add3A_22 : i32 to index
      %get3A_558 = arith.constant 608 : index
      %get3A_559 = tpu.vector_load %arg9[%get3A_557, %get3A_558] {strides = array<i32>} : memref<32x1024xf32, #tpu.memory_space<vmem>>, vector<1x16xf32>,
      %get3A_560 = vector.shape_cast %get3A_559 : vector<1x16xf32> to vector<16xf32>
      %add3A_561 = arith.addf %get3A_556, %get3A_560 : vector<16xf32>
      %swap3A_562 = arith.index_cast %add3A_22 : i32 to index
      %swap3A_563 = arith.constant 608 : index
      %swap3A_564 = tpu.vector_load %arg8[%swap3A_562, %swap3A_563] {strides = array<i32>} : memref<32x1024xf32, #tpu.memory_space<vmem>>, vector<1x16xf32>,
      %swap3A_565 = vector.shape_cast %swap3A_564 : vector<1x16xf32> to vector<16xf32>
      %swap3A_566 = vector.shape_cast %add3A_561 : vector<16xf32> to vector<1x16xf32>
      tpu.vector_store %arg8[%swap3A_562, %swap3A_563], %swap3A_566 {strides = array<i32>} : memref<32x1024xf32, #tpu.memory_space<vmem>>, vector<1x16xf32>,
      %get3A_567 = arith.index_cast %add3A_22 : i32 to index
      %get3A_568 = arith.constant 624 : index
      %get3A_569 = tpu.vector_load %arg8[%get3A_567, %get3A_568] {strides = array<i32>} : memref<32x1024xf32, #tpu.memory_space<vmem>>, vector<1x16xf32>,
      %get3A_570 = vector.shape_cast %get3A_569 : vector<1x16xf32> to vector<16xf32>
      %get3A_571 = arith.index_cast %add3A_22 : i32 to index
      %get3A_572 = arith.constant 624 : index
      %get3A_573 = tpu.vector_load %arg9[%get3A_571, %get3A_572] {strides = array<i32>} : memref<32x1024xf32, #tpu.memory_space<vmem>>, vector<1x16xf32>,
      %get3A_574 = vector.shape_cast %get3A_573 : vector<1x16xf32> to vector<16xf32>
      %add3A_575 = arith.addf %get3A_570, %get3A_574 : vector<16xf32>
      %swap3A_576 = arith.index_cast %add3A_22 : i32 to index
      %swap3A_577 = arith.constant 624 : index
      %swap3A_578 = tpu.vector_load %arg8[%swap3A_576, %swap3A_577] {strides = array<i32>} : memref<32x1024xf32, #tpu.memory_space<vmem>>, vector<1x16xf32>,
      %swap3A_579 = vector.shape_cast %swap3A_578 : vector<1x16xf32> to vector<16xf32>
      %swap3A_580 = vector.shape_cast %add3A_575 : vector<16xf32> to vector<1x16xf32>
      tpu.vector_store %arg8[%swap3A_576, %swap3A_577], %swap3A_580 {strides = array<i32>} : memref<32x1024xf32, #tpu.memory_space<vmem>>, vector<1x16xf32>,
      %get3A_581 = arith.index_cast %add3A_22 : i32 to index
      %get3A_582 = arith.constant 640 : index
      %get3A_583 = tpu.vector_load %arg8[%get3A_581, %get3A_582] {strides = array<i32>} : memref<32x1024xf32, #tpu.memory_space<vmem>>, vector<1x16xf32>,
      %get3A_584 = vector.shape_cast %get3A_583 : vector<1x16xf32> to vector<16xf32>
      %get3A_585 = arith.index_cast %add3A_22 : i32 to index
      %get3A_586 = arith.constant 640 : index
      %get3A_587 = tpu.vector_load %arg9[%get3A_585, %get3A_586] {strides = array<i32>} : memref<32x1024xf32, #tpu.memory_space<vmem>>, vector<1x16xf32>,
      %get3A_588 = vector.shape_cast %get3A_587 : vector<1x16xf32> to vector<16xf32>
      %add3A_589 = arith.addf %get3A_584, %get3A_588 : vector<16xf32>
      %swap3A_590 = arith.index_cast %add3A_22 : i32 to index
      %swap3A_591 = arith.constant 640 : index
      %swap3A_592 = tpu.vector_load %arg8[%swap3A_590, %swap3A_591] {strides = array<i32>} : memref<32x1024xf32, #tpu.memory_space<vmem>>, vector<1x16xf32>,
      %swap3A_593 = vector.shape_cast %swap3A_592 : vector<1x16xf32> to vector<16xf32>
      %swap3A_594 = vector.shape_cast %add3A_589 : vector<16xf32> to vector<1x16xf32>
      tpu.vector_store %arg8[%swap3A_590, %swap3A_591], %swap3A_594 {strides = array<i32>} : memref<32x1024xf32, #tpu.memory_space<vmem>>, vector<1x16xf32>,
      %get3A_595 = arith.index_cast %add3A_22 : i32 to index
      %get3A_596 = arith.constant 656 : index
      %get3A_597 = tpu.vector_load %arg8[%get3A_595, %get3A_596] {strides = array<i32>} : memref<32x1024xf32, #tpu.memory_space<vmem>>, vector<1x16xf32>,
      %get3A_598 = vector.shape_cast %get3A_597 : vector<1x16xf32> to vector<16xf32>
      %get3A_599 = arith.index_cast %add3A_22 : i32 to index
      %get3A_600 = arith.constant 656 : index
      %get3A_601 = tpu.vector_load %arg9[%get3A_599, %get3A_600] {strides = array<i32>} : memref<32x1024xf32, #tpu.memory_space<vmem>>, vector<1x16xf32>,
      %get3A_602 = vector.shape_cast %get3A_601 : vector<1x16xf32> to vector<16xf32>
      %add3A_603 = arith.addf %get3A_598, %get3A_602 : vector<16xf32>
      %swap3A_604 = arith.index_cast %add3A_22 : i32 to index
      %swap3A_605 = arith.constant 656 : index
      %swap3A_606 = tpu.vector_load %arg8[%swap3A_604, %swap3A_605] {strides = array<i32>} : memref<32x1024xf32, #tpu.memory_space<vmem>>, vector<1x16xf32>,
      %swap3A_607 = vector.shape_cast %swap3A_606 : vector<1x16xf32> to vector<16xf32>
      %swap3A_608 = vector.shape_cast %add3A_603 : vector<16xf32> to vector<1x16xf32>
      tpu.vector_store %arg8[%swap3A_604, %swap3A_605], %swap3A_608 {strides = array<i32>} : memref<32x1024xf32, #tpu.memory_space<vmem>>, vector<1x16xf32>,
      %get3A_609 = arith.index_cast %add3A_22 : i32 to index
      %get3A_610 = arith.constant 672 : index
      %get3A_611 = tpu.vector_load %arg8[%get3A_609, %get3A_610] {strides = array<i32>} : memref<32x1024xf32, #tpu.memory_space<vmem>>, vector<1x16xf32>,
      %get3A_612 = vector.shape_cast %get3A_611 : vector<1x16xf32> to vector<16xf32>
      %get3A_613 = arith.index_cast %add3A_22 : i32 to index
      %get3A_614 = arith.constant 672 : index
      %get3A_615 = tpu.vector_load %arg9[%get3A_613, %get3A_614] {strides = array<i32>} : memref<32x1024xf32, #tpu.memory_space<vmem>>, vector<1x16xf32>,
      %get3A_616 = vector.shape_cast %get3A_615 : vector<1x16xf32> to vector<16xf32>
      %add3A_617 = arith.addf %get3A_612, %get3A_616 : vector<16xf32>
      %swap3A_618 = arith.index_cast %add3A_22 : i32 to index
      %swap3A_619 = arith.constant 672 : index
      %swap3A_620 = tpu.vector_load %arg8[%swap3A_618, %swap3A_619] {strides = array<i32>} : memref<32x1024xf32, #tpu.memory_space<vmem>>, vector<1x16xf32>,
      %swap3A_621 = vector.shape_cast %swap3A_620 : vector<1x16xf32> to vector<16xf32>
      %swap3A_622 = vector.shape_cast %add3A_617 : vector<16xf32> to vector<1x16xf32>
      tpu.vector_store %arg8[%swap3A_618, %swap3A_619], %swap3A_622 {strides = array<i32>} : memref<32x1024xf32, #tpu.memory_space<vmem>>, vector<1x16xf32>,
      %get3A_623 = arith.index_cast %add3A_22 : i32 to index
      %get3A_624 = arith.constant 688 : index
      %get3A_625 = tpu.vector_load %arg8[%get3A_623, %get3A_624] {strides = array<i32>} : memref<32x1024xf32, #tpu.memory_space<vmem>>, vector<1x16xf32>,
      %get3A_626 = vector.shape_cast %get3A_625 : vector<1x16xf32> to vector<16xf32>
      %get3A_627 = arith.index_cast %add3A_22 : i32 to index
      %get3A_628 = arith.constant 688 : index
      %get3A_629 = tpu.vector_load %arg9[%get3A_627, %get3A_628] {strides = array<i32>} : memref<32x1024xf32, #tpu.memory_space<vmem>>, vector<1x16xf32>,
      %get3A_630 = vector.shape_cast %get3A_629 : vector<1x16xf32> to vector<16xf32>
      %add3A_631 = arith.addf %get3A_626, %get3A_630 : vector<16xf32>
      %swap3A_632 = arith.index_cast %add3A_22 : i32 to index
      %swap3A_633 = arith.constant 688 : index
      %swap3A_634 = tpu.vector_load %arg8[%swap3A_632, %swap3A_633] {strides = array<i32>} : memref<32x1024xf32, #tpu.memory_space<vmem>>, vector<1x16xf32>,
      %swap3A_635 = vector.shape_cast %swap3A_634 : vector<1x16xf32> to vector<16xf32>
      %swap3A_636 = vector.shape_cast %add3A_631 : vector<16xf32> to vector<1x16xf32>
      tpu.vector_store %arg8[%swap3A_632, %swap3A_633], %swap3A_636 {strides = array<i32>} : memref<32x1024xf32, #tpu.memory_space<vmem>>, vector<1x16xf32>,
      %get3A_637 = arith.index_cast %add3A_22 : i32 to index
      %get3A_638 = arith.constant 704 : index
      %get3A_639 = tpu.vector_load %arg8[%get3A_637, %get3A_638] {strides = array<i32>} : memref<32x1024xf32, #tpu.memory_space<vmem>>, vector<1x16xf32>,
      %get3A_640 = vector.shape_cast %get3A_639 : vector<1x16xf32> to vector<16xf32>
      %get3A_641 = arith.index_cast %add3A_22 : i32 to index
      %get3A_642 = arith.constant 704 : index
      %get3A_643 = tpu.vector_load %arg9[%get3A_641, %get3A_642] {strides = array<i32>} : memref<32x1024xf32, #tpu.memory_space<vmem>>, vector<1x16xf32>,
      %get3A_644 = vector.shape_cast %get3A_643 : vector<1x16xf32> to vector<16xf32>
      %add3A_645 = arith.addf %get3A_640, %get3A_644 : vector<16xf32>
      %swap3A_646 = arith.index_cast %add3A_22 : i32 to index
      %swap3A_647 = arith.constant 704 : index
      %swap3A_648 = tpu.vector_load %arg8[%swap3A_646, %swap3A_647] {strides = array<i32>} : memref<32x1024xf32, #tpu.memory_space<vmem>>, vector<1x16xf32>,
      %swap3A_649 = vector.shape_cast %swap3A_648 : vector<1x16xf32> to vector<16xf32>
      %swap3A_650 = vector.shape_cast %add3A_645 : vector<16xf32> to vector<1x16xf32>
      tpu.vector_store %arg8[%swap3A_646, %swap3A_647], %swap3A_650 {strides = array<i32>} : memref<32x1024xf32, #tpu.memory_space<vmem>>, vector<1x16xf32>,
      %get3A_651 = arith.index_cast %add3A_22 : i32 to index
      %get3A_652 = arith.constant 720 : index
      %get3A_653 = tpu.vector_load %arg8[%get3A_651, %get3A_652] {strides = array<i32>} : memref<32x1024xf32, #tpu.memory_space<vmem>>, vector<1x16xf32>,
      %get3A_654 = vector.shape_cast %get3A_653 : vector<1x16xf32> to vector<16xf32>
      %get3A_655 = arith.index_cast %add3A_22 : i32 to index
      %get3A_656 = arith.constant 720 : index
      %get3A_657 = tpu.vector_load %arg9[%get3A_655, %get3A_656] {strides = array<i32>} : memref<32x1024xf32, #tpu.memory_space<vmem>>, vector<1x16xf32>,
      %get3A_658 = vector.shape_cast %get3A_657 : vector<1x16xf32> to vector<16xf32>
      %add3A_659 = arith.addf %get3A_654, %get3A_658 : vector<16xf32>
      %swap3A_660 = arith.index_cast %add3A_22 : i32 to index
      %swap3A_661 = arith.constant 720 : index
      %swap3A_662 = tpu.vector_load %arg8[%swap3A_660, %swap3A_661] {strides = array<i32>} : memref<32x1024xf32, #tpu.memory_space<vmem>>, vector<1x16xf32>,
      %swap3A_663 = vector.shape_cast %swap3A_662 : vector<1x16xf32> to vector<16xf32>
      %swap3A_664 = vector.shape_cast %add3A_659 : vector<16xf32> to vector<1x16xf32>
      tpu.vector_store %arg8[%swap3A_660, %swap3A_661], %swap3A_664 {strides = array<i32>} : memref<32x1024xf32, #tpu.memory_space<vmem>>, vector<1x16xf32>,
      %get3A_665 = arith.index_cast %add3A_22 : i32 to index
      %get3A_666 = arith.constant 736 : index
      %get3A_667 = tpu.vector_load %arg8[%get3A_665, %get3A_666] {strides = array<i32>} : memref<32x1024xf32, #tpu.memory_space<vmem>>, vector<1x16xf32>,
      %get3A_668 = vector.shape_cast %get3A_667 : vector<1x16xf32> to vector<16xf32>
      %get3A_669 = arith.index_cast %add3A_22 : i32 to index
      %get3A_670 = arith.constant 736 : index
      %get3A_671 = tpu.vector_load %arg9[%get3A_669, %get3A_670] {strides = array<i32>} : memref<32x1024xf32, #tpu.memory_space<vmem>>, vector<1x16xf32>,
      %get3A_672 = vector.shape_cast %get3A_671 : vector<1x16xf32> to vector<16xf32>
      %add3A_673 = arith.addf %get3A_668, %get3A_672 : vector<16xf32>
      %swap3A_674 = arith.index_cast %add3A_22 : i32 to index
      %swap3A_675 = arith.constant 736 : index
      %swap3A_676 = tpu.vector_load %arg8[%swap3A_674, %swap3A_675] {strides = array<i32>} : memref<32x1024xf32, #tpu.memory_space<vmem>>, vector<1x16xf32>,
      %swap3A_677 = vector.shape_cast %swap3A_676 : vector<1x16xf32> to vector<16xf32>
      %swap3A_678 = vector.shape_cast %add3A_673 : vector<16xf32> to vector<1x16xf32>
      tpu.vector_store %arg8[%swap3A_674, %swap3A_675], %swap3A_678 {strides = array<i32>} : memref<32x1024xf32, #tpu.memory_space<vmem>>, vector<1x16xf32>,
      %get3A_679 = arith.index_cast %add3A_22 : i32 to index
      %get3A_680 = arith.constant 752 : index
      %get3A_681 = tpu.vector_load %arg8[%get3A_679, %get3A_680] {strides = array<i32>} : memref<32x1024xf32, #tpu.memory_space<vmem>>, vector<1x16xf32>,
      %get3A_682 = vector.shape_cast %get3A_681 : vector<1x16xf32> to vector<16xf32>
      %get3A_683 = arith.index_cast %add3A_22 : i32 to index
      %get3A_684 = arith.constant 752 : index
      %get3A_685 = tpu.vector_load %arg9[%get3A_683, %get3A_684] {strides = array<i32>} : memref<32x1024xf32, #tpu.memory_space<vmem>>, vector<1x16xf32>,
      %get3A_686 = vector.shape_cast %get3A_685 : vector<1x16xf32> to vector<16xf32>
      %add3A_687 = arith.addf %get3A_682, %get3A_686 : vector<16xf32>
      %swap3A_688 = arith.index_cast %add3A_22 : i32 to index
      %swap3A_689 = arith.constant 752 : index
      %swap3A_690 = tpu.vector_load %arg8[%swap3A_688, %swap3A_689] {strides = array<i32>} : memref<32x1024xf32, #tpu.memory_space<vmem>>, vector<1x16xf32>,
      %swap3A_691 = vector.shape_cast %swap3A_690 : vector<1x16xf32> to vector<16xf32>
      %swap3A_692 = vector.shape_cast %add3A_687 : vector<16xf32> to vector<1x16xf32>
      tpu.vector_store %arg8[%swap3A_688, %swap3A_689], %swap3A_692 {strides = array<i32>} : memref<32x1024xf32, #tpu.memory_space<vmem>>, vector<1x16xf32>,
      %get3A_693 = arith.index_cast %add3A_22 : i32 to index
      %get3A_694 = arith.constant 768 : index
      %get3A_695 = tpu.vector_load %arg8[%get3A_693, %get3A_694] {strides = array<i32>} : memref<32x1024xf32, #tpu.memory_space<vmem>>, vector<1x16xf32>,
      %get3A_696 = vector.shape_cast %get3A_695 : vector<1x16xf32> to vector<16xf32>
      %get3A_697 = arith.index_cast %add3A_22 : i32 to index
      %get3A_698 = arith.constant 768 : index
      %get3A_699 = tpu.vector_load %arg9[%get3A_697, %get3A_698] {strides = array<i32>} : memref<32x1024xf32, #tpu.memory_space<vmem>>, vector<1x16xf32>,
      %get3A_700 = vector.shape_cast %get3A_699 : vector<1x16xf32> to vector<16xf32>
      %add3A_701 = arith.addf %get3A_696, %get3A_700 : vector<16xf32>
      %swap3A_702 = arith.index_cast %add3A_22 : i32 to index
      %swap3A_703 = arith.constant 768 : index
      %swap3A_704 = tpu.vector_load %arg8[%swap3A_702, %swap3A_703] {strides = array<i32>} : memref<32x1024xf32, #tpu.memory_space<vmem>>, vector<1x16xf32>,
      %swap3A_705 = vector.shape_cast %swap3A_704 : vector<1x16xf32> to vector<16xf32>
      %swap3A_706 = vector.shape_cast %add3A_701 : vector<16xf32> to vector<1x16xf32>
      tpu.vector_store %arg8[%swap3A_702, %swap3A_703], %swap3A_706 {strides = array<i32>} : memref<32x1024xf32, #tpu.memory_space<vmem>>, vector<1x16xf32>,
      %get3A_707 = arith.index_cast %add3A_22 : i32 to index
      %get3A_708 = arith.constant 784 : index
      %get3A_709 = tpu.vector_load %arg8[%get3A_707, %get3A_708] {strides = array<i32>} : memref<32x1024xf32, #tpu.memory_space<vmem>>, vector<1x16xf32>,
      %get3A_710 = vector.shape_cast %get3A_709 : vector<1x16xf32> to vector<16xf32>
      %get3A_711 = arith.index_cast %add3A_22 : i32 to index
      %get3A_712 = arith.constant 784 : index
      %get3A_713 = tpu.vector_load %arg9[%get3A_711, %get3A_712] {strides = array<i32>} : memref<32x1024xf32, #tpu.memory_space<vmem>>, vector<1x16xf32>,
      %get3A_714 = vector.shape_cast %get3A_713 : vector<1x16xf32> to vector<16xf32>
      %add3A_715 = arith.addf %get3A_710, %get3A_714 : vector<16xf32>
      %swap3A_716 = arith.index_cast %add3A_22 : i32 to index
      %swap3A_717 = arith.constant 784 : index
      %swap3A_718 = tpu.vector_load %arg8[%swap3A_716, %swap3A_717] {strides = array<i32>} : memref<32x1024xf32, #tpu.memory_space<vmem>>, vector<1x16xf32>,
      %swap3A_719 = vector.shape_cast %swap3A_718 : vector<1x16xf32> to vector<16xf32>
      %swap3A_720 = vector.shape_cast %add3A_715 : vector<16xf32> to vector<1x16xf32>
      tpu.vector_store %arg8[%swap3A_716, %swap3A_717], %swap3A_720 {strides = array<i32>} : memref<32x1024xf32, #tpu.memory_space<vmem>>, vector<1x16xf32>,
      %get3A_721 = arith.index_cast %add3A_22 : i32 to index
      %get3A_722 = arith.constant 800 : index
      %get3A_723 = tpu.vector_load %arg8[%get3A_721, %get3A_722] {strides = array<i32>} : memref<32x1024xf32, #tpu.memory_space<vmem>>, vector<1x16xf32>,
      %get3A_724 = vector.shape_cast %get3A_723 : vector<1x16xf32> to vector<16xf32>
      %get3A_725 = arith.index_cast %add3A_22 : i32 to index
      %get3A_726 = arith.constant 800 : index
      %get3A_727 = tpu.vector_load %arg9[%get3A_725, %get3A_726] {strides = array<i32>} : memref<32x1024xf32, #tpu.memory_space<vmem>>, vector<1x16xf32>,
      %get3A_728 = vector.shape_cast %get3A_727 : vector<1x16xf32> to vector<16xf32>
      %add3A_729 = arith.addf %get3A_724, %get3A_728 : vector<16xf32>
      %swap3A_730 = arith.index_cast %add3A_22 : i32 to index
      %swap3A_731 = arith.constant 800 : index
      %swap3A_732 = tpu.vector_load %arg8[%swap3A_730, %swap3A_731] {strides = array<i32>} : memref<32x1024xf32, #tpu.memory_space<vmem>>, vector<1x16xf32>,
      %swap3A_733 = vector.shape_cast %swap3A_732 : vector<1x16xf32> to vector<16xf32>
      %swap3A_734 = vector.shape_cast %add3A_729 : vector<16xf32> to vector<1x16xf32>
      tpu.vector_store %arg8[%swap3A_730, %swap3A_731], %swap3A_734 {strides = array<i32>} : memref<32x1024xf32, #tpu.memory_space<vmem>>, vector<1x16xf32>,
      %get3A_735 = arith.index_cast %add3A_22 : i32 to index
      %get3A_736 = arith.constant 816 : index
      %get3A_737 = tpu.vector_load %arg8[%get3A_735, %get3A_736] {strides = array<i32>} : memref<32x1024xf32, #tpu.memory_space<vmem>>, vector<1x16xf32>,
      %get3A_738 = vector.shape_cast %get3A_737 : vector<1x16xf32> to vector<16xf32>
      %get3A_739 = arith.index_cast %add3A_22 : i32 to index
      %get3A_740 = arith.constant 816 : index
      %get3A_741 = tpu.vector_load %arg9[%get3A_739, %get3A_740] {strides = array<i32>} : memref<32x1024xf32, #tpu.memory_space<vmem>>, vector<1x16xf32>,
      %get3A_742 = vector.shape_cast %get3A_741 : vector<1x16xf32> to vector<16xf32>
      %add3A_743 = arith.addf %get3A_738, %get3A_742 : vector<16xf32>
      %swap3A_744 = arith.index_cast %add3A_22 : i32 to index
      %swap3A_745 = arith.constant 816 : index
      %swap3A_746 = tpu.vector_load %arg8[%swap3A_744, %swap3A_745] {strides = array<i32>} : memref<32x1024xf32, #tpu.memory_space<vmem>>, vector<1x16xf32>,
      %swap3A_747 = vector.shape_cast %swap3A_746 : vector<1x16xf32> to vector<16xf32>
      %swap3A_748 = vector.shape_cast %add3A_743 : vector<16xf32> to vector<1x16xf32>
      tpu.vector_store %arg8[%swap3A_744, %swap3A_745], %swap3A_748 {strides = array<i32>} : memref<32x1024xf32, #tpu.memory_space<vmem>>, vector<1x16xf32>,
      %get3A_749 = arith.index_cast %add3A_22 : i32 to index
      %get3A_750 = arith.constant 832 : index
      %get3A_751 = tpu.vector_load %arg8[%get3A_749, %get3A_750] {strides = array<i32>} : memref<32x1024xf32, #tpu.memory_space<vmem>>, vector<1x16xf32>,
      %get3A_752 = vector.shape_cast %get3A_751 : vector<1x16xf32> to vector<16xf32>
      %get3A_753 = arith.index_cast %add3A_22 : i32 to index
      %get3A_754 = arith.constant 832 : index
      %get3A_755 = tpu.vector_load %arg9[%get3A_753, %get3A_754] {strides = array<i32>} : memref<32x1024xf32, #tpu.memory_space<vmem>>, vector<1x16xf32>,
      %get3A_756 = vector.shape_cast %get3A_755 : vector<1x16xf32> to vector<16xf32>
      %add3A_757 = arith.addf %get3A_752, %get3A_756 : vector<16xf32>
      %swap3A_758 = arith.index_cast %add3A_22 : i32 to index
      %swap3A_759 = arith.constant 832 : index
      %swap3A_760 = tpu.vector_load %arg8[%swap3A_758, %swap3A_759] {strides = array<i32>} : memref<32x1024xf32, #tpu.memory_space<vmem>>, vector<1x16xf32>,
      %swap3A_761 = vector.shape_cast %swap3A_760 : vector<1x16xf32> to vector<16xf32>
      %swap3A_762 = vector.shape_cast %add3A_757 : vector<16xf32> to vector<1x16xf32>
      tpu.vector_store %arg8[%swap3A_758, %swap3A_759], %swap3A_762 {strides = array<i32>} : memref<32x1024xf32, #tpu.memory_space<vmem>>, vector<1x16xf32>,
      %get3A_763 = arith.index_cast %add3A_22 : i32 to index
      %get3A_764 = arith.constant 848 : index
      %get3A_765 = tpu.vector_load %arg8[%get3A_763, %get3A_764] {strides = array<i32>} : memref<32x1024xf32, #tpu.memory_space<vmem>>, vector<1x16xf32>,
      %get3A_766 = vector.shape_cast %get3A_765 : vector<1x16xf32> to vector<16xf32>
      %get3A_767 = arith.index_cast %add3A_22 : i32 to index
      %get3A_768 = arith.constant 848 : index
      %get3A_769 = tpu.vector_load %arg9[%get3A_767, %get3A_768] {strides = array<i32>} : memref<32x1024xf32, #tpu.memory_space<vmem>>, vector<1x16xf32>,
      %get3A_770 = vector.shape_cast %get3A_769 : vector<1x16xf32> to vector<16xf32>
      %add3A_771 = arith.addf %get3A_766, %get3A_770 : vector<16xf32>
      %swap3A_772 = arith.index_cast %add3A_22 : i32 to index
      %swap3A_773 = arith.constant 848 : index
      %swap3A_774 = tpu.vector_load %arg8[%swap3A_772, %swap3A_773] {strides = array<i32>} : memref<32x1024xf32, #tpu.memory_space<vmem>>, vector<1x16xf32>,
      %swap3A_775 = vector.shape_cast %swap3A_774 : vector<1x16xf32> to vector<16xf32>
      %swap3A_776 = vector.shape_cast %add3A_771 : vector<16xf32> to vector<1x16xf32>
      tpu.vector_store %arg8[%swap3A_772, %swap3A_773], %swap3A_776 {strides = array<i32>} : memref<32x1024xf32, #tpu.memory_space<vmem>>, vector<1x16xf32>,
      %get3A_777 = arith.index_cast %add3A_22 : i32 to index
      %get3A_778 = arith.constant 864 : index
      %get3A_779 = tpu.vector_load %arg8[%get3A_777, %get3A_778] {strides = array<i32>} : memref<32x1024xf32, #tpu.memory_space<vmem>>, vector<1x16xf32>,
      %get3A_780 = vector.shape_cast %get3A_779 : vector<1x16xf32> to vector<16xf32>
      %get3A_781 = arith.index_cast %add3A_22 : i32 to index
      %get3A_782 = arith.constant 864 : index
      %get3A_783 = tpu.vector_load %arg9[%get3A_781, %get3A_782] {strides = array<i32>} : memref<32x1024xf32, #tpu.memory_space<vmem>>, vector<1x16xf32>,
      %get3A_784 = vector.shape_cast %get3A_783 : vector<1x16xf32> to vector<16xf32>
      %add3A_785 = arith.addf %get3A_780, %get3A_784 : vector<16xf32>
      %swap3A_786 = arith.index_cast %add3A_22 : i32 to index
      %swap3A_787 = arith.constant 864 : index
      %swap3A_788 = tpu.vector_load %arg8[%swap3A_786, %swap3A_787] {strides = array<i32>} : memref<32x1024xf32, #tpu.memory_space<vmem>>, vector<1x16xf32>,
      %swap3A_789 = vector.shape_cast %swap3A_788 : vector<1x16xf32> to vector<16xf32>
      %swap3A_790 = vector.shape_cast %add3A_785 : vector<16xf32> to vector<1x16xf32>
      tpu.vector_store %arg8[%swap3A_786, %swap3A_787], %swap3A_790 {strides = array<i32>} : memref<32x1024xf32, #tpu.memory_space<vmem>>, vector<1x16xf32>,
      %get3A_791 = arith.index_cast %add3A_22 : i32 to index
      %get3A_792 = arith.constant 880 : index
      %get3A_793 = tpu.vector_load %arg8[%get3A_791, %get3A_792] {strides = array<i32>} : memref<32x1024xf32, #tpu.memory_space<vmem>>, vector<1x16xf32>,
      %get3A_794 = vector.shape_cast %get3A_793 : vector<1x16xf32> to vector<16xf32>
      %get3A_795 = arith.index_cast %add3A_22 : i32 to index
      %get3A_796 = arith.constant 880 : index
      %get3A_797 = tpu.vector_load %arg9[%get3A_795, %get3A_796] {strides = array<i32>} : memref<32x1024xf32, #tpu.memory_space<vmem>>, vector<1x16xf32>,
      %get3A_798 = vector.shape_cast %get3A_797 : vector<1x16xf32> to vector<16xf32>
      %add3A_799 = arith.addf %get3A_794, %get3A_798 : vector<16xf32>
      %swap3A_800 = arith.index_cast %add3A_22 : i32 to index
      %swap3A_801 = arith.constant 880 : index
      %swap3A_802 = tpu.vector_load %arg8[%swap3A_800, %swap3A_801] {strides = array<i32>} : memref<32x1024xf32, #tpu.memory_space<vmem>>, vector<1x16xf32>,
      %swap3A_803 = vector.shape_cast %swap3A_802 : vector<1x16xf32> to vector<16xf32>
      %swap3A_804 = vector.shape_cast %add3A_799 : vector<16xf32> to vector<1x16xf32>
      tpu.vector_store %arg8[%swap3A_800, %swap3A_801], %swap3A_804 {strides = array<i32>} : memref<32x1024xf32, #tpu.memory_space<vmem>>, vector<1x16xf32>,
      %get3A_805 = arith.index_cast %add3A_22 : i32 to index
      %get3A_806 = arith.constant 896 : index
      %get3A_807 = tpu.vector_load %arg8[%get3A_805, %get3A_806] {strides = array<i32>} : memref<32x1024xf32, #tpu.memory_space<vmem>>, vector<1x16xf32>,
      %get3A_808 = vector.shape_cast %get3A_807 : vector<1x16xf32> to vector<16xf32>
      %get3A_809 = arith.index_cast %add3A_22 : i32 to index
      %get3A_810 = arith.constant 896 : index
      %get3A_811 = tpu.vector_load %arg9[%get3A_809, %get3A_810] {strides = array<i32>} : memref<32x1024xf32, #tpu.memory_space<vmem>>, vector<1x16xf32>,
      %get3A_812 = vector.shape_cast %get3A_811 : vector<1x16xf32> to vector<16xf32>
      %add3A_813 = arith.addf %get3A_808, %get3A_812 : vector<16xf32>
      %swap3A_814 = arith.index_cast %add3A_22 : i32 to index
      %swap3A_815 = arith.constant 896 : index
      %swap3A_816 = tpu.vector_load %arg8[%swap3A_814, %swap3A_815] {strides = array<i32>} : memref<32x1024xf32, #tpu.memory_space<vmem>>, vector<1x16xf32>,
      %swap3A_817 = vector.shape_cast %swap3A_816 : vector<1x16xf32> to vector<16xf32>
      %swap3A_818 = vector.shape_cast %add3A_813 : vector<16xf32> to vector<1x16xf32>
      tpu.vector_store %arg8[%swap3A_814, %swap3A_815], %swap3A_818 {strides = array<i32>} : memref<32x1024xf32, #tpu.memory_space<vmem>>, vector<1x16xf32>,
      %get3A_819 = arith.index_cast %add3A_22 : i32 to index
      %get3A_820 = arith.constant 912 : index
      %get3A_821 = tpu.vector_load %arg8[%get3A_819, %get3A_820] {strides = array<i32>} : memref<32x1024xf32, #tpu.memory_space<vmem>>, vector<1x16xf32>,
      %get3A_822 = vector.shape_cast %get3A_821 : vector<1x16xf32> to vector<16xf32>
      %get3A_823 = arith.index_cast %add3A_22 : i32 to index
      %get3A_824 = arith.constant 912 : index
      %get3A_825 = tpu.vector_load %arg9[%get3A_823, %get3A_824] {strides = array<i32>} : memref<32x1024xf32, #tpu.memory_space<vmem>>, vector<1x16xf32>,
      %get3A_826 = vector.shape_cast %get3A_825 : vector<1x16xf32> to vector<16xf32>
      %add3A_827 = arith.addf %get3A_822, %get3A_826 : vector<16xf32>
      %swap3A_828 = arith.index_cast %add3A_22 : i32 to index
      %swap3A_829 = arith.constant 912 : index
      %swap3A_830 = tpu.vector_load %arg8[%swap3A_828, %swap3A_829] {strides = array<i32>} : memref<32x1024xf32, #tpu.memory_space<vmem>>, vector<1x16xf32>,
      %swap3A_831 = vector.shape_cast %swap3A_830 : vector<1x16xf32> to vector<16xf32>
      %swap3A_832 = vector.shape_cast %add3A_827 : vector<16xf32> to vector<1x16xf32>
      tpu.vector_store %arg8[%swap3A_828, %swap3A_829], %swap3A_832 {strides = array<i32>} : memref<32x1024xf32, #tpu.memory_space<vmem>>, vector<1x16xf32>,
      %get3A_833 = arith.index_cast %add3A_22 : i32 to index
      %get3A_834 = arith.constant 928 : index
      %get3A_835 = tpu.vector_load %arg8[%get3A_833, %get3A_834] {strides = array<i32>} : memref<32x1024xf32, #tpu.memory_space<vmem>>, vector<1x16xf32>,
      %get3A_836 = vector.shape_cast %get3A_835 : vector<1x16xf32> to vector<16xf32>
      %get3A_837 = arith.index_cast %add3A_22 : i32 to index
      %get3A_838 = arith.constant 928 : index
      %get3A_839 = tpu.vector_load %arg9[%get3A_837, %get3A_838] {strides = array<i32>} : memref<32x1024xf32, #tpu.memory_space<vmem>>, vector<1x16xf32>,
      %get3A_840 = vector.shape_cast %get3A_839 : vector<1x16xf32> to vector<16xf32>
      %add3A_841 = arith.addf %get3A_836, %get3A_840 : vector<16xf32>
      %swap3A_842 = arith.index_cast %add3A_22 : i32 to index
      %swap3A_843 = arith.constant 928 : index
      %swap3A_844 = tpu.vector_load %arg8[%swap3A_842, %swap3A_843] {strides = array<i32>} : memref<32x1024xf32, #tpu.memory_space<vmem>>, vector<1x16xf32>,
      %swap3A_845 = vector.shape_cast %swap3A_844 : vector<1x16xf32> to vector<16xf32>
      %swap3A_846 = vector.shape_cast %add3A_841 : vector<16xf32> to vector<1x16xf32>
      tpu.vector_store %arg8[%swap3A_842, %swap3A_843], %swap3A_846 {strides = array<i32>} : memref<32x1024xf32, #tpu.memory_space<vmem>>, vector<1x16xf32>,
      %get3A_847 = arith.index_cast %add3A_22 : i32 to index
      %get3A_848 = arith.constant 944 : index
      %get3A_849 = tpu.vector_load %arg8[%get3A_847, %get3A_848] {strides = array<i32>} : memref<32x1024xf32, #tpu.memory_space<vmem>>, vector<1x16xf32>,
      %get3A_850 = vector.shape_cast %get3A_849 : vector<1x16xf32> to vector<16xf32>
      %get3A_851 = arith.index_cast %add3A_22 : i32 to index
      %get3A_852 = arith.constant 944 : index
      %get3A_853 = tpu.vector_load %arg9[%get3A_851, %get3A_852] {strides = array<i32>} : memref<32x1024xf32, #tpu.memory_space<vmem>>, vector<1x16xf32>,
      %get3A_854 = vector.shape_cast %get3A_853 : vector<1x16xf32> to vector<16xf32>
      %add3A_855 = arith.addf %get3A_850, %get3A_854 : vector<16xf32>
      %swap3A_856 = arith.index_cast %add3A_22 : i32 to index
      %swap3A_857 = arith.constant 944 : index
      %swap3A_858 = tpu.vector_load %arg8[%swap3A_856, %swap3A_857] {strides = array<i32>} : memref<32x1024xf32, #tpu.memory_space<vmem>>, vector<1x16xf32>,
      %swap3A_859 = vector.shape_cast %swap3A_858 : vector<1x16xf32> to vector<16xf32>
      %swap3A_860 = vector.shape_cast %add3A_855 : vector<16xf32> to vector<1x16xf32>
      tpu.vector_store %arg8[%swap3A_856, %swap3A_857], %swap3A_860 {strides = array<i32>} : memref<32x1024xf32, #tpu.memory_space<vmem>>, vector<1x16xf32>,
      %get3A_861 = arith.index_cast %add3A_22 : i32 to index
      %get3A_862 = arith.constant 960 : index
      %get3A_863 = tpu.vector_load %arg8[%get3A_861, %get3A_862] {strides = array<i32>} : memref<32x1024xf32, #tpu.memory_space<vmem>>, vector<1x16xf32>,
      %get3A_864 = vector.shape_cast %get3A_863 : vector<1x16xf32> to vector<16xf32>
      %get3A_865 = arith.index_cast %add3A_22 : i32 to index
      %get3A_866 = arith.constant 960 : index
      %get3A_867 = tpu.vector_load %arg9[%get3A_865, %get3A_866] {strides = array<i32>} : memref<32x1024xf32, #tpu.memory_space<vmem>>, vector<1x16xf32>,
      %get3A_868 = vector.shape_cast %get3A_867 : vector<1x16xf32> to vector<16xf32>
      %add3A_869 = arith.addf %get3A_864, %get3A_868 : vector<16xf32>
      %swap3A_870 = arith.index_cast %add3A_22 : i32 to index
      %swap3A_871 = arith.constant 960 : index
      %swap3A_872 = tpu.vector_load %arg8[%swap3A_870, %swap3A_871] {strides = array<i32>} : memref<32x1024xf32, #tpu.memory_space<vmem>>, vector<1x16xf32>,
      %swap3A_873 = vector.shape_cast %swap3A_872 : vector<1x16xf32> to vector<16xf32>
      %swap3A_874 = vector.shape_cast %add3A_869 : vector<16xf32> to vector<1x16xf32>
      tpu.vector_store %arg8[%swap3A_870, %swap3A_871], %swap3A_874 {strides = array<i32>} : memref<32x1024xf32, #tpu.memory_space<vmem>>, vector<1x16xf32>,
      %get3A_875 = arith.index_cast %add3A_22 : i32 to index
      %get3A_876 = arith.constant 976 : index
      %get3A_877 = tpu.vector_load %arg8[%get3A_875, %get3A_876] {strides = array<i32>} : memref<32x1024xf32, #tpu.memory_space<vmem>>, vector<1x16xf32>,
      %get3A_878 = vector.shape_cast %get3A_877 : vector<1x16xf32> to vector<16xf32>
      %get3A_879 = arith.index_cast %add3A_22 : i32 to index
      %get3A_880 = arith.constant 976 : index
      %get3A_881 = tpu.vector_load %arg9[%get3A_879, %get3A_880] {strides = array<i32>} : memref<32x1024xf32, #tpu.memory_space<vmem>>, vector<1x16xf32>,
      %get3A_882 = vector.shape_cast %get3A_881 : vector<1x16xf32> to vector<16xf32>
      %add3A_883 = arith.addf %get3A_878, %get3A_882 : vector<16xf32>
      %swap3A_884 = arith.index_cast %add3A_22 : i32 to index
      %swap3A_885 = arith.constant 976 : index
      %swap3A_886 = tpu.vector_load %arg8[%swap3A_884, %swap3A_885] {strides = array<i32>} : memref<32x1024xf32, #tpu.memory_space<vmem>>, vector<1x16xf32>,
      %swap3A_887 = vector.shape_cast %swap3A_886 : vector<1x16xf32> to vector<16xf32>
      %swap3A_888 = vector.shape_cast %add3A_883 : vector<16xf32> to vector<1x16xf32>
      tpu.vector_store %arg8[%swap3A_884, %swap3A_885], %swap3A_888 {strides = array<i32>} : memref<32x1024xf32, #tpu.memory_space<vmem>>, vector<1x16xf32>,
      %get3A_889 = arith.index_cast %add3A_22 : i32 to index
      %get3A_890 = arith.constant 992 : index
      %get3A_891 = tpu.vector_load %arg8[%get3A_889, %get3A_890] {strides = array<i32>} : memref<32x1024xf32, #tpu.memory_space<vmem>>, vector<1x16xf32>,
      %get3A_892 = vector.shape_cast %get3A_891 : vector<1x16xf32> to vector<16xf32>
      %get3A_893 = arith.index_cast %add3A_22 : i32 to index
      %get3A_894 = arith.constant 992 : index
      %get3A_895 = tpu.vector_load %arg9[%get3A_893, %get3A_894] {strides = array<i32>} : memref<32x1024xf32, #tpu.memory_space<vmem>>, vector<1x16xf32>,
      %get3A_896 = vector.shape_cast %get3A_895 : vector<1x16xf32> to vector<16xf32>
      %add3A_897 = arith.addf %get3A_892, %get3A_896 : vector<16xf32>
      %swap3A_898 = arith.index_cast %add3A_22 : i32 to index
      %swap3A_899 = arith.constant 992 : index
      %swap3A_900 = tpu.vector_load %arg8[%swap3A_898, %swap3A_899] {strides = array<i32>} : memref<32x1024xf32, #tpu.memory_space<vmem>>, vector<1x16xf32>,
      %swap3A_901 = vector.shape_cast %swap3A_900 : vector<1x16xf32> to vector<16xf32>
      %swap3A_902 = vector.shape_cast %add3A_897 : vector<16xf32> to vector<1x16xf32>
      tpu.vector_store %arg8[%swap3A_898, %swap3A_899], %swap3A_902 {strides = array<i32>} : memref<32x1024xf32, #tpu.memory_space<vmem>>, vector<1x16xf32>,
      %get3A_903 = arith.index_cast %add3A_22 : i32 to index
      %get3A_904 = arith.constant 1008 : index
      %get3A_905 = tpu.vector_load %arg8[%get3A_903, %get3A_904] {strides = array<i32>} : memref<32x1024xf32, #tpu.memory_space<vmem>>, vector<1x16xf32>,
      %get3A_906 = vector.shape_cast %get3A_905 : vector<1x16xf32> to vector<16xf32>
      %get3A_907 = arith.index_cast %add3A_22 : i32 to index
      %get3A_908 = arith.constant 1008 : index
      %get3A_909 = tpu.vector_load %arg9[%get3A_907, %get3A_908] {strides = array<i32>} : memref<32x1024xf32, #tpu.memory_space<vmem>>, vector<1x16xf32>,
      %get3A_910 = vector.shape_cast %get3A_909 : vector<1x16xf32> to vector<16xf32>
      %add3A_911 = arith.addf %get3A_906, %get3A_910 : vector<16xf32>
      %swap3A_912 = arith.index_cast %add3A_22 : i32 to index
      %swap3A_913 = arith.constant 1008 : index
      %swap3A_914 = tpu.vector_load %arg8[%swap3A_912, %swap3A_913] {strides = array<i32>} : memref<32x1024xf32, #tpu.memory_space<vmem>>, vector<1x16xf32>,
      %swap3A_915 = vector.shape_cast %swap3A_914 : vector<1x16xf32> to vector<16xf32>
      %swap3A_916 = vector.shape_cast %add3A_911 : vector<16xf32> to vector<1x16xf32>
      tpu.vector_store %arg8[%swap3A_912, %swap3A_913], %swap3A_916 {strides = array<i32>} : memref<32x1024xf32, #tpu.memory_space<vmem>>, vector<1x16xf32>,
    }
    %scan3A_17 = arith.constant 32 : i32
    "tpu.region"() ({
      %run_scoped3A = tpu.sem_alloc : memref<!tpu.dma_semaphore, #tpu.memory_space<semaphore_mem>>
      %dma_start3A = arith.constant 0 : i32
      %dma_start3A_18 = tpu.memref_slice %arg5[%add3A_12, %dma_start3A] : memref<2048x1024xf32, #tpu.memory_space<hbm>> -> memref<32x1024xf32, #tpu.memory_space<hbm>>
      %dma_start3A_19 = arith.constant 0 : i32
      %dma_start3A_20 = tpu.memref_slice %arg5[%add3A_12, %dma_start3A_19] : memref<2048x1024xf32, #tpu.memory_space<hbm>> -> memref<32x1024xf32, #tpu.memory_space<hbm>>
      tpu.enqueue_dma source(%arg8 : memref<32x1024xf32, #tpu.memory_space<vmem>>) target(%dma_start3A_20 : memref<32x1024xf32, #tpu.memory_space<hbm>>) target_semaphore(%run_scoped3A : memref<!tpu.dma_semaphore, #tpu.memory_space<semaphore_mem>>)
      %dma_wait3A = arith.constant 0 : i32
      %dma_wait3A_21 = tpu.memref_slice %arg5[%add3A_12, %dma_wait3A] : memref<2048x1024xf32, #tpu.memory_space<hbm>> -> memref<32x1024xf32, #tpu.memory_space<hbm>>
      %dma_wait3A_22 = arith.constant 0 : i32
      %dma_wait3A_23 = tpu.memref_slice %arg5[%add3A_12, %dma_wait3A_22] : memref<2048x1024xf32, #tpu.memory_space<hbm>> -> memref<32x1024xf32, #tpu.memory_space<hbm>>
      tpu.wait_dma2 semaphore(%run_scoped3A : memref<!tpu.dma_semaphore, #tpu.memory_space<semaphore_mem>>) src(%arg8 : memref<32x1024xf32, #tpu.memory_space<vmem>>) dst(%dma_wait3A_23 : memref<32x1024xf32, #tpu.memory_space<hbm>>)
      tpu.yield
    }) : () -> ()
    return
  }
}

module attributes {stable_mosaic.version = 14 : i64} {
  func.func @_router_body(%arg0: memref<2048x1024xf32, #tpu.memory_space<vmem>>, %arg1: memref<1024x8xf32, #tpu.memory_space<vmem>>, %arg2: memref<2048x8xf32, #tpu.memory_space<vmem>>, %arg3: memref<2048x2xi32, #tpu.memory_space<vmem>>, %arg4: memref<2048x8xf32, #tpu.memory_space<vmem>>, %arg5: memref<2048x8xf32, #tpu.memory_space<vmem>>) attributes {dimension_semantics = [], scalar_prefetch = 0 : i64, scratch_operands = 2 : i64, tpu.core_type = #tpu.core_type<tc>} {
    %get3A = arith.constant 0 : index
    %get3A_0 = arith.constant 0 : index
    %get3A_1 = vector.load %arg0[%get3A, %get3A_0] : memref<2048x1024xf32, #tpu.memory_space<vmem>>, vector<2048x1024xf32>
    %get3A_2 = arith.constant 0 : index
    %get3A_3 = arith.constant 0 : index
    %get3A_4 = vector.load %arg1[%get3A_2, %get3A_3] : memref<1024x8xf32, #tpu.memory_space<vmem>>, vector<1024x8xf32>
    %dot_general3A = arith.constant dense<0.000000e+00> : vector<2048x8xf32>
    %dot_general3A_5 = tpu.matmul %get3A_1, %get3A_4, %dot_general3A {dimension_numbers = #tpu.dot_dimension_numbers<[1], [0], [0], [1], [0, 0, 1, 1], [], []>, transpose_lhs_hint = false} : vector<2048x1024xf32>, vector<1024x8xf32>, vector<2048x8xf32> -> vector<2048x8xf32>
    %iota3A = tpu.iota {dimensions = array<i32: 1>} : vector<2048x8xi32>
    %reduce_max3A = arith.constant dense<0xFF800000> : vector<2048xf32>
    %reduce_max3A_6 = vector.multi_reduction <maximumf>, %dot_general3A_5, %reduce_max3A [1] : vector<2048x8xf32> to vector<2048xf32>
    %broadcast_in_dim3A = vector.shape_cast %reduce_max3A_6 : vector<2048xf32> to vector<2048x1xf32>
    %eq3A = vector.broadcast %broadcast_in_dim3A : vector<2048x1xf32> to vector<2048x8xf32>
    %eq3A_7 = arith.cmpf oeq, %dot_general3A_5, %eq3A : vector<2048x8xf32>
    %jit3A = arith.constant 8 : i32
    %broadcast_in_dim3A_8 = vector.broadcast %jit3A : i32 to vector<2048x8xi32>
    %select_n3A = arith.select %eq3A_7, %iota3A, %broadcast_in_dim3A_8 : vector<2048x8xi1>, vector<2048x8xi32>
    %reduce_min3A = arith.constant dense<2147483647> : vector<2048xi32>
    %reduce_min3A_9 = vector.multi_reduction <minsi>, %select_n3A, %reduce_min3A [1] : vector<2048x8xi32> to vector<2048xi32>
    %broadcast_in_dim3A_10 = vector.shape_cast %reduce_min3A_9 : vector<2048xi32> to vector<2048x1xi32>
    %eq3A_11 = vector.broadcast %broadcast_in_dim3A_10 : vector<2048x1xi32> to vector<2048x8xi32>
    %eq3A_12 = arith.cmpi eq, %iota3A, %eq3A_11 : vector<2048x8xi32>
    %jit3A_13 = arith.constant -3.000000e+38 : f32
    %broadcast_in_dim3A_14 = vector.broadcast %jit3A_13 : f32 to vector<2048x8xf32>
    %select_n3A_15 = arith.select %eq3A_12, %broadcast_in_dim3A_14, %dot_general3A_5 : vector<2048x8xi1>, vector<2048x8xf32>
    %reduce_max3A_16 = arith.constant dense<0xFF800000> : vector<2048xf32>
    %reduce_max3A_17 = vector.multi_reduction <maximumf>, %select_n3A_15, %reduce_max3A_16 [1] : vector<2048x8xf32> to vector<2048xf32>
    %broadcast_in_dim3A_18 = vector.shape_cast %reduce_max3A_17 : vector<2048xf32> to vector<2048x1xf32>
    %eq3A_19 = vector.broadcast %broadcast_in_dim3A_18 : vector<2048x1xf32> to vector<2048x8xf32>
    %eq3A_20 = arith.cmpf oeq, %select_n3A_15, %eq3A_19 : vector<2048x8xf32>
    %jit3A_21 = arith.constant 8 : i32
    %broadcast_in_dim3A_22 = vector.broadcast %jit3A_21 : i32 to vector<2048x8xi32>
    %select_n3A_23 = arith.select %eq3A_20, %iota3A, %broadcast_in_dim3A_22 : vector<2048x8xi1>, vector<2048x8xi32>
    %reduce_min3A_24 = arith.constant dense<2147483647> : vector<2048xi32>
    %reduce_min3A_25 = vector.multi_reduction <minsi>, %select_n3A_23, %reduce_min3A_24 [1] : vector<2048x8xi32> to vector<2048xi32>
    %broadcast_in_dim3A_26 = vector.shape_cast %reduce_min3A_25 : vector<2048xi32> to vector<2048x1xi32>
    %sub3A = arith.subf %broadcast_in_dim3A_18, %broadcast_in_dim3A : vector<2048x1xf32>
    %exp3A = math.exp %sub3A : vector<2048x1xf32>
    %add3A = arith.constant 1.000000e+00 : f32
    %add3A_27 = vector.broadcast %add3A : f32 to vector<2048x1xf32>
    %add3A_28 = arith.addf %add3A_27, %exp3A : vector<2048x1xf32>
    %div3A = arith.constant 1.000000e+00 : f32
    %div3A_29 = vector.broadcast %div3A : f32 to vector<2048x1xf32>
    %div3A_30 = arith.divf %div3A_29, %add3A_28 : vector<2048x1xf32>
    %sub3A_31 = arith.constant 1.000000e+00 : f32
    %sub3A_32 = vector.broadcast %sub3A_31 : f32 to vector<2048x1xf32>
    %sub3A_33 = arith.subf %sub3A_32, %div3A_30 : vector<2048x1xf32>
    %eq3A_34 = vector.broadcast %broadcast_in_dim3A_10 : vector<2048x1xi32> to vector<2048x8xi32>
    %eq3A_35 = arith.cmpi eq, %iota3A, %eq3A_34 : vector<2048x8xi32>
    %eq3A_36 = vector.broadcast %broadcast_in_dim3A_26 : vector<2048x1xi32> to vector<2048x8xi32>
    %eq3A_37 = arith.cmpi eq, %iota3A, %eq3A_36 : vector<2048x8xi32>
    %or3A = arith.ori %eq3A_35, %eq3A_37 : vector<2048x8xi1>
    %convert_element_type3A = arith.extui %or3A : vector<2048x8xi1> to vector<2048x8xi32>
    %convert_element_type3A_38 = arith.sitofp %convert_element_type3A : vector<2048x8xi32> to vector<2048x8xf32>
    %swap3A = arith.constant 0 : index
    %swap3A_39 = arith.constant 0 : index
    %swap3A_40 = vector.load %arg4[%swap3A, %swap3A_39] : memref<2048x8xf32, #tpu.memory_space<vmem>>, vector<2048x8xf32>
    tpu.vector_store %arg4[%swap3A, %swap3A_39], %convert_element_type3A_38 {strides = array<i32>} : memref<2048x8xf32, #tpu.memory_space<vmem>>, vector<2048x8xf32>,
    %iota3A_41 = tpu.iota {dimensions = array<i32: 0>} : vector<128x128xi32>
    %iota3A_42 = tpu.iota {dimensions = array<i32: 1>} : vector<128x128xi32>
    %gt3A = arith.cmpi sgt, %iota3A_41, %iota3A_42 : vector<128x128xi32>
    %convert_element_type3A_43 = arith.extui %gt3A : vector<128x128xi1> to vector<128x128xi32>
    %convert_element_type3A_44 = arith.sitofp %convert_element_type3A_43 : vector<128x128xi32> to vector<128x128xf32>
    %broadcast_in_dim3A_45 = arith.constant 0.000000e+00 : f32
    %broadcast_in_dim3A_46 = vector.broadcast %broadcast_in_dim3A_45 : f32 to vector<1x8xf32>
    %scan3A = arith.constant 0 : i32
    %scan3A_47 = arith.constant 16 : i32
    %scan3A_48 = arith.addi %scan3A, %scan3A_47 : i32
    %scan3A_49 = arith.constant 1 : i32
    %scan3A_50 = scf.for %scan3A_112 = %scan3A to %scan3A_48 step %scan3A_49 iter_args(%scan3A_113 = %broadcast_in_dim3A_46) -> (vector<1x8xf32>)  : i32 {
      %mul3A_114 = arith.constant 128 : i32
      %mul3A_115 = arith.muli %scan3A_112, %mul3A_114 : i32
      %get3A_116 = arith.index_cast %mul3A_115 : i32 to index
      %get3A_117 = arith.constant 0 : index
      %get3A_118 = vector.load %arg4[%get3A_116, %get3A_117] : memref<2048x8xf32, #tpu.memory_space<vmem>>, vector<128x8xf32>
      %dot_general3A_119 = arith.constant dense<0.000000e+00> : vector<128x8xf32>
      %dot_general3A_120 = tpu.matmul %convert_element_type3A_44, %get3A_118, %dot_general3A_119 {dimension_numbers = #tpu.dot_dimension_numbers<[1], [0], [0], [1], [0, 0, 1, 1], [], []>, transpose_lhs_hint = false} : vector<128x128xf32>, vector<128x8xf32>, vector<128x8xf32> -> vector<128x8xf32>
      %add3A_121 = vector.broadcast %scan3A_113 : vector<1x8xf32> to vector<128x8xf32>
      %add3A_122 = arith.addf %dot_general3A_120, %add3A_121 : vector<128x8xf32>
      %mul3A_123 = arith.constant 128 : i32
      %mul3A_124 = arith.muli %scan3A_112, %mul3A_123 : i32
      %swap3A_125 = arith.index_cast %mul3A_124 : i32 to index
      %swap3A_126 = arith.constant 0 : index
      %swap3A_127 = vector.load %arg5[%swap3A_125, %swap3A_126] : memref<2048x8xf32, #tpu.memory_space<vmem>>, vector<128x8xf32>
      tpu.vector_store %arg5[%swap3A_125, %swap3A_126], %add3A_122 {strides = array<i32>} : memref<2048x8xf32, #tpu.memory_space<vmem>>, vector<128x8xf32>,
      %reduce_sum3A_128 = arith.constant dense<0.000000e+00> : vector<8xf32>
      %reduce_sum3A_129 = vector.multi_reduction <add>, %get3A_118, %reduce_sum3A_128 [0] : vector<128x8xf32> to vector<8xf32>
      %broadcast_in_dim3A_130 = vector.shape_cast %reduce_sum3A_129 : vector<8xf32> to vector<1x8xf32>
      %add3A_131 = arith.addf %scan3A_113, %broadcast_in_dim3A_130 : vector<1x8xf32>
      scf.yield %add3A_131 : vector<1x8xf32>
    }
    %scan3A_51 = arith.constant 16 : i32
    %get3A_52 = arith.constant 0 : index
    %get3A_53 = arith.constant 0 : index
    %get3A_54 = vector.load %arg5[%get3A_52, %get3A_53] : memref<2048x8xf32, #tpu.memory_space<vmem>>, vector<2048x8xf32>
    %eq3A_55 = vector.broadcast %broadcast_in_dim3A_10 : vector<2048x1xi32> to vector<2048x8xi32>
    %eq3A_56 = arith.cmpi eq, %iota3A, %eq3A_55 : vector<2048x8xi32>
    %jit3A_57 = arith.constant 0.000000e+00 : f32
    %broadcast_in_dim3A_58 = vector.broadcast %jit3A_57 : f32 to vector<2048x8xf32>
    %select_n3A_59 = arith.select %eq3A_56, %get3A_54, %broadcast_in_dim3A_58 : vector<2048x8xi1>, vector<2048x8xf32>
    %reduce_sum3A = arith.constant dense<0.000000e+00> : vector<2048xf32>
    %reduce_sum3A_60 = vector.multi_reduction <add>, %select_n3A_59, %reduce_sum3A [1] : vector<2048x8xf32> to vector<2048xf32>
    %broadcast_in_dim3A_61 = vector.shape_cast %reduce_sum3A_60 : vector<2048xf32> to vector<2048x1xf32>
    %eq3A_62 = vector.broadcast %broadcast_in_dim3A_26 : vector<2048x1xi32> to vector<2048x8xi32>
    %eq3A_63 = arith.cmpi eq, %iota3A, %eq3A_62 : vector<2048x8xi32>
    %jit3A_64 = arith.constant 0.000000e+00 : f32
    %broadcast_in_dim3A_65 = vector.broadcast %jit3A_64 : f32 to vector<2048x8xf32>
    %select_n3A_66 = arith.select %eq3A_63, %get3A_54, %broadcast_in_dim3A_65 : vector<2048x8xi1>, vector<2048x8xf32>
    %reduce_sum3A_67 = arith.constant dense<0.000000e+00> : vector<2048xf32>
    %reduce_sum3A_68 = vector.multi_reduction <add>, %select_n3A_66, %reduce_sum3A_67 [1] : vector<2048x8xf32> to vector<2048xf32>
    %broadcast_in_dim3A_69 = vector.shape_cast %reduce_sum3A_68 : vector<2048xf32> to vector<2048x1xf32>
    %lt3A = arith.constant 6.150000e+02 : f32
    %lt3A_70 = vector.broadcast %lt3A : f32 to vector<2048x1xf32>
    %lt3A_71 = arith.cmpf olt, %broadcast_in_dim3A_61, %lt3A_70 : vector<2048x1xf32>
    %convert_element_type3A_72 = arith.extui %lt3A_71 : vector<2048x1xi1> to vector<2048x1xi32>
    %convert_element_type3A_73 = arith.sitofp %convert_element_type3A_72 : vector<2048x1xi32> to vector<2048x1xf32>
    %lt3A_74 = arith.constant 6.150000e+02 : f32
    %lt3A_75 = vector.broadcast %lt3A_74 : f32 to vector<2048x1xf32>
    %lt3A_76 = arith.cmpf olt, %broadcast_in_dim3A_69, %lt3A_75 : vector<2048x1xf32>
    %convert_element_type3A_77 = arith.extui %lt3A_76 : vector<2048x1xi1> to vector<2048x1xi32>
    %convert_element_type3A_78 = arith.sitofp %convert_element_type3A_77 : vector<2048x1xi32> to vector<2048x1xf32>
    %convert_element_type3A_79 = arith.sitofp %broadcast_in_dim3A_10 : vector<2048x1xi32> to vector<2048x1xf32>
    %convert_element_type3A_80 = arith.sitofp %broadcast_in_dim3A_26 : vector<2048x1xi32> to vector<2048x1xf32>
    %mul3A = arith.mulf %div3A_30, %convert_element_type3A_73 : vector<2048x1xf32>
    %mul3A_81 = arith.mulf %sub3A_33, %convert_element_type3A_78 : vector<2048x1xf32>
    %concatenate3A = tpu.concatenate %convert_element_type3A_79, %convert_element_type3A_80, %broadcast_in_dim3A_61, %broadcast_in_dim3A_69, %mul3A, %mul3A_81, %convert_element_type3A_73, %convert_element_type3A_78 in 1 : vector<2048x1xf32>, vector<2048x1xf32>, vector<2048x1xf32>, vector<2048x1xf32>, vector<2048x1xf32>, vector<2048x1xf32>, vector<2048x1xf32>, vector<2048x1xf32> -> vector<2048x8xf32>
    %swap3A_82 = arith.constant 0 : index
    %swap3A_83 = arith.constant 0 : index
    %swap3A_84 = vector.load %arg2[%swap3A_82, %swap3A_83] : memref<2048x8xf32, #tpu.memory_space<vmem>>, vector<2048x8xf32>
    tpu.vector_store %arg2[%swap3A_82, %swap3A_83], %concatenate3A {strides = array<i32>} : memref<2048x8xf32, #tpu.memory_space<vmem>>, vector<2048x8xf32>,
    %convert_element_type3A_85 = arith.sitofp %broadcast_in_dim3A_10 : vector<2048x1xi32> to vector<2048x1xf32>
    %mul3A_86 = arith.constant 6.400000e+02 : f32
    %mul3A_87 = vector.broadcast %mul3A_86 : f32 to vector<2048x1xf32>
    %mul3A_88 = arith.mulf %convert_element_type3A_85, %mul3A_87 : vector<2048x1xf32>
    %gt3A_89 = arith.constant 0.000000e+00 : f32
    %gt3A_90 = vector.broadcast %gt3A_89 : f32 to vector<2048x1xf32>
    %gt3A_91 = arith.cmpf ogt, %convert_element_type3A_73, %gt3A_90 : vector<2048x1xf32>
    %jit3A_92 = arith.constant 6.390000e+02 : f32
    %broadcast_in_dim3A_93 = vector.broadcast %jit3A_92 : f32 to vector<2048x1xf32>
    %select_n3A_94 = arith.select %gt3A_91, %broadcast_in_dim3A_61, %broadcast_in_dim3A_93 : vector<2048x1xi1>, vector<2048x1xf32>
    %add3A_95 = arith.addf %mul3A_88, %select_n3A_94 : vector<2048x1xf32>
    %convert_element_type3A_96 = arith.sitofp %broadcast_in_dim3A_26 : vector<2048x1xi32> to vector<2048x1xf32>
    %mul3A_97 = arith.constant 6.400000e+02 : f32
    %mul3A_98 = vector.broadcast %mul3A_97 : f32 to vector<2048x1xf32>
    %mul3A_99 = arith.mulf %convert_element_type3A_96, %mul3A_98 : vector<2048x1xf32>
    %gt3A_100 = arith.constant 0.000000e+00 : f32
    %gt3A_101 = vector.broadcast %gt3A_100 : f32 to vector<2048x1xf32>
    %gt3A_102 = arith.cmpf ogt, %convert_element_type3A_78, %gt3A_101 : vector<2048x1xf32>
    %jit3A_103 = arith.constant 6.390000e+02 : f32
    %broadcast_in_dim3A_104 = vector.broadcast %jit3A_103 : f32 to vector<2048x1xf32>
    %select_n3A_105 = arith.select %gt3A_102, %broadcast_in_dim3A_69, %broadcast_in_dim3A_104 : vector<2048x1xi1>, vector<2048x1xf32>
    %add3A_106 = arith.addf %mul3A_99, %select_n3A_105 : vector<2048x1xf32>
    %concatenate3A_107 = tpu.concatenate %add3A_95, %add3A_106 in 1 : vector<2048x1xf32>, vector<2048x1xf32> -> vector<2048x2xf32>
    %convert_element_type3A_108 = arith.fptosi %concatenate3A_107 : vector<2048x2xf32> to vector<2048x2xi32>
    %swap3A_109 = arith.constant 0 : index
    %swap3A_110 = arith.constant 0 : index
    %swap3A_111 = vector.load %arg3[%swap3A_109, %swap3A_110] : memref<2048x2xi32, #tpu.memory_space<vmem>>, vector<2048x2xi32>
    tpu.vector_store %arg3[%swap3A_109, %swap3A_110], %convert_element_type3A_108 {strides = array<i32>} : memref<2048x2xi32, #tpu.memory_space<vmem>>, vector<2048x2xi32>,
    return
  }
}

module attributes {stable_mosaic.version = 14 : i64} {
  func.func @_dispatch_body(%arg0: i32, %arg1: memref<8x2048xf32, #tpu.memory_space<vmem>>, %arg2: memref<2048x8xf32, #tpu.memory_space<vmem>>, %arg3: memref<2048x1024xf32, #tpu.memory_space<vmem>>, %arg4: memref<1x640x1024xf32, #tpu.memory_space<vmem>>, %arg5: memref<1x640x1xf32, #tpu.memory_space<vmem>>) attributes {dimension_semantics = [#tpu.dimension_semantics<arbitrary>], iteration_bounds = array<i64: 8>, scalar_prefetch = 0 : i64, scratch_operands = 0 : i64, tpu.core_type = #tpu.core_type<tc>, window_params = [{pipeline_mode = #tpu.pipeline_mode<synchronous>, transform_indices = @transform_0, window_bounds = array<i64: 8, 2048>}, {pipeline_mode = #tpu.pipeline_mode<synchronous>, transform_indices = @transform_1, window_bounds = array<i64: 2048, 8>}, {pipeline_mode = #tpu.pipeline_mode<synchronous>, transform_indices = @transform_2, window_bounds = array<i64: 2048, 1024>}, {transform_indices = @transform_3, window_bounds = array<i64: 1, 640, 1024>}, {transform_indices = @transform_4, window_bounds = array<i64: 1, 640, 1>}]} {
    %convert_element_type3A = arith.sitofp %arg0 : i32 to f32
    %get3A = arith.constant 0 : index
    %get3A_0 = arith.constant 0 : index
    %get3A_1 = vector.load %arg1[%get3A, %get3A_0] : memref<8x2048xf32, #tpu.memory_space<vmem>>, vector<1x2048xf32>
    %get3A_2 = arith.constant 1 : index
    %get3A_3 = arith.constant 0 : index
    %get3A_4 = vector.load %arg1[%get3A_2, %get3A_3] : memref<8x2048xf32, #tpu.memory_space<vmem>>, vector<1x2048xf32>
    %get3A_5 = arith.constant 2 : index
    %get3A_6 = arith.constant 0 : index
    %get3A_7 = vector.load %arg1[%get3A_5, %get3A_6] : memref<8x2048xf32, #tpu.memory_space<vmem>>, vector<1x2048xf32>
    %get3A_8 = arith.constant 3 : index
    %get3A_9 = arith.constant 0 : index
    %get3A_10 = vector.load %arg1[%get3A_8, %get3A_9] : memref<8x2048xf32, #tpu.memory_space<vmem>>, vector<1x2048xf32>
    %get3A_11 = arith.constant 6 : index
    %get3A_12 = arith.constant 0 : index
    %get3A_13 = vector.load %arg1[%get3A_11, %get3A_12] : memref<8x2048xf32, #tpu.memory_space<vmem>>, vector<1x2048xf32>
    %get3A_14 = arith.constant 7 : index
    %get3A_15 = arith.constant 0 : index
    %get3A_16 = vector.load %arg1[%get3A_14, %get3A_15] : memref<8x2048xf32, #tpu.memory_space<vmem>>, vector<1x2048xf32>
    %iota3A = tpu.iota {dimensions = array<i32: 0>} : vector<640x2048xi32>
    %convert_element_type3A_17 = arith.sitofp %iota3A : vector<640x2048xi32> to vector<640x2048xf32>
    %eq3A = vector.broadcast %convert_element_type3A : f32 to vector<1x2048xf32>
    %eq3A_18 = arith.cmpf oeq, %get3A_1, %eq3A : vector<1x2048xf32>
    %eq3A_19 = vector.broadcast %get3A_7 : vector<1x2048xf32> to vector<640x2048xf32>
    %eq3A_20 = arith.cmpf oeq, %eq3A_19, %convert_element_type3A_17 : vector<640x2048xf32>
    %and3A = vector.broadcast %eq3A_18 : vector<1x2048xi1> to vector<640x2048xi1>
    %and3A_21 = arith.andi %and3A, %eq3A_20 : vector<640x2048xi1>
    %gt3A = arith.constant 0.000000e+00 : f32
    %gt3A_22 = vector.broadcast %gt3A : f32 to vector<1x2048xf32>
    %gt3A_23 = arith.cmpf ogt, %get3A_13, %gt3A_22 : vector<1x2048xf32>
    %and3A_24 = vector.broadcast %gt3A_23 : vector<1x2048xi1> to vector<640x2048xi1>
    %and3A_25 = arith.andi %and3A_21, %and3A_24 : vector<640x2048xi1>
    %convert_element_type3A_26 = arith.extui %and3A_25 : vector<640x2048xi1> to vector<640x2048xi32>
    %convert_element_type3A_27 = arith.sitofp %convert_element_type3A_26 : vector<640x2048xi32> to vector<640x2048xf32>
    %eq3A_28 = vector.broadcast %convert_element_type3A : f32 to vector<1x2048xf32>
    %eq3A_29 = arith.cmpf oeq, %get3A_4, %eq3A_28 : vector<1x2048xf32>
    %eq3A_30 = vector.broadcast %get3A_10 : vector<1x2048xf32> to vector<640x2048xf32>
    %eq3A_31 = arith.cmpf oeq, %eq3A_30, %convert_element_type3A_17 : vector<640x2048xf32>
    %and3A_32 = vector.broadcast %eq3A_29 : vector<1x2048xi1> to vector<640x2048xi1>
    %and3A_33 = arith.andi %and3A_32, %eq3A_31 : vector<640x2048xi1>
    %gt3A_34 = arith.constant 0.000000e+00 : f32
    %gt3A_35 = vector.broadcast %gt3A_34 : f32 to vector<1x2048xf32>
    %gt3A_36 = arith.cmpf ogt, %get3A_16, %gt3A_35 : vector<1x2048xf32>
    %and3A_37 = vector.broadcast %gt3A_36 : vector<1x2048xi1> to vector<640x2048xi1>
    %and3A_38 = arith.andi %and3A_33, %and3A_37 : vector<640x2048xi1>
    %convert_element_type3A_39 = arith.extui %and3A_38 : vector<640x2048xi1> to vector<640x2048xi32>
    %convert_element_type3A_40 = arith.sitofp %convert_element_type3A_39 : vector<640x2048xi32> to vector<640x2048xf32>
    %add3A = arith.addf %convert_element_type3A_27, %convert_element_type3A_40 : vector<640x2048xf32>
    %get3A_41 = arith.constant 0 : index
    %get3A_42 = arith.constant 0 : index
    %get3A_43 = vector.load %arg3[%get3A_41, %get3A_42] : memref<2048x1024xf32, #tpu.memory_space<vmem>>, vector<2048x1024xf32>
    %dot_general3A = arith.constant dense<0.000000e+00> : vector<640x1024xf32>
    %dot_general3A_44 = tpu.matmul %add3A, %get3A_43, %dot_general3A {dimension_numbers = #tpu.dot_dimension_numbers<[1], [0], [0], [1], [0, 0, 1, 1], [], []>, transpose_lhs_hint = false} : vector<640x2048xf32>, vector<2048x1024xf32>, vector<640x1024xf32> -> vector<640x1024xf32>
    %swap3A = arith.constant 0 : index
    %swap3A_45 = arith.constant 0 : index
    %swap3A_46 = arith.constant 0 : index
    %swap3A_47 = vector.load %arg4[%swap3A, %swap3A_45, %swap3A_46] : memref<1x640x1024xf32, #tpu.memory_space<vmem>>, vector<1x640x1024xf32>
    %swap3A_48 = vector.shape_cast %swap3A_47 : vector<1x640x1024xf32> to vector<640x1024xf32>
    %swap3A_49 = vector.shape_cast %dot_general3A_44 : vector<640x1024xf32> to vector<1x640x1024xf32>
    tpu.vector_store %arg4[%swap3A, %swap3A_45, %swap3A_46], %swap3A_49 {strides = array<i32>} : memref<1x640x1024xf32, #tpu.memory_space<vmem>>, vector<1x640x1024xf32>,
    %get3A_50 = arith.constant 0 : index
    %get3A_51 = arith.constant 4 : index
    %get3A_52 = vector.load %arg2[%get3A_50, %get3A_51] : memref<2048x8xf32, #tpu.memory_space<vmem>>, vector<2048x2xf32>
    %dot_general3A_53 = arith.constant dense<0.000000e+00> : vector<640x2xf32>
    %dot_general3A_54 = tpu.matmul %convert_element_type3A_27, %get3A_52, %dot_general3A_53 {dimension_numbers = #tpu.dot_dimension_numbers<[1], [0], [0], [1], [0, 0, 1, 1], [], []>, transpose_lhs_hint = false} : vector<640x2048xf32>, vector<2048x2xf32>, vector<640x2xf32> -> vector<640x2xf32>
    %slice3A = vector.extract_strided_slice %dot_general3A_54 {offsets = [0, 0], sizes = [640, 1], strides = [1, 1]} : vector<640x2xf32> to vector<640x1xf32>
    %dot_general3A_55 = arith.constant dense<0.000000e+00> : vector<640x2xf32>
    %dot_general3A_56 = tpu.matmul %convert_element_type3A_40, %get3A_52, %dot_general3A_55 {dimension_numbers = #tpu.dot_dimension_numbers<[1], [0], [0], [1], [0, 0, 1, 1], [], []>, transpose_lhs_hint = false} : vector<640x2048xf32>, vector<2048x2xf32>, vector<640x2xf32> -> vector<640x2xf32>
    %slice3A_57 = vector.extract_strided_slice %dot_general3A_56 {offsets = [0, 1], sizes = [640, 1], strides = [1, 1]} : vector<640x2xf32> to vector<640x1xf32>
    %add3A_58 = arith.addf %slice3A, %slice3A_57 : vector<640x1xf32>
    %swap3A_59 = arith.constant 0 : index
    %swap3A_60 = arith.constant 0 : index
    %swap3A_61 = arith.constant 0 : index
    %swap3A_62 = vector.load %arg5[%swap3A_59, %swap3A_60, %swap3A_61] : memref<1x640x1xf32, #tpu.memory_space<vmem>>, vector<1x640x1xf32>
    %swap3A_63 = vector.shape_cast %swap3A_62 : vector<1x640x1xf32> to vector<640x1xf32>
    %swap3A_64 = vector.shape_cast %add3A_58 : vector<640x1xf32> to vector<1x640x1xf32>
    tpu.vector_store %arg5[%swap3A_59, %swap3A_60, %swap3A_61], %swap3A_64 {strides = array<i32>} : memref<1x640x1xf32, #tpu.memory_space<vmem>>, vector<1x640x1xf32>,
    return
  }
  func.func @transform_0(%arg0: i32) -> (i32, i32) {
    %c0_i32 = arith.constant 0 : i32
    %c0_i32_0 = arith.constant 0 : i32
    %c0_i32_1 = arith.constant 0 : i32
    return %c0_i32, %c0_i32_0 : i32, i32
  }
  func.func @transform_1(%arg0: i32) -> (i32, i32) {
    %c0_i32 = arith.constant 0 : i32
    %c0_i32_0 = arith.constant 0 : i32
    %c0_i32_1 = arith.constant 0 : i32
    return %c0_i32, %c0_i32_0 : i32, i32
  }
  func.func @transform_2(%arg0: i32) -> (i32, i32) {
    %c0_i32 = arith.constant 0 : i32
    %c0_i32_0 = arith.constant 0 : i32
    %c0_i32_1 = arith.constant 0 : i32
    return %c0_i32, %c0_i32_0 : i32, i32
  }
  func.func @transform_3(%arg0: i32) -> (i32, i32, i32) {
    %c0_i32 = arith.constant 0 : i32
    %c0_i32_0 = arith.constant 0 : i32
    %c0_i32_1 = arith.constant 0 : i32
    return %arg0, %c0_i32, %c0_i32_0 : i32, i32, i32
  }
  func.func @transform_4(%arg0: i32) -> (i32, i32, i32) {
    %c0_i32 = arith.constant 0 : i32
    %c0_i32_0 = arith.constant 0 : i32
    %c0_i32_1 = arith.constant 0 : i32
    return %arg0, %c0_i32, %c0_i32_0 : i32, i32, i32
  }
}

module attributes {stable_mosaic.version = 14 : i64} {
  func.func @_ffn_body(%arg0: i32, %arg1: i32, %arg2: memref<1x640x1024xf32, #tpu.memory_space<vmem>>, %arg3: memref<1x1024x512xf32, #tpu.memory_space<vmem>>, %arg4: memref<1x1x512xf32, #tpu.memory_space<vmem>>, %arg5: memref<1x512x1024xf32, #tpu.memory_space<vmem>>, %arg6: memref<1x1x1024xf32, #tpu.memory_space<vmem>>, %arg7: memref<1x640x1xf32, #tpu.memory_space<vmem>>, %arg8: memref<1x640x1024xf32, #tpu.memory_space<vmem>>) attributes {dimension_semantics = [#tpu.dimension_semantics<arbitrary>, #tpu.dimension_semantics<arbitrary>], iteration_bounds = array<i64: 8, 8>, scalar_prefetch = 0 : i64, scratch_operands = 0 : i64, tpu.core_type = #tpu.core_type<tc>, window_params = [{transform_indices = @transform_0, window_bounds = array<i64: 1, 640, 1024>}, {transform_indices = @transform_1, window_bounds = array<i64: 1, 1024, 512>}, {transform_indices = @transform_2, window_bounds = array<i64: 1, 1, 512>}, {transform_indices = @transform_3, window_bounds = array<i64: 1, 512, 1024>}, {transform_indices = @transform_4, window_bounds = array<i64: 1, 1, 1024>}, {transform_indices = @transform_5, window_bounds = array<i64: 1, 640, 1>}, {transform_indices = @transform_6, window_bounds = array<i64: 1, 640, 1024>}]} {
    %eq3A = arith.constant 0 : i32
    %eq3A_0 = arith.cmpi eq, %arg1, %eq3A : i32
    %convert_element_type3A = arith.extui %eq3A_0 : i1 to i32
    %cond3A = arith.constant 0 : i32
    %cond3A_1 = arith.cmpi ne, %convert_element_type3A, %cond3A : i32
    scf.if %cond3A_1 {
      %get3A_56 = arith.constant 0 : index
      %get3A_57 = arith.constant 0 : index
      %get3A_58 = arith.constant 0 : index
      %get3A_59 = vector.load %arg6[%get3A_56, %get3A_57, %get3A_58] : memref<1x1x1024xf32, #tpu.memory_space<vmem>>, vector<1x1x1024xf32>
      %get3A_60 = vector.shape_cast %get3A_59 : vector<1x1x1024xf32> to vector<1x1024xf32>
      %broadcast_in_dim3A = vector.shape_cast %get3A_60 : vector<1x1024xf32> to vector<1x1024xf32>
      %broadcast_in_dim3A_61 = vector.broadcast %broadcast_in_dim3A : vector<1x1024xf32> to vector<640x1024xf32>
      %swap3A_62 = arith.constant 0 : index
      %swap3A_63 = arith.constant 0 : index
      %swap3A_64 = arith.constant 0 : index
      %swap3A_65 = vector.load %arg8[%swap3A_62, %swap3A_63, %swap3A_64] : memref<1x640x1024xf32, #tpu.memory_space<vmem>>, vector<1x640x1024xf32>
      %swap3A_66 = vector.shape_cast %swap3A_65 : vector<1x640x1024xf32> to vector<640x1024xf32>
      %swap3A_67 = vector.shape_cast %broadcast_in_dim3A_61 : vector<640x1024xf32> to vector<1x640x1024xf32>
      tpu.vector_store %arg8[%swap3A_62, %swap3A_63, %swap3A_64], %swap3A_67 {strides = array<i32>} : memref<1x640x1024xf32, #tpu.memory_space<vmem>>, vector<1x640x1024xf32>,
    } else {
    }
    %get3A = arith.constant 0 : index
    %get3A_2 = arith.constant 0 : index
    %get3A_3 = arith.constant 0 : index
    %get3A_4 = vector.load %arg2[%get3A, %get3A_2, %get3A_3] : memref<1x640x1024xf32, #tpu.memory_space<vmem>>, vector<1x640x1024xf32>
    %get3A_5 = vector.shape_cast %get3A_4 : vector<1x640x1024xf32> to vector<640x1024xf32>
    %get3A_6 = arith.constant 0 : index
    %get3A_7 = arith.constant 0 : index
    %get3A_8 = arith.constant 0 : index
    %get3A_9 = vector.load %arg3[%get3A_6, %get3A_7, %get3A_8] : memref<1x1024x512xf32, #tpu.memory_space<vmem>>, vector<1x1024x512xf32>
    %get3A_10 = vector.shape_cast %get3A_9 : vector<1x1024x512xf32> to vector<1024x512xf32>
    %dot_general3A = arith.constant dense<0.000000e+00> : vector<640x512xf32>
    %dot_general3A_11 = tpu.matmul %get3A_5, %get3A_10, %dot_general3A {dimension_numbers = #tpu.dot_dimension_numbers<[1], [0], [0], [1], [0, 0, 1, 1], [], []>, transpose_lhs_hint = false} : vector<640x1024xf32>, vector<1024x512xf32>, vector<640x512xf32> -> vector<640x512xf32>
    %get3A_12 = arith.constant 0 : index
    %get3A_13 = arith.constant 0 : index
    %get3A_14 = arith.constant 0 : index
    %get3A_15 = vector.load %arg4[%get3A_12, %get3A_13, %get3A_14] : memref<1x1x512xf32, #tpu.memory_space<vmem>>, vector<1x1x512xf32>
    %get3A_16 = vector.shape_cast %get3A_15 : vector<1x1x512xf32> to vector<1x512xf32>
    %add3A = vector.broadcast %get3A_16 : vector<1x512xf32> to vector<640x512xf32>
    %add3A_17 = arith.addf %dot_general3A_11, %add3A : vector<640x512xf32>
    %mul3A = arith.mulf %add3A_17, %add3A_17 : vector<640x512xf32>
    %mul3A_18 = arith.mulf %mul3A, %add3A_17 : vector<640x512xf32>
    %mul3A_19 = arith.constant 5.000000e-01 : f32
    %mul3A_20 = vector.broadcast %mul3A_19 : f32 to vector<640x512xf32>
    %mul3A_21 = arith.mulf %mul3A_20, %add3A_17 : vector<640x512xf32>
    %mul3A_22 = arith.constant 4.471500e-02 : f32
    %mul3A_23 = vector.broadcast %mul3A_22 : f32 to vector<640x512xf32>
    %mul3A_24 = arith.mulf %mul3A_23, %mul3A_18 : vector<640x512xf32>
    %add3A_25 = arith.addf %add3A_17, %mul3A_24 : vector<640x512xf32>
    %mul3A_26 = arith.constant 0.797884583 : f32
    %mul3A_27 = vector.broadcast %mul3A_26 : f32 to vector<640x512xf32>
    %mul3A_28 = arith.mulf %mul3A_27, %add3A_25 : vector<640x512xf32>
    %tanh3A = math.tanh %mul3A_28 : vector<640x512xf32>
    %add3A_29 = arith.constant 1.000000e+00 : f32
    %add3A_30 = vector.broadcast %add3A_29 : f32 to vector<640x512xf32>
    %add3A_31 = arith.addf %add3A_30, %tanh3A : vector<640x512xf32>
    %mul3A_32 = arith.mulf %mul3A_21, %add3A_31 : vector<640x512xf32>
    %get3A_33 = arith.constant 0 : index
    %get3A_34 = arith.constant 0 : index
    %get3A_35 = arith.constant 0 : index
    %get3A_36 = vector.load %arg8[%get3A_33, %get3A_34, %get3A_35] : memref<1x640x1024xf32, #tpu.memory_space<vmem>>, vector<1x640x1024xf32>
    %get3A_37 = vector.shape_cast %get3A_36 : vector<1x640x1024xf32> to vector<640x1024xf32>
    %get3A_38 = arith.constant 0 : index
    %get3A_39 = arith.constant 0 : index
    %get3A_40 = arith.constant 0 : index
    %get3A_41 = vector.load %arg5[%get3A_38, %get3A_39, %get3A_40] : memref<1x512x1024xf32, #tpu.memory_space<vmem>>, vector<1x512x1024xf32>
    %get3A_42 = vector.shape_cast %get3A_41 : vector<1x512x1024xf32> to vector<512x1024xf32>
    %dot_general3A_43 = arith.constant dense<0.000000e+00> : vector<640x1024xf32>
    %dot_general3A_44 = tpu.matmul %mul3A_32, %get3A_42, %dot_general3A_43 {dimension_numbers = #tpu.dot_dimension_numbers<[1], [0], [0], [1], [0, 0, 1, 1], [], []>, transpose_lhs_hint = false} : vector<640x512xf32>, vector<512x1024xf32>, vector<640x1024xf32> -> vector<640x1024xf32>
    %add3A_45 = arith.addf %get3A_37, %dot_general3A_44 : vector<640x1024xf32>
    %swap3A = arith.constant 0 : index
    %swap3A_46 = arith.constant 0 : index
    %swap3A_47 = arith.constant 0 : index
    %swap3A_48 = vector.load %arg8[%swap3A, %swap3A_46, %swap3A_47] : memref<1x640x1024xf32, #tpu.memory_space<vmem>>, vector<1x640x1024xf32>
    %swap3A_49 = vector.shape_cast %swap3A_48 : vector<1x640x1024xf32> to vector<640x1024xf32>
    %swap3A_50 = vector.shape_cast %add3A_45 : vector<640x1024xf32> to vector<1x640x1024xf32>
    tpu.vector_store %arg8[%swap3A, %swap3A_46, %swap3A_47], %swap3A_50 {strides = array<i32>} : memref<1x640x1024xf32, #tpu.memory_space<vmem>>, vector<1x640x1024xf32>,
    %eq3A_51 = arith.constant 7 : i32
    %eq3A_52 = arith.cmpi eq, %arg1, %eq3A_51 : i32
    %convert_element_type3A_53 = arith.extui %eq3A_52 : i1 to i32
    %cond3A_54 = arith.constant 0 : i32
    %cond3A_55 = arith.cmpi ne, %convert_element_type3A_53, %cond3A_54 : i32
    scf.if %cond3A_55 {
      %get3A_56 = arith.constant 0 : index
      %get3A_57 = arith.constant 0 : index
      %get3A_58 = arith.constant 0 : index
      %get3A_59 = vector.load %arg8[%get3A_56, %get3A_57, %get3A_58] : memref<1x640x1024xf32, #tpu.memory_space<vmem>>, vector<1x640x1024xf32>
      %get3A_60 = vector.shape_cast %get3A_59 : vector<1x640x1024xf32> to vector<640x1024xf32>
      %get3A_61 = arith.constant 0 : index
      %get3A_62 = arith.constant 0 : index
      %get3A_63 = arith.constant 0 : index
      %get3A_64 = vector.load %arg7[%get3A_61, %get3A_62, %get3A_63] : memref<1x640x1xf32, #tpu.memory_space<vmem>>, vector<1x640x1xf32>
      %get3A_65 = vector.shape_cast %get3A_64 : vector<1x640x1xf32> to vector<640x1xf32>
      %mul3A_66 = vector.broadcast %get3A_65 : vector<640x1xf32> to vector<640x1024xf32>
      %mul3A_67 = arith.mulf %get3A_60, %mul3A_66 : vector<640x1024xf32>
      %swap3A_68 = arith.constant 0 : index
      %swap3A_69 = arith.constant 0 : index
      %swap3A_70 = arith.constant 0 : index
      %swap3A_71 = vector.load %arg8[%swap3A_68, %swap3A_69, %swap3A_70] : memref<1x640x1024xf32, #tpu.memory_space<vmem>>, vector<1x640x1024xf32>
      %swap3A_72 = vector.shape_cast %swap3A_71 : vector<1x640x1024xf32> to vector<640x1024xf32>
      %swap3A_73 = vector.shape_cast %mul3A_67 : vector<640x1024xf32> to vector<1x640x1024xf32>
      tpu.vector_store %arg8[%swap3A_68, %swap3A_69, %swap3A_70], %swap3A_73 {strides = array<i32>} : memref<1x640x1024xf32, #tpu.memory_space<vmem>>, vector<1x640x1024xf32>,
    } else {
    }
    return
  }
  func.func @transform_0(%arg0: i32, %arg1: i32) -> (i32, i32, i32) {
    %c0_i32 = arith.constant 0 : i32
    %c0_i32_0 = arith.constant 0 : i32
    %c0_i32_1 = arith.constant 0 : i32
    return %arg0, %c0_i32, %c0_i32_0 : i32, i32, i32
  }
  func.func @transform_1(%arg0: i32, %arg1: i32) -> (i32, i32, i32) {
    %c0_i32 = arith.constant 0 : i32
    %c0_i32_0 = arith.constant 0 : i32
    return %arg0, %c0_i32, %arg1 : i32, i32, i32
  }
  func.func @transform_2(%arg0: i32, %arg1: i32) -> (i32, i32, i32) {
    %c0_i32 = arith.constant 0 : i32
    %c0_i32_0 = arith.constant 0 : i32
    return %arg0, %c0_i32, %arg1 : i32, i32, i32
  }
  func.func @transform_3(%arg0: i32, %arg1: i32) -> (i32, i32, i32) {
    %c0_i32 = arith.constant 0 : i32
    %c0_i32_0 = arith.constant 0 : i32
    return %arg0, %arg1, %c0_i32 : i32, i32, i32
  }
  func.func @transform_4(%arg0: i32, %arg1: i32) -> (i32, i32, i32) {
    %c0_i32 = arith.constant 0 : i32
    %c0_i32_0 = arith.constant 0 : i32
    %c0_i32_1 = arith.constant 0 : i32
    return %arg0, %c0_i32, %c0_i32_0 : i32, i32, i32
  }
  func.func @transform_5(%arg0: i32, %arg1: i32) -> (i32, i32, i32) {
    %c0_i32 = arith.constant 0 : i32
    %c0_i32_0 = arith.constant 0 : i32
    %c0_i32_1 = arith.constant 0 : i32
    return %arg0, %c0_i32, %c0_i32_0 : i32, i32, i32
  }
  func.func @transform_6(%arg0: i32, %arg1: i32) -> (i32, i32, i32) {
    %c0_i32 = arith.constant 0 : i32
    %c0_i32_0 = arith.constant 0 : i32
    %c0_i32_1 = arith.constant 0 : i32
    return %arg0, %c0_i32, %c0_i32_0 : i32, i32, i32
  }
}

</mosaic_0001>

<sc_bundles>
// kernel: kernel.6.cloned.1.call-start
scs
__scs_entry_jumppad:
0x0: {  	(pc) =	sbr.rel $0x88, $3  }
0x1: {  	(tag) =	ssettag $0x0;
	lr =	simm.s32 $0x1  }
0x2: {  	[smem:$0x3F9B] =	sst lr;
	_ =	strace $0xD0000000  }
0x3: {  	_ = 	snop  }
0x4: {  	_ = 	snop  }
0x5: {  	_ = 	snop  }
0x6: {  	_ = 	snop  }
0x7: {  	_ = 	snop  }
__scs_overlays_trampoline_lowered:
0x8: {  	[smem:$0x3FAA] =	sst s0  }
0x9: {  	[smem:$0x3FAB] =	sst s1  }
0xa: {  	[smem:$0x3FAC] =	sst s2  }
0xb: {  	[smem:$0x3FAD] =	sst s3  }
0xc: {  	[smem:$0x3FAE] =	sst s4  }
0xd: {  	[smem:$0x3FAF] =	sst s5  }
0xe: {  	[smem:$0x3FB0] =	sst s6  }
0xf: {  	[smem:$0x3FB1] =	sst s7  }
0x10: {  	[smem:$0x3FB2] =	sst s8  }
0x11: {  	[smem:$0x3FB3] =	sst s9;
	s0 =	simm.s32 @!p0 $0x0  }
0x12: {  	s1 =	sld [smem:$0x3F99];
	s0 =	simm.s32 @p0 $0x1  }
0x13: {  	[smem:$0x3FB4] =	sst s0;
	s0 =	simm.s32 @!p1 $0x0  }
0x14: {  	s2 =	sld [smem:$0x3F98];
	s0 =	simm.s32 @p1 $0x1  }
0x15: {  	[smem:$0x3FB5] =	sst s0;
	s0 =	simm.s32 @!p2 $0x0  }
0x16: {  	s3 =	sld [smem:$0x3FDB];
	s0 =	simm.s32 @p2 $0x1  }
0x17: {  	s4 =	simm.s32 $0x1BF5;
	[smem:$0x3FB7] =	sst s0  }
0x18: {  	s0 =	sld [smem:$0x3F9A];
	_ =	swait.ge [sflag:s4], $0x0  }
0x19: {  	s7 =	sld [smem:$0x3F9B]  }
0x1a: {  	s8 =	sadd.s32 $0xFFFFE003, lr  }
0x1b: {  	s9 =	sadd.s32 $0xFFFFFEF7, lr;
	s5 =	simm.s32 $0xFFFFFFFF;
	p2 =	slt.u32 s8, $0xFFFFF086  }
0x1c: {  	p1 =	slt.u32 s9, $0xF7A;
	s5 =	simm.s32 @!p2 $0x0  }
0x1d: {  	s5 =	simm.s32 @p1 $0x1;
	p0 =	seq.s32 s7, s2  }
0x1e: {  	s7 =	smul.u32 @!p0 $0xF7A, s2;
	p2 =	seq.s32 @!p0 s5, $0x0  }
0x1f: {  	s9 =	smul.u32 $0xF7A, s1;
	s8 =	simm.s32 @!p0 $0x1BF5;
	p2 =	por !p2, p0  }
0x20: {  	[sflag:s8] =	ssyncset.s32 @!p0 $0xFFFFF086;
	s6 =	sadd.s32 @!p0 s3, s7;
	s7 =	simm.s32 @!p0 $0x108  }
0x21: {  	s3 =	sadd.s32 s3, s9;
	s6 =	sadd.s32 @!p0 $0x88, s6;
	s7 =	simm.s32 @p2 $0x1082  }
0x22: {  	[simem:s7], [sflag:s8] =	dma.local @!p0 [hbm:s6], $0xF7A  }
0x23: {  	s9 =	sor.u32 $0xD0000000, s2;
	s6 =	simm.s32 $0x108;
	_ =	swait.ge @!p0 [sflag:s8], $0x0  }
0x24: {  	s3 =	sadd.s32 $0x88, s3;
	s6 =	simm.s32 @!p1 $0x1082;
	[sflag:s4] =	ssyncset.s32 $0xFFFFF086  }
0x25: {  	[simem:s6], [sflag:s4] =	dma.local [hbm:s3], $0xF7A  }
0x26: {  	[smem:$0x3F9B] =	sst s1;
	(tag) =	ssettag s2;
	_ =	strace s9  }
0x27: {  	s1 =	sld [smem:$0x3FAB]  }
0x28: {  	s2 =	sld [smem:$0x3FAC]  }
0x29: {  	s4 =	sld [smem:$0x3FAE]  }
0x2a: {  	p0 =	seq.s32 s5, $0x0;
	s5 =	sld [smem:$0x3FAF]  }
0x2b: {  	s6 =	sld [smem:$0x3FB0]  }
0x2c: {  	s7 =	sld [smem:$0x3FB1]  }
0x2d: {  	s3 =	simm.s32 $0x108;
	s8 =	sld [smem:$0x3FB2]  }
0x2e: {  	s3 =	simm.s32 @!p0 $0x1082;
	s9 =	sld [smem:$0x3FB3]  }
0x2f: {  	lr =	sadd.s32 s0, s3;
	s0 =	sld [smem:$0x3FAA]  }
0x30: {  	s3 =	sld [smem:$0x3FAD]  }
0x31: {  	[smem:$0x3FB6] =	sst s10  }
0x32: {  	s10 =	sld [smem:$0x3FB4];
	_ =	sdelay $0x3  }
0x33: {  	p0 =	seq.s32 s10, $0x1;
	s10 =	sld [smem:$0x3FB6];
	_ =	sdelay $0x3  }
0x34: {  	[smem:$0x3FB6] =	sst s10  }
0x35: {  	s10 =	sld [smem:$0x3FB5];
	_ =	sdelay $0x3  }
0x36: {  	p1 =	seq.s32 s10, $0x1;
	s10 =	sld [smem:$0x3FB6];
	_ =	sdelay $0x3  }
0x37: {  	[smem:$0x3FB6] =	sst s10  }
0x38: {  	s10 =	sld [smem:$0x3FB7]  }
0x39: {  	_ = 	snop;
	(pc) =	sbr.ind lr, $3  }
0x3a: {  	_ = 	snop  }
0x3b: {  	_ = 	snop  }
0x3c: {  	p2 =	seq.s32 s10, $0x1;
	s10 =	sld [smem:$0x3FB6]  }
0x3d: {  	_ =	shalt  }
0x3e: {  	_ =	shalt  }
0x3f: {  	_ =	shalt  }
0x40: {  	_ =	shalt  }
0x41: {  	_ =	shalt  }
0x42: {  	_ =	shalt  }
0x43: {  	_ =	shalt  }
0x44: {  	_ =	shalt  }
0x45: {  	_ =	shalt  }
0x46: {  	_ =	shalt  }
0x47: {  	_ =	shalt  }
0x48: {  	_ =	shalt  }
0x49: {  	_ =	shalt  }
0x4a: {  	_ =	shalt  }
0x4b: {  	_ =	shalt  }
0x4c: {  	_ =	shalt  }
0x4d: {  	_ =	shalt  }
0x4e: {  	_ =	shalt  }
0x4f: {  	_ =	shalt  }
0x50: {  	_ =	shalt  }
0x51: {  	_ =	shalt  }
0x52: {  	_ =	shalt  }
0x53: {  	_ =	shalt  }
0x54: {  	_ =	shalt  }
0x55: {  	_ =	shalt  }
0x56: {  	_ =	shalt  }
0x57: {  	_ =	shalt  }
0x58: {  	_ =	shalt  }
0x59: {  	_ =	shalt  }
0x5a: {  	_ =	shalt  }
0x5b: {  	_ =	shalt  }
0x5c: {  	_ =	shalt  }
0x5d: {  	_ =	shalt  }
0x5e: {  	_ =	shalt  }
0x5f: {  	_ =	shalt  }
0x60: {  	_ =	shalt  }
0x61: {  	_ =	shalt  }
0x62: {  	_ =	shalt  }
0x63: {  	_ =	shalt  }
0x64: {  	_ =	shalt  }
0x65: {  	_ =	shalt  }
0x66: {  	_ =	shalt  }
0x67: {  	_ =	shalt  }
0x68: {  	_ =	shalt  }
0x69: {  	_ =	shalt  }
0x6a: {  	_ =	shalt  }
0x6b: {  	_ =	shalt  }
0x6c: {  	_ =	shalt  }
0x6d: {  	_ =	shalt  }
0x6e: {  	_ =	shalt  }
0x6f: {  	_ =	shalt  }
0x70: {  	_ =	shalt  }
0x71: {  	_ =	shalt  }
0x72: {  	_ =	shalt  }
0x73: {  	_ =	shalt  }
0x74: {  	_ =	shalt  }
0x75: {  	_ =	shalt  }
0x76: {  	_ =	shalt  }
0x77: {  	_ =	shalt  }
0x78: {  	_ =	shalt  }
0x79: {  	_ =	shalt  }
0x7a: {  	_ =	shalt  }
0x7b: {  	_ =	shalt  }
0x7c: {  	_ =	shalt  }
0x7d: {  	_ =	shalt  }
0x7e: {  	_ =	shalt  }
0x7f: {  	_ =	shalt  }
0x80: {  	_ =	shalt  }
0x81: {  	_ =	shalt  }
0x82: {  	_ =	shalt  }
0x83: {  	_ =	shalt  }
0x84: {  	_ =	shalt  }
0x85: {  	_ =	shalt  }
0x86: {  	_ =	shalt  }
0x87: {  	_ =	shalt  }
.Lfunc_end0:
.L_simem_size_0:
called_computation_lowered:
.L_overlay_start_0:
0x88: {  	s2 =	sld [smem:$0x3FD9]  }
0x89: {  	s3 =	sld [smem:$0x3FFE];
	_ =	sdelay $0x1  }
0x8a: {  	s1 =	srdreg.scid  }
0x8b: {  	s0 =	sand.u32 $0x1, s1  }
0x8c: {  	s17 =	sshll.u32 s0, $0xA;
	s2 =	sadd.s32 s3, s2  }
0x8d: {  	s2 =	sadd.s32 s2, s17  }
0x8e: {  	[smem:$0x3FC2] =	sst s2  }
0x8f: {  	_ = 	snop  }
0x90: {  	s2 =	sld [smem:$0x3FD0];
	(tm) =	ssettm $0x1  }
0x91: {  	s18 =	sld [smem:$0x3FFB];
	_ =	sdelay $0x3  }
0x92: {  	_ =	strace s18  }
0x93: {  	s3 =	sld [smem:$0x3FFC];
	_ =	sdelay $0x3  }
0x94: {  	_ =	strace s3  }
0x95: {  	s3 =	sld [smem:$0x3FFD];
	_ =	sdelay $0x3  }
0x96: {  	_ =	strace s3  }
0x97: {  	_ =	strace $0x8FFFFFFF  }
0x98: {  	s19 =	sld [smem:$0x3FDB];
	_ =	sdelay $0x1  }
0x99: {  	s4 =	simm.s32 $_scs_section_size  }
0x9a: {  	s5 =	simm.s32 $_size__tile_overlayer_lowered;
	s6 =	simm.s32 $_tile_overlayer_lowered  }
0x9b: {  	s22 =	simm.s32 $0x1BFF;
	s21 =	sshll.u32 s6, $0x1;
	s3 =	sadd.s32 s4, s19  }
0x9c: {  	s7 =	simm.s32 $0x0;
	s20 =	sshll.u32 s5, $0x1;
	s5 =	sadd.s32 s21, s3  }
0x9d: {  	[timem:s7], [sflag:s22] =	dma.local [hbm:s5], s20  }
0x9e: {  	_ =	swait.ge [sflag:s22], s20  }
0x9f: {  	s4 =	ssub.s32 $0x0, s20;
	[sflag:s22] =	ssyncset.done $0x0  }
0xa0: {  	[sflag:s22] =	ssyncadd.s32 s4;
	_ =	sdelay $0x1  }
0xa1: {  	s23 =	simm.s32 $0x1B8B  }
0xa2: {  	_ =	swait.ge [sflag:s23], $0x1  }
0xa3: {  	[sflag:s23] =	ssyncset.done $0x0  }
0xa4: {  	s25 =	simm.s32 $0x1B8E;
	s24 =	sld [smem:$0x3FFE];
	[sflag:s23] =	ssyncadd.s32 $0xFFFFFFFF  }
0xa5: {  	s26 =	simm.s32 $execute0_lowered;
	[smem:$0x3FD2] =	sst s25  }
0xa6: {  	s5 =	sshll.u32 s26, $0x1;
	_ =	strace $0x80000046;
	[dreg:$0x1] =	wrdreg $0xFFFFFFFF  }
0xa7: {  	s28 =	simm.s32 $_size_execute0_lowered;
	s3 =	sadd.s32 s3, s5;
	[dreg:$0x0] =	wrdreg $0x0  }
0xa8: {  	s5 =	sshll.u32 s28, $0x1;
	[dreg:$0x2] =	wrdreg s3  }
0xa9: {  	[dreg:$0x3] =	wrdreg s5  }
0xaa: {  	[dreg:$0x4] =	wrdreg $0xC0  }
0xab: {  	_ =	task [dreg:s7], $0x5FFFF  }
0xac: {  	[dreg:$0x1] =	wrdreg $0xFFFFFFFF  }
0xad: {  	[dreg:$0x0] =	wrdreg $0x60  }
0xae: {  	[dreg:$0x2] =	wrdreg s24  }
0xaf: {  	[dreg:$0x3] =	wrdreg s2  }
0xb0: {  	[dreg:$0x4] =	wrdreg $0x9  }
0xb1: {  	_ =	task.clear_ibuf [dreg:s7], $0x5FFFF;
	_ =	strace $0x90000046  }
0xb2: {  	s29 =	simm.s32 $0x9;
	_ =	strace $0x80000048  }
0xb3: {  	_ =	swait.ge [sflag:s29], $0x1  }
0xb4: {  	[sflag:s29] =	ssyncadd.s32 $0xFFFFFFFF  }
0xb5: {  	_ =	strace $0x90000048  }
0xb6: {  	_ =	sfence  }
0xb7: {  	s30 =	sld [smem:$0x0];
	_ =	sdelay $0x2  }
0xb8: {  	s31 =	sshll.u32 s1, $0xD;
	s1 =	sshrl.u32 s1, $0x2  }
0xb9: {  	s3 =	sand.u32 $0x4000, s31;
	s1 =	sadd.s32 s1, s30  }
0xba: {  	s0 =	sor.u32 s3, s0;
	s1 =	sshll.u32 s1, $0x11  }
0xbb: {  	s0 =	sor.u32 s1, s0  }
0xbc: {  	s0 =	sadd.s32 $0x8F2B, s0  }
0xbd: {  	[sflag:s0] =	ssyncadd.remote.s32 $0x1  }
0xbe: {  	_ =	sfence.sel $0xFFFF  }
0xbf: {  	[dreg:$0x0] =	wrdreg $0xFFFFFFFF;
	(pc) =	sbr.abs _section_cstart, $3  }
0xc0: {  	[dreg:$0x1] =	wrdreg $0xFFFFFFFF  }
0xc1: {  	_ =	task.clear_ibuf [dreg:s7], $0x2FFFF;
	_ =	strace $0x9FFFFFFF  }
0xc2: {  	(tm) =	ssettm $0x7FFFFFFF  }
0xc3: {  	_ =	shalt  }
tec
execute0_lowered:
.L_overlay_start_1:
0x0: {  	(tag) =	ssettag $0x1  }
0x1: {  	s0 =	rddreg [dreg:$0x0]  }
0x2: {  	s1 =	rddreg [dreg:$0x1];
	s2 =	simm.s32 $0x0;
	s3 =	srdreg.scid  }
0x3: {  	s4 =	stileid.u32;
	s14 =	simm.s32 $0x1;
	s16 =	simm.s32 $0x100  }
0x4: {  	s15 =	simm.s32 $0x9900;
	s17 =	simm.s32 $0xA100;
	s18 =	simm.s32 $0xA900  }
0x5: {  	s19 =	simm.s32 $0xB100;
	s20 =	simm.s32 $0xC100;
	s21 =	simm.s32 $0xC900  }
0x6: {  	s22 =	simm.s32 $0xD100;
	s23 =	simm.s32 $0xE100;
	s11 =	simm.s32 $0xE900  }
0x7: {  	s12 =	simm.s32 $0xF900;
	[smem:$0x7FF] =	sst s2;
	s3 =	sand.u32 $0x1, s3  }
0x8: {  	s4 =	sshll.u32 s4, $0x7;
	s9 =	sadd.s32 $0x400, s0;
	s24 =	sadd.s32 $0x200, s0  }
0x9: {  	_ =	strace $0x80000047;
	s5 =	sshll.u32 s3, $0x6;
	s6 =	ssub.s32 $0x2, s3  }
0xa: {  	s3 =	sadd.s32 $0xA0600, s0;
	s4 =	sor.u32 s5, s4;
	s7 =	sshrl.u32 s6, $0x1  }
0xb: {  	s5 =	simm.s32 $0x9100;
	s8 =	sshrl.u32 s4, $0x3;
	s10 =	ssub.s32 s6, s7  }
0xc: {  	s6 =	sadd.s32 $0xA0700, s0;
	s7 =	sadd.s32 $0xA0800, s0;
	s28 =	sshll.u32 s4, $0x7  }
0xd: {  	s4 =	sor.u32 $0x20, s4;
	s25 =	sadd.s32 s9, s8;
	s26 =	sadd.s32 s24, s8  }
0xe: {  	s8 =	sadd.s32 $0xA0900, s0;
	s0 =	sadd.s32 s1, s28;
	[dreg:$0x3] =	wrdreg s25  }
0xf: {  	s29 =	sshrl.u32 s4, $0x3;
	s4 =	sshll.u32 s4, $0x7;
	[dreg:$0x4] =	wrdreg s26  }
0x10: {  	s31 =	smax.u32 s10, $0x1;
	s10 =	simm.s32 $0xD900;
	[dreg:$0x5] =	wrdreg s0  }
0x11: {  	s9 =	sadd.s32 s9, s29;
	s0 =	sadd.s32 s24, s29;
	[dreg:$0x9] =	wrdreg s31  }
0x12: {  	v2 =	vlaneseq.u32;
	s30 =	sadd.s32 s1, s4;
	s1 =	simm.s32 $0x8100;
	[dreg:$0x6] =	wrdreg s9  }
0x13: {  	vm0 =	vmmov $0xffff;
	v1 =	vshrl.u32 v2, $0x3;
	s4 =	simm.s32 $0x8900;
	s24 =	simm.s32 $0xF100;
	[dreg:$0x7] =	wrdreg s0  }
0x14: {  	v0 =	vand.u32 $0x7, v2;
	v2 =	vor.u32 $0x8, v2;
	v1 =	vmul.u32 $0x8, v1;
	s25 =	simm.s32 $0x0;
	[dreg:$0x8] =	wrdreg s30;
	s9 =	simm.s32 $0xB900  }
.LBB2_1:
0x15: {  	s0 =	rddreg [dreg:$0x3]  }
0x16: {  	[tilespmem:s2], [sflag:$0x1] =	stream.linear.gather [hbm4b:s0+s2], $0x20, $0x38;
	[tilespmem:$0x10100] =	vst v63  }
0x17: {  	_ =	swait.ge [sflag:s14], $0x20  }
0x18: {  	[sflag:s14] =	ssyncset.done $0x0  }
0x19: {  	s13 =	simm.s32 $0x80;
	s31 =	rddreg [dreg:$0x4];
	[sflag:s14] =	ssyncadd.s32 $0xFFFFFFE0  }
0x1a: {  	[tilespmem:s13], [sflag:$0x1] =	stream.linear.gather [hbm4b:s31+s2], $0x20, $0x38;
	[tilespmem:$0x10100] =	vst v63  }
0x1b: {  	_ =	swait.ge [sflag:s14], $0x20  }
0x1c: {  	[sflag:s14] =	ssyncset.done $0x0  }
0x1d: {  	[sflag:s14] =	ssyncadd.s32 $0xFFFFFFE0  }
0x1e: {  	v3 =	vld [tilespmem:$0x0];
	_ =	sdelay $0x4  }
0x1f: {  	v4 =	vshll.u32 v3, $0x3  }
0x20: {  	v3 =	vand.u32 $0x7, v3;
	v4 =	vand.u32 $0xFFFFFFC0, v4  }
0x21: {  	v3 =	vor.u32 v3, v4  }
0x22: {  	v4 =	vperm.xlane v3, v0;
	_ =	sdelay $0x1  }
0x23: {  	v4 =	vadd.s32 v1, v4;
	_ =	sdelay $0x4  }
0x24: {  	[tilespmem:s16], [sflag:$0x1] =	stream.indirect_vreg.gather [hbm4b:s3+s2], $0x80, v4, vm0, $0xb8;
	[tilespmem:$0x10100] =	vst v63  }
0x25: {  	s26 =	simm.s32 $0x900;
	v3 =	vperm.xlane v3, v2  }
0x26: {  	[tilespmem:s26], [sflag:$0x1] =	stream.indirect_vreg.gather [hbm4b:s6+s2], $0x80, v4, vm0, $0xb8;
	[tilespmem:$0x10100] =	vst v63  }
0x27: {  	s30 =	simm.s32 $0x1100;
	v3 =	vadd.s32 v1, v3  }
0x28: {  	[tilespmem:s30], [sflag:$0x1] =	stream.indirect_vreg.gather [hbm4b:s7+s2], $0x80, v4, vm0, $0xb8;
	[tilespmem:$0x10100] =	vst v63  }
0x29: {  	s31 =	simm.s32 $0x1900  }
0x2a: {  	[tilespmem:s31], [sflag:$0x1] =	stream.indirect_vreg.gather [hbm4b:s8+s2], $0x80, v4, vm0, $0xb8;
	[tilespmem:$0x10100] =	vst v63  }
0x2b: {  	s13 =	simm.s32 $0x2100  }
0x2c: {  	[tilespmem:s13], [sflag:$0x1] =	stream.indirect_vreg.gather [hbm4b:s3+s2], $0x80, v3, vm0, $0xb8;
	[tilespmem:$0x10100] =	vst v63  }
0x2d: {  	s26 =	simm.s32 $0x2900  }
0x2e: {  	[tilespmem:s26], [sflag:$0x1] =	stream.indirect_vreg.gather [hbm4b:s6+s2], $0x80, v3, vm0, $0xb8;
	[tilespmem:$0x10100] =	vst v63  }
0x2f: {  	s30 =	simm.s32 $0x3100  }
0x30: {  	[tilespmem:s30], [sflag:$0x1] =	stream.indirect_vreg.gather [hbm4b:s7+s2], $0x80, v3, vm0, $0xb8;
	[tilespmem:$0x10100] =	vst v63  }
0x31: {  	s31 =	simm.s32 $0x3900  }
0x32: {  	[tilespmem:s31], [sflag:$0x1] =	stream.indirect_vreg.gather [hbm4b:s8+s2], $0x80, v3, vm0, $0xb8;
	[tilespmem:$0x10100] =	vst v63  }
0x33: {  	v3 =	vld [tilespmem:$0x10];
	_ =	sdelay $0x4  }
0x34: {  	v61 =	vshll.u32 v3, $0x3  }
0x35: {  	v3 =	vand.u32 $0x7, v3;
	v4 =	vand.u32 $0xFFFFFFC0, v61  }
0x36: {  	v3 =	vor.u32 v3, v4  }
0x37: {  	v4 =	vperm.xlane v3, v0;
	_ =	sdelay $0x1  }
0x38: {  	v4 =	vadd.s32 v1, v4;
	_ =	sdelay $0x3  }
0x39: {  	s13 =	simm.s32 $0x4100  }
0x3a: {  	[tilespmem:s13], [sflag:$0x1] =	stream.indirect_vreg.gather [hbm4b:s3+s2], $0x80, v4, vm0, $0xb8;
	[tilespmem:$0x10100] =	vst v63  }
0x3b: {  	s26 =	simm.s32 $0x4900;
	v3 =	vperm.xlane v3, v2  }
0x3c: {  	[tilespmem:s26], [sflag:$0x1] =	stream.indirect_vreg.gather [hbm4b:s6+s2], $0x80, v4, vm0, $0xb8;
	[tilespmem:$0x10100] =	vst v63  }
0x3d: {  	s30 =	simm.s32 $0x5100;
	v3 =	vadd.s32 v1, v3  }
0x3e: {  	[tilespmem:s30], [sflag:$0x1] =	stream.indirect_vreg.gather [hbm4b:s7+s2], $0x80, v4, vm0, $0xb8;
	[tilespmem:$0x10100] =	vst v63  }
0x3f: {  	s31 =	simm.s32 $0x5900  }
0x40: {  	[tilespmem:s31], [sflag:$0x1] =	stream.indirect_vreg.gather [hbm4b:s8+s2], $0x80, v4, vm0, $0xb8;
	[tilespmem:$0x10100] =	vst v63  }
0x41: {  	s13 =	simm.s32 $0x6100  }
0x42: {  	[tilespmem:s13], [sflag:$0x1] =	stream.indirect_vreg.gather [hbm4b:s3+s2], $0x80, v3, vm0, $0xb8;
	[tilespmem:$0x10100] =	vst v63  }
0x43: {  	s26 =	simm.s32 $0x6900  }
0x44: {  	[tilespmem:s26], [sflag:$0x1] =	stream.indirect_vreg.gather [hbm4b:s6+s2], $0x80, v3, vm0, $0xb8;
	[tilespmem:$0x10100] =	vst v63  }
0x45: {  	s30 =	simm.s32 $0x7100  }
0x46: {  	[tilespmem:s30], [sflag:$0x1] =	stream.indirect_vreg.gather [hbm4b:s7+s2], $0x80, v3, vm0, $0xb8;
	[tilespmem:$0x10100] =	vst v63  }
0x47: {  	s31 =	simm.s32 $0x7900  }
0x48: {  	[tilespmem:s31], [sflag:$0x1] =	stream.indirect_vreg.gather [hbm4b:s8+s2], $0x80, v3, vm0, $0xb8;
	[tilespmem:$0x10100] =	vst v63  }
0x49: {  	_ =	swait.ge [sflag:s14], $0x8000  }
0x4a: {  	[sflag:s14] =	ssyncset.done $0x0  }
0x4b: {  	[sflag:s14] =	ssyncadd.s32 $0xFFFF8000  }
0x4c: {  	v3 =	vld [tilespmem:$0x80];
	_ =	sdelay $0x4  }
0x4d: {  	v62 =	vshll.u32 v3, $0x3  }
0x4e: {  	v3 =	vand.u32 $0x7, v3;
	v4 =	vand.u32 $0xFFFFFFC0, v62  }
0x4f: {  	v3 =	vor.u32 v3, v4  }
0x50: {  	v4 =	vperm.xlane v3, v0;
	_ =	sdelay $0x1  }
0x51: {  	v4 =	vadd.s32 v1, v4;
	_ =	sdelay $0x4  }
0x52: {  	[tilespmem:s1], [sflag:$0x1] =	stream.indirect_vreg.gather [hbm4b:s3+s2], $0x80, v4, vm0, $0xb8;
	[tilespmem:$0x10100] =	vst v63  }
0x53: {  	v3 =	vperm.xlane v3, v2  }
0x54: {  	[tilespmem:s4], [sflag:$0x1] =	stream.indirect_vreg.gather [hbm4b:s6+s2], $0x80, v4, vm0, $0xb8;
	[tilespmem:$0x10100] =	vst v63  }
0x55: {  	v3 =	vadd.s32 v1, v3  }
0x56: {  	[tilespmem:s5], [sflag:$0x1] =	stream.indirect_vreg.gather [hbm4b:s7+s2], $0x80, v4, vm0, $0xb8;
	[tilespmem:$0x10100] =	vst v63  }
0x57: {  	_ = 	snop  }
0x58: {  	[tilespmem:s15], [sflag:$0x1] =	stream.indirect_vreg.gather [hbm4b:s8+s2], $0x80, v4, vm0, $0xb8;
	[tilespmem:$0x10100] =	vst v63  }
0x59: {  	_ = 	snop  }
0x5a: {  	[tilespmem:s17], [sflag:$0x1] =	stream.indirect_vreg.gather [hbm4b:s3+s2], $0x80, v3, vm0, $0xb8;
	[tilespmem:$0x10100] =	vst v63  }
0x5b: {  	_ = 	snop  }
0x5c: {  	[tilespmem:s18], [sflag:$0x1] =	stream.indirect_vreg.gather [hbm4b:s6+s2], $0x80, v3, vm0, $0xb8;
	[tilespmem:$0x10100] =	vst v63  }
0x5d: {  	_ = 	snop  }
0x5e: {  	[tilespmem:s19], [sflag:$0x1] =	stream.indirect_vreg.gather [hbm4b:s7+s2], $0x80, v3, vm0, $0xb8;
	[tilespmem:$0x10100] =	vst v63  }
0x5f: {  	_ = 	snop  }
0x60: {  	[tilespmem:s9], [sflag:$0x1] =	stream.indirect_vreg.gather [hbm4b:s8+s2], $0x80, v3, vm0, $0xb8;
	[tilespmem:$0x10100] =	vst v63  }
0x61: {  	v3 =	vld [tilespmem:$0x90];
	_ =	sdelay $0x4  }
0x62: {  	v63 =	vshll.u32 v3, $0x3  }
0x63: {  	v3 =	vand.u32 $0x7, v3;
	v4 =	vand.u32 $0xFFFFFFC0, v63  }
0x64: {  	v3 =	vor.u32 v3, v4  }
0x65: {  	v4 =	vperm.xlane v3, v0;
	_ =	sdelay $0x1  }
0x66: {  	v4 =	vadd.s32 v1, v4;
	_ =	sdelay $0x4  }
0x67: {  	[tilespmem:s20], [sflag:$0x1] =	stream.indirect_vreg.gather [hbm4b:s3+s2], $0x80, v4, vm0, $0xb8;
	[tilespmem:$0x10100] =	vst v63  }
0x68: {  	v3 =	vperm.xlane v3, v2  }
0x69: {  	[tilespmem:s21], [sflag:$0x1] =	stream.indirect_vreg.gather [hbm4b:s6+s2], $0x80, v4, vm0, $0xb8;
	[tilespmem:$0x10100] =	vst v63  }
0x6a: {  	v3 =	vadd.s32 v1, v3  }
0x6b: {  	[tilespmem:s22], [sflag:$0x1] =	stream.indirect_vreg.gather [hbm4b:s7+s2], $0x80, v4, vm0, $0xb8;
	[tilespmem:$0x10100] =	vst v63  }
0x6c: {  	_ = 	snop  }
0x6d: {  	[tilespmem:s10], [sflag:$0x1] =	stream.indirect_vreg.gather [hbm4b:s8+s2], $0x80, v4, vm0, $0xb8;
	[tilespmem:$0x10100] =	vst v63  }
0x6e: {  	_ = 	snop  }
0x6f: {  	[tilespmem:s23], [sflag:$0x1] =	stream.indirect_vreg.gather [hbm4b:s3+s2], $0x80, v3, vm0, $0xb8;
	[tilespmem:$0x10100] =	vst v63  }
0x70: {  	_ = 	snop  }
0x71: {  	[tilespmem:s11], [sflag:$0x1] =	stream.indirect_vreg.gather [hbm4b:s6+s2], $0x80, v3, vm0, $0xb8;
	[tilespmem:$0x10100] =	vst v63  }
0x72: {  	_ = 	snop  }
0x73: {  	[tilespmem:s24], [sflag:$0x1] =	stream.indirect_vreg.gather [hbm4b:s7+s2], $0x80, v3, vm0, $0xb8;
	[tilespmem:$0x10100] =	vst v63  }
0x74: {  	_ = 	snop  }
0x75: {  	[tilespmem:s12], [sflag:$0x1] =	stream.indirect_vreg.gather [hbm4b:s8+s2], $0x80, v3, vm0, $0xb8;
	[tilespmem:$0x10100] =	vst v63  }
0x76: {  	_ =	swait.ge [sflag:s14], $0x8000  }
0x77: {  	s28 =	simm.s32 $0x0;
	s29 =	simm.s32 $0x0;
	[sflag:s14] =	ssyncset.done $0x0  }
0x78: {  	s13 =	simm.s32 $0xFFFF8000;
	s26 =	simm.s32 $0x0;
	[sflag:s14] =	ssyncadd.s32 $0xFFFF8000  }
.LBB2_2:
0x79: {  	s30 =	sadd.s32 $0x8000, s13  }
0x7a: {  	s31 =	sand.u32 $0x380, s29;
	s30 =	sand.u32 $0x6000, s30  }
0x7b: {  	s30 =	sor.u32 s31, s30  }
0x7c: {  	v3 =	vld [tilespmem:s30+$0x100]  }
0x7d: {  	v4 =	vld [tilespmem:s30+$0x8100]  }
0x7e: {  	v5 =	vld [tilespmem:s30+$0x110]  }
0x7f: {  	v6 =	vld [tilespmem:s30+$0x8110]  }
0x80: {  	v7 =	vld [tilespmem:s30+$0x120]  }
0x81: {  	v8 =	vld [tilespmem:s30+$0x8120]  }
0x82: {  	v9 =	vld [tilespmem:s30+$0x130]  }
0x83: {  	v10 =	vld [tilespmem:s30+$0x8130]  }
0x84: {  	v11 =	vld [tilespmem:s30+$0x140]  }
0x85: {  	v12 =	vld [tilespmem:s30+$0x8140]  }
0x86: {  	v13 =	vld [tilespmem:s30+$0x150]  }
0x87: {  	v14 =	vld [tilespmem:s30+$0x8150]  }
0x88: {  	v15 =	vld [tilespmem:s30+$0x160]  }
0x89: {  	v16 =	vld [tilespmem:s30+$0x8160]  }
0x8a: {  	v17 =	vld [tilespmem:s30+$0x170]  }
0x8b: {  	v18 =	vld [tilespmem:s30+$0x8170]  }
0x8c: {  	v19 =	vld [tilespmem:s30+$0x500]  }
0x8d: {  	v20 =	vld [tilespmem:s30+$0x8500]  }
0x8e: {  	v21 =	vld [tilespmem:s30+$0x510]  }
0x8f: {  	v22 =	vld [tilespmem:s30+$0x8510]  }
0x90: {  	v23 =	vld [tilespmem:s30+$0x520]  }
0x91: {  	v24 =	vld [tilespmem:s30+$0x8520]  }
0x92: {  	v25 =	vld [tilespmem:s30+$0x530]  }
0x93: {  	v26 =	vld [tilespmem:s30+$0x8530]  }
0x94: {  	v27 =	vld [tilespmem:s30+$0x540]  }
0x95: {  	v28 =	vld [tilespmem:s30+$0x8540]  }
0x96: {  	v29 =	vld [tilespmem:s30+$0x550]  }
0x97: {  	v30 =	vld [tilespmem:s30+$0x8550]  }
0x98: {  	v31 =	vld [tilespmem:s30+$0x560]  }
0x99: {  	v32 =	vld [tilespmem:s30+$0x8560]  }
0x9a: {  	v33 =	vld [tilespmem:s30+$0x570]  }
0x9b: {  	v34 =	vld [tilespmem:s30+$0x8570]  }
0x9c: {  	v35 =	vld [tilespmem:s30+$0x900]  }
0x9d: {  	v36 =	vld [tilespmem:s30+$0x8900]  }
0x9e: {  	v37 =	vld [tilespmem:s30+$0x910]  }
0x9f: {  	v38 =	vld [tilespmem:s30+$0x8910]  }
0xa0: {  	v39 =	vld [tilespmem:s30+$0x920]  }
0xa1: {  	v40 =	vld [tilespmem:s30+$0x8920]  }
0xa2: {  	v41 =	vld [tilespmem:s30+$0x930]  }
0xa3: {  	v42 =	vld [tilespmem:s30+$0x8930]  }
0xa4: {  	v43 =	vld [tilespmem:s30+$0x940]  }
0xa5: {  	v44 =	vld [tilespmem:s30+$0x8940]  }
0xa6: {  	v45 =	vld [tilespmem:s30+$0x950]  }
0xa7: {  	v46 =	vld [tilespmem:s30+$0x8950]  }
0xa8: {  	v47 =	vld [tilespmem:s30+$0x960]  }
0xa9: {  	v48 =	vld [tilespmem:s30+$0x8960]  }
0xaa: {  	v49 =	vld [tilespmem:s30+$0x970]  }
0xab: {  	v50 =	vld [tilespmem:s30+$0x8970]  }
0xac: {  	v51 =	vld [tilespmem:s30+$0xD00]  }
0xad: {  	v52 =	vld [tilespmem:s30+$0x8D00]  }
0xae: {  	v53 =	vld [tilespmem:s30+$0xD10]  }
0xaf: {  	v54 =	vld [tilespmem:s30+$0x8D10]  }
0xb0: {  	v55 =	vld [tilespmem:s30+$0xD20]  }
0xb1: {  	v56 =	vld [tilespmem:s30+$0x8D20]  }
0xb2: {  	v57 =	vld [tilespmem:s30+$0xD30]  }
0xb3: {  	v58 =	vld [tilespmem:s30+$0x8D30]  }
0xb4: {  	v59 =	vld [tilespmem:s30+$0xD40]  }
0xb5: {  	v60 =	vld [tilespmem:s30+$0x8D40]  }
0xb6: {  	v61 =	vld [tilespmem:s30+$0xD50]  }
0xb7: {  	v62 =	vld [tilespmem:s30+$0x8D50]  }
0xb8: {  	v63 =	vld [tilespmem:s30+$0xD60]  }
0xb9: {  	v3 =	vadd.f32 v4, v3;
	v4 =	vld [tilespmem:s30+$0x8D60]  }
0xba: {  	v5 =	vadd.f32 v6, v5;
	v6 =	vld [tilespmem:s30+$0xD70]  }
0xbb: {  	v14 =	vadd.f32 v14, v13;
	v13 =	vld [tilespmem:s30+$0x9120];
	[tilespmem:s30+$0x100] =	vst v3;
	v3 =	vadd.f32 v8, v7  }
0xbc: {  	v18 =	vadd.f32 v18, v17;
	v17 =	vld [tilespmem:s30+$0x9140];
	[tilespmem:s30+$0x110] =	vst v5  }
0xbd: {  	v22 =	vadd.f32 v22, v21;
	v21 =	vld [tilespmem:s30+$0x9160];
	[tilespmem:s30+$0x120] =	vst v3;
	v3 =	vadd.f32 v12, v11  }
0xbe: {  	v7 =	vld [tilespmem:s30+$0x8D70];
	[tilespmem:s30+$0x150] =	vst v14  }
0xbf: {  	v8 =	vld [tilespmem:s30+$0x1100];
	[tilespmem:s30+$0x140] =	vst v3;
	v3 =	vadd.f32 v16, v15  }
0xc0: {  	v5 =	vadd.f32 v10, v9;
	v9 =	vld [tilespmem:s30+$0x9100];
	[tilespmem:s30+$0x170] =	vst v18  }
0xc1: {  	v10 =	vld [tilespmem:s30+$0x1110];
	[tilespmem:s30+$0x160] =	vst v3;
	v3 =	vadd.f32 v20, v19  }
0xc2: {  	v26 =	vadd.f32 v26, v25;
	v14 =	vld [tilespmem:s30+$0x1130];
	[tilespmem:s30+$0x510] =	vst v22  }
0xc3: {  	v18 =	vld [tilespmem:s30+$0x1150];
	[tilespmem:s30+$0x500] =	vst v3;
	v3 =	vadd.f32 v24, v23  }
0xc4: {  	v30 =	vadd.f32 v30, v29;
	[tilespmem:s30+$0x530] =	vst v26;
	v22 =	vld [tilespmem:s30+$0x1170]  }
0xc5: {  	v19 =	vld [tilespmem:s30+$0x9150];
	[tilespmem:s30+$0x520] =	vst v3;
	v3 =	vadd.f32 v28, v27  }
0xc6: {  	v34 =	vadd.f32 v34, v33;
	[tilespmem:s30+$0x550] =	vst v30;
	v11 =	vld [tilespmem:s30+$0x9110]  }
0xc7: {  	v12 =	vld [tilespmem:s30+$0x1120];
	[tilespmem:s30+$0x540] =	vst v3;
	v3 =	vadd.f32 v32, v31  }
0xc8: {  	[tilespmem:s30+$0x570] =	vst v34;
	v15 =	vld [tilespmem:s30+$0x9130]  }
0xc9: {  	v16 =	vld [tilespmem:s30+$0x1140];
	[tilespmem:s30+$0x560] =	vst v3;
	v3 =	vadd.f32 v36, v35  }
0xca: {  	[tilespmem:s30+$0x130] =	vst v5;
	v20 =	vld [tilespmem:s30+$0x1160];
	v19 =	vadd.f32 v19, v18  }
0xcb: {  	v24 =	vld [tilespmem:s30+$0x1500];
	[tilespmem:s30+$0x900] =	vst v3;
	v3 =	vadd.f32 v40, v39  }
0xcc: {  	[tilespmem:s30+$0x1150] =	vst v19;
	v36 =	vadd.f32 v38, v37;
	v37 =	vld [tilespmem:s30+$0x9170]  }
0xcd: {  	v38 =	vadd.f32 v42, v41;
	v41 =	vld [tilespmem:s30+$0x1510];
	[tilespmem:s30+$0x920] =	vst v3;
	v3 =	vadd.f32 v44, v43  }
0xce: {  	v42 =	vld [tilespmem:s30+$0x9510];
	[tilespmem:s30+$0x910] =	vst v36  }
0xcf: {  	v35 =	vld [tilespmem:s30+$0x1910];
	[tilespmem:s30+$0x940] =	vst v3;
	v3 =	vadd.f32 v48, v47  }
0xd0: {  	v39 =	vld [tilespmem:s30+$0x9500];
	[tilespmem:s30+$0x930] =	vst v38;
	v40 =	vadd.f32 v46, v45  }
0xd1: {  	v45 =	vld [tilespmem:s30+$0x9520];
	[tilespmem:s30+$0x960] =	vst v3;
	v3 =	vadd.f32 v52, v51  }
0xd2: {  	v46 =	vadd.f32 v54, v53;
	v53 =	vld [tilespmem:s30+$0x1550];
	[tilespmem:s30+$0x950] =	vst v40  }
0xd3: {  	v54 =	vld [tilespmem:s30+$0x9550];
	[tilespmem:s30+$0xD00] =	vst v3;
	v3 =	vadd.f32 v56, v55  }
0xd4: {  	v36 =	vld [tilespmem:s30+$0x9910];
	v43 =	vadd.f32 v50, v49;
	[tilespmem:s30+$0xD10] =	vst v46  }
0xd5: {  	v38 =	vld [tilespmem:s30+$0x1920];
	[tilespmem:s30+$0xD20] =	vst v3;
	v3 =	vadd.f32 v60, v59  }
0xd6: {  	v44 =	vld [tilespmem:s30+$0x1520];
	v49 =	vadd.f32 v58, v57;
	[tilespmem:s30+$0x970] =	vst v43  }
0xd7: {  	v50 =	vld [tilespmem:s30+$0x1540];
	[tilespmem:s30+$0xD40] =	vst v3;
	v3 =	vadd.f32 v4, v63  }
0xd8: {  	v57 =	vld [tilespmem:s30+$0x9560];
	v58 =	vadd.f32 v11, v10;
	[tilespmem:s30+$0xD30] =	vst v49  }
0xd9: {  	v46 =	vld [tilespmem:s30+$0x9950];
	[tilespmem:s30+$0xD60] =	vst v3;
	v3 =	vadd.f32 v9, v8  }
0xda: {  	v37 =	vadd.f32 v37, v22;
	v40 =	vadd.f32 v42, v41;
	v41 =	vld [tilespmem:s30+$0x1930];
	[tilespmem:s30+$0x1110] =	vst v58  }
0xdb: {  	v42 =	vld [tilespmem:s30+$0x9930];
	[tilespmem:s30+$0x1100] =	vst v3;
	v3 =	vadd.f32 v13, v12  }
0xdc: {  	v47 =	vld [tilespmem:s30+$0x1530];
	[tilespmem:s30+$0x1170] =	vst v37  }
0xdd: {  	v48 =	vld [tilespmem:s30+$0x9530];
	[tilespmem:s30+$0x1120] =	vst v3;
	v3 =	vadd.f32 v17, v16  }
0xde: {  	v49 =	vld [tilespmem:s30+$0x9960];
	[tilespmem:s30+$0x1510] =	vst v40;
	v52 =	vadd.f32 v62, v61  }
0xdf: {  	v51 =	vld [tilespmem:s30+$0x9540];
	[tilespmem:s30+$0x1140] =	vst v3;
	v3 =	vadd.f32 v21, v20  }
0xe0: {  	v61 =	vadd.f32 v15, v14;
	v62 =	vld [tilespmem:s30+$0x1900];
	[tilespmem:s30+$0xD50] =	vst v52  }
0xe1: {  	v56 =	vld [tilespmem:s30+$0x1560];
	[tilespmem:s30+$0x1160] =	vst v3;
	v3 =	vadd.f32 v39, v24  }
0xe2: {  	v55 =	vadd.f32 v7, v6;
	[tilespmem:s30+$0x1130] =	vst v61;
	v52 =	vld [tilespmem:s30+$0x9970]  }
0xe3: {  	v43 =	vadd.f32 v48, v47;
	v47 =	vld [tilespmem:s30+$0x1960];
	[tilespmem:s30+$0x1500] =	vst v3;
	v3 =	vadd.f32 v45, v44  }
0xe4: {  	[tilespmem:s30+$0xD70] =	vst v55;
	v63 =	vld [tilespmem:s30+$0x9900]  }
0xe5: {  	v59 =	vld [tilespmem:s30+$0x1570];
	[tilespmem:s30+$0x1520] =	vst v3;
	v3 =	vadd.f32 v51, v50  }
0xe6: {  	[tilespmem:s30+$0x1530] =	vst v43;
	v4 =	vadd.f32 v54, v53;
	v39 =	vld [tilespmem:s30+$0x9920]  }
0xe7: {  	v60 =	vld [tilespmem:s30+$0x9570];
	[tilespmem:s30+$0x1540] =	vst v3;
	v3 =	vadd.f32 v57, v56  }
0xe8: {  	v54 =	vadd.f32 v42, v41;
	[tilespmem:s30+$0x1550] =	vst v4;
	v45 =	vld [tilespmem:s30+$0x1950]  }
0xe9: {  	v53 =	vld [tilespmem:s30+$0x9940];
	[tilespmem:s30+$0x1560] =	vst v3;
	v3 =	vadd.f32 v63, v62  }
0xea: {  	[tilespmem:s30+$0x1930] =	vst v54;
	v55 =	vadd.f32 v49, v47;
	v50 =	vld [tilespmem:s30+$0x1970]  }
0xeb: {  	v44 =	vld [tilespmem:s30+$0x1940];
	[tilespmem:s30+$0x1900] =	vst v3;
	v3 =	vadd.f32 v39, v38  }
0xec: {  	v48 =	vadd.f32 v60, v59;
	[tilespmem:s30+$0x1960] =	vst v55  }
0xed: {  	[tilespmem:s30+$0x1920] =	vst v3;
	v3 =	vadd.f32 v46, v45  }
0xee: {  	s0 =	sand.u32 $0x7, s26;
	[tilespmem:s30+$0x1570] =	vst v48;
	v51 =	vadd.f32 v36, v35  }
0xef: {  	s31 =	sshll.u32 s0, $0x7;
	[tilespmem:s30+$0x1950] =	vst v3;
	v3 =	vadd.f32 v52, v50  }
0xf0: {  	s31 =	sadd.s32 s31, s28;
	[tilespmem:s30+$0x1910] =	vst v51;
	v56 =	vadd.f32 v53, v44  }
0xf1: {  	s0 =	sor.u32 $0x1C00, s31;
	[tilespmem:s30+$0x1970] =	vst v3  }
0xf2: {  	[tilespmem:s30+$0x1940] =	vst v56;
	v3 =	vld [tilespmem:s0+$0x100]  }
0xf3: {  	v4 =	vld [tilespmem:s0+$0x8100];
	_ =	sdelay $0x4  }
0xf4: {  	v3 =	vadd.f32 v4, v3;
	_ =	sdelay $0x1  }
0xf5: {  	s30 =	sor.u32 $0x1C10, s31;
	[tilespmem:s0+$0x100] =	vst v3  }
0xf6: {  	v3 =	vld [tilespmem:s30+$0x100]  }
0xf7: {  	v57 =	vld [tilespmem:s30+$0x8100];
	_ =	sdelay $0x4  }
0xf8: {  	v3 =	vadd.f32 v57, v3;
	_ =	sdelay $0x1  }
0xf9: {  	[tilespmem:s30+$0x100] =	vst v3;
	s30 =	sor.u32 $0x1C20, s31  }
0xfa: {  	v3 =	vld [tilespmem:s30+$0x100]  }
0xfb: {  	v58 =	vld [tilespmem:s30+$0x8100];
	_ =	sdelay $0x4  }
0xfc: {  	v3 =	vadd.f32 v58, v3;
	_ =	sdelay $0x1  }
0xfd: {  	[tilespmem:s30+$0x100] =	vst v3;
	s30 =	sor.u32 $0x1C30, s31  }
0xfe: {  	v3 =	vld [tilespmem:s30+$0x100]  }
0xff: {  	v59 =	vld [tilespmem:s30+$0x8100];
	_ =	sdelay $0x4  }
0x100: {  	v3 =	vadd.f32 v59, v3;
	_ =	sdelay $0x1  }
0x101: {  	[tilespmem:s30+$0x100] =	vst v3;
	s30 =	sor.u32 $0x1C40, s31  }
0x102: {  	v3 =	vld [tilespmem:s30+$0x100]  }
0x103: {  	v60 =	vld [tilespmem:s30+$0x8100];
	_ =	sdelay $0x4  }
0x104: {  	v3 =	vadd.f32 v60, v3;
	_ =	sdelay $0x1  }
0x105: {  	[tilespmem:s30+$0x100] =	vst v3;
	s30 =	sor.u32 $0x1C50, s31  }
0x106: {  	v3 =	vld [tilespmem:s30+$0x100]  }
0x107: {  	v61 =	vld [tilespmem:s30+$0x8100];
	_ =	sdelay $0x4  }
0x108: {  	v3 =	vadd.f32 v61, v3;
	_ =	sdelay $0x1  }
0x109: {  	[tilespmem:s30+$0x100] =	vst v3;
	s30 =	sor.u32 $0x1C60, s31  }
0x10a: {  	v3 =	vld [tilespmem:s30+$0x100]  }
0x10b: {  	v62 =	vld [tilespmem:s30+$0x8100];
	_ =	sdelay $0x4  }
0x10c: {  	v3 =	vadd.f32 v62, v3;
	_ =	sdelay $0x1  }
0x10d: {  	s31 =	sor.u32 $0x1C70, s31;
	[tilespmem:s30+$0x100] =	vst v3  }
0x10e: {  	v3 =	vld [tilespmem:s31+$0x100]  }
0x10f: {  	v63 =	vld [tilespmem:s31+$0x8100];
	_ =	sdelay $0x1  }
0x110: {  	p0 =	sne.s32 s29, $0xF80  }
.Ltmp0:
0x111: {  	_ = 	snop;
	(pc) =	sbr.rel @p0 .LBB2_2-.Ltmp0, $4  }
0x112: {  	_ = 	snop  }
0x113: {  	v3 =	vadd.f32 v63, v3  }
0x114: {  	s26 =	sadd.s32 $0x1, s26  }
0x115: {  	s13 =	sadd.s32 $0x400, s13;
	s29 =	sadd.s32 $0x80, s29;
	s28 =	sadd.s32 $0x400, s28;
	[tilespmem:s31+$0x100] =	vst v3  }
0x116: {  	s13 =	simm.s32 $0x0;
	s0 =	rddreg [dreg:$0x5]  }
0x117: {  	[hbm4b:s0+s13] =	stream.linear.scatter [tilespmem:s16], [sflag:$0x1], $0x8000, $0x38;
	[tilespmem:$0x10100] =	vst v63  }
0x118: {  	_ =	swait.ge [sflag:s14], $0x8000  }
0x119: {  	[sflag:s14] =	ssyncset.done $0x0  }
0x11a: {  	s30 =	rddreg [dreg:$0x6];
	[sflag:s14] =	ssyncadd.s32 $0xFFFF8000  }
0x11b: {  	[tilespmem:s13], [sflag:$0x1] =	stream.linear.gather [hbm4b:s30+s13], $0x20, $0x38;
	[tilespmem:$0x10100] =	vst v63  }
0x11c: {  	_ =	swait.ge [sflag:s14], $0x20  }
0x11d: {  	[sflag:s14] =	ssyncset.done $0x0  }
0x11e: {  	s26 =	simm.s32 $0x80;
	s31 =	rddreg [dreg:$0x7];
	[sflag:s14] =	ssyncadd.s32 $0xFFFFFFE0  }
0x11f: {  	[tilespmem:s26], [sflag:$0x1] =	stream.linear.gather [hbm4b:s31+s13], $0x20, $0x38;
	[tilespmem:$0x10100] =	vst v63  }
0x120: {  	_ =	swait.ge [sflag:s14], $0x20  }
0x121: {  	[sflag:s14] =	ssyncset.done $0x0  }
0x122: {  	[sflag:s14] =	ssyncadd.s32 $0xFFFFFFE0  }
0x123: {  	v3 =	vld [tilespmem:$0x0];
	_ =	sdelay $0x4  }
0x124: {  	v4 =	vshll.u32 v3, $0x3  }
0x125: {  	v3 =	vand.u32 $0x7, v3;
	v4 =	vand.u32 $0xFFFFFFC0, v4  }
0x126: {  	v3 =	vor.u32 v3, v4  }
0x127: {  	v4 =	vperm.xlane v3, v0;
	_ =	sdelay $0x1  }
0x128: {  	v4 =	vadd.s32 v1, v4;
	_ =	sdelay $0x4  }
0x129: {  	[tilespmem:s16], [sflag:$0x1] =	stream.indirect_vreg.gather [hbm4b:s3+s13], $0x80, v4, vm0, $0xb8;
	[tilespmem:$0x10100] =	vst v63  }
0x12a: {  	s26 =	simm.s32 $0x900;
	v3 =	vperm.xlane v3, v2  }
0x12b: {  	[tilespmem:s26], [sflag:$0x1] =	stream.indirect_vreg.gather [hbm4b:s6+s13], $0x80, v4, vm0, $0xb8;
	[tilespmem:$0x10100] =	vst v63  }
0x12c: {  	s30 =	simm.s32 $0x1100;
	v3 =	vadd.s32 v1, v3  }
0x12d: {  	[tilespmem:s30], [sflag:$0x1] =	stream.indirect_vreg.gather [hbm4b:s7+s13], $0x80, v4, vm0, $0xb8;
	[tilespmem:$0x10100] =	vst v63  }
0x12e: {  	s31 =	simm.s32 $0x1900  }
0x12f: {  	[tilespmem:s31], [sflag:$0x1] =	stream.indirect_vreg.gather [hbm4b:s8+s13], $0x80, v4, vm0, $0xb8;
	[tilespmem:$0x10100] =	vst v63  }
0x130: {  	s26 =	simm.s32 $0x2100  }
0x131: {  	[tilespmem:s26], [sflag:$0x1] =	stream.indirect_vreg.gather [hbm4b:s3+s13], $0x80, v3, vm0, $0xb8;
	[tilespmem:$0x10100] =	vst v63  }
0x132: {  	s30 =	simm.s32 $0x2900  }
0x133: {  	[tilespmem:s30], [sflag:$0x1] =	stream.indirect_vreg.gather [hbm4b:s6+s13], $0x80, v3, vm0, $0xb8;
	[tilespmem:$0x10100] =	vst v63  }
0x134: {  	s31 =	simm.s32 $0x3100  }
0x135: {  	[tilespmem:s31], [sflag:$0x1] =	stream.indirect_vreg.gather [hbm4b:s7+s13], $0x80, v3, vm0, $0xb8;
	[tilespmem:$0x10100] =	vst v63  }
0x136: {  	s26 =	simm.s32 $0x3900  }
0x137: {  	[tilespmem:s26], [sflag:$0x1] =	stream.indirect_vreg.gather [hbm4b:s8+s13], $0x80, v3, vm0, $0xb8;
	[tilespmem:$0x10100] =	vst v63  }
0x138: {  	v3 =	vld [tilespmem:$0x10];
	_ =	sdelay $0x4  }
0x139: {  	v61 =	vshll.u32 v3, $0x3  }
0x13a: {  	v3 =	vand.u32 $0x7, v3;
	v4 =	vand.u32 $0xFFFFFFC0, v61  }
0x13b: {  	v3 =	vor.u32 v3, v4  }
0x13c: {  	v4 =	vperm.xlane v3, v0;
	_ =	sdelay $0x1  }
0x13d: {  	v4 =	vadd.s32 v1, v4;
	_ =	sdelay $0x3  }
0x13e: {  	s30 =	simm.s32 $0x4100  }
0x13f: {  	[tilespmem:s30], [sflag:$0x1] =	stream.indirect_vreg.gather [hbm4b:s3+s13], $0x80, v4, vm0, $0xb8;
	[tilespmem:$0x10100] =	vst v63  }
0x140: {  	s31 =	simm.s32 $0x4900;
	v3 =	vperm.xlane v3, v2  }
0x141: {  	[tilespmem:s31], [sflag:$0x1] =	stream.indirect_vreg.gather [hbm4b:s6+s13], $0x80, v4, vm0, $0xb8;
	[tilespmem:$0x10100] =	vst v63  }
0x142: {  	s26 =	simm.s32 $0x5100;
	v3 =	vadd.s32 v1, v3  }
0x143: {  	[tilespmem:s26], [sflag:$0x1] =	stream.indirect_vreg.gather [hbm4b:s7+s13], $0x80, v4, vm0, $0xb8;
	[tilespmem:$0x10100] =	vst v63  }
0x144: {  	s30 =	simm.s32 $0x5900  }
0x145: {  	[tilespmem:s30], [sflag:$0x1] =	stream.indirect_vreg.gather [hbm4b:s8+s13], $0x80, v4, vm0, $0xb8;
	[tilespmem:$0x10100] =	vst v63  }
0x146: {  	s31 =	simm.s32 $0x6100  }
0x147: {  	[tilespmem:s31], [sflag:$0x1] =	stream.indirect_vreg.gather [hbm4b:s3+s13], $0x80, v3, vm0, $0xb8;
	[tilespmem:$0x10100] =	vst v63  }
0x148: {  	s26 =	simm.s32 $0x6900  }
0x149: {  	[tilespmem:s26], [sflag:$0x1] =	stream.indirect_vreg.gather [hbm4b:s6+s13], $0x80, v3, vm0, $0xb8;
	[tilespmem:$0x10100] =	vst v63  }
0x14a: {  	s30 =	simm.s32 $0x7100  }
0x14b: {  	[tilespmem:s30], [sflag:$0x1] =	stream.indirect_vreg.gather [hbm4b:s7+s13], $0x80, v3, vm0, $0xb8;
	[tilespmem:$0x10100] =	vst v63  }
0x14c: {  	s31 =	simm.s32 $0x7900  }
0x14d: {  	[tilespmem:s31], [sflag:$0x1] =	stream.indirect_vreg.gather [hbm4b:s8+s13], $0x80, v3, vm0, $0xb8;
	[tilespmem:$0x10100] =	vst v63  }
0x14e: {  	_ =	swait.ge [sflag:s14], $0x8000  }
0x14f: {  	[sflag:s14] =	ssyncset.done $0x0  }
0x150: {  	[sflag:s14] =	ssyncadd.s32 $0xFFFF8000  }
0x151: {  	v3 =	vld [tilespmem:$0x80];
	_ =	sdelay $0x4  }
0x152: {  	v62 =	vshll.u32 v3, $0x3  }
0x153: {  	v3 =	vand.u32 $0x7, v3;
	v4 =	vand.u32 $0xFFFFFFC0, v62  }
0x154: {  	v3 =	vor.u32 v3, v4  }
0x155: {  	v4 =	vperm.xlane v3, v0;
	_ =	sdelay $0x1  }
0x156: {  	v4 =	vadd.s32 v1, v4;
	_ =	sdelay $0x4  }
0x157: {  	[tilespmem:s1], [sflag:$0x1] =	stream.indirect_vreg.gather [hbm4b:s3+s13], $0x80, v4, vm0, $0xb8;
	[tilespmem:$0x10100] =	vst v63  }
0x158: {  	v3 =	vperm.xlane v3, v2  }
0x159: {  	[tilespmem:s4], [sflag:$0x1] =	stream.indirect_vreg.gather [hbm4b:s6+s13], $0x80, v4, vm0, $0xb8;
	[tilespmem:$0x10100] =	vst v63  }
0x15a: {  	v3 =	vadd.s32 v1, v3  }
0x15b: {  	[tilespmem:s5], [sflag:$0x1] =	stream.indirect_vreg.gather [hbm4b:s7+s13], $0x80, v4, vm0, $0xb8;
	[tilespmem:$0x10100] =	vst v63  }
0x15c: {  	_ = 	snop  }
0x15d: {  	[tilespmem:s15], [sflag:$0x1] =	stream.indirect_vreg.gather [hbm4b:s8+s13], $0x80, v4, vm0, $0xb8;
	[tilespmem:$0x10100] =	vst v63  }
0x15e: {  	_ = 	snop  }
0x15f: {  	[tilespmem:s17], [sflag:$0x1] =	stream.indirect_vreg.gather [hbm4b:s3+s13], $0x80, v3, vm0, $0xb8;
	[tilespmem:$0x10100] =	vst v63  }
0x160: {  	_ = 	snop  }
0x161: {  	[tilespmem:s18], [sflag:$0x1] =	stream.indirect_vreg.gather [hbm4b:s6+s13], $0x80, v3, vm0, $0xb8;
	[tilespmem:$0x10100] =	vst v63  }
0x162: {  	_ = 	snop  }
0x163: {  	[tilespmem:s19], [sflag:$0x1] =	stream.indirect_vreg.gather [hbm4b:s7+s13], $0x80, v3, vm0, $0xb8;
	[tilespmem:$0x10100] =	vst v63  }
0x164: {  	_ = 	snop  }
0x165: {  	[tilespmem:s9], [sflag:$0x1] =	stream.indirect_vreg.gather [hbm4b:s8+s13], $0x80, v3, vm0, $0xb8;
	[tilespmem:$0x10100] =	vst v63  }
0x166: {  	v3 =	vld [tilespmem:$0x90];
	_ =	sdelay $0x4  }
0x167: {  	v63 =	vshll.u32 v3, $0x3  }
0x168: {  	v3 =	vand.u32 $0x7, v3;
	v4 =	vand.u32 $0xFFFFFFC0, v63  }
0x169: {  	v3 =	vor.u32 v3, v4  }
0x16a: {  	v4 =	vperm.xlane v3, v0;
	_ =	sdelay $0x1  }
0x16b: {  	v4 =	vadd.s32 v1, v4;
	_ =	sdelay $0x4  }
0x16c: {  	[tilespmem:s20], [sflag:$0x1] =	stream.indirect_vreg.gather [hbm4b:s3+s13], $0x80, v4, vm0, $0xb8;
	[tilespmem:$0x10100] =	vst v63  }
0x16d: {  	v3 =	vperm.xlane v3, v2  }
0x16e: {  	[tilespmem:s21], [sflag:$0x1] =	stream.indirect_vreg.gather [hbm4b:s6+s13], $0x80, v4, vm0, $0xb8;
	[tilespmem:$0x10100] =	vst v63  }
0x16f: {  	v3 =	vadd.s32 v1, v3  }
0x170: {  	[tilespmem:s22], [sflag:$0x1] =	stream.indirect_vreg.gather [hbm4b:s7+s13], $0x80, v4, vm0, $0xb8;
	[tilespmem:$0x10100] =	vst v63  }
0x171: {  	_ = 	snop  }
0x172: {  	[tilespmem:s10], [sflag:$0x1] =	stream.indirect_vreg.gather [hbm4b:s8+s13], $0x80, v4, vm0, $0xb8;
	[tilespmem:$0x10100] =	vst v63  }
0x173: {  	_ = 	snop  }
0x174: {  	[tilespmem:s23], [sflag:$0x1] =	stream.indirect_vreg.gather [hbm4b:s3+s13], $0x80, v3, vm0, $0xb8;
	[tilespmem:$0x10100] =	vst v63  }
0x175: {  	_ = 	snop  }
0x176: {  	[tilespmem:s11], [sflag:$0x1] =	stream.indirect_vreg.gather [hbm4b:s6+s13], $0x80, v3, vm0, $0xb8;
	[tilespmem:$0x10100] =	vst v63  }
0x177: {  	_ = 	snop  }
0x178: {  	[tilespmem:s24], [sflag:$0x1] =	stream.indirect_vreg.gather [hbm4b:s7+s13], $0x80, v3, vm0, $0xb8;
	[tilespmem:$0x10100] =	vst v63  }
0x179: {  	_ = 	snop  }
0x17a: {  	[tilespmem:s12], [sflag:$0x1] =	stream.indirect_vreg.gather [hbm4b:s8+s13], $0x80, v3, vm0, $0xb8;
	[tilespmem:$0x10100] =	vst v63  }
0x17b: {  	_ =	swait.ge [sflag:s14], $0x8000  }
0x17c: {  	s28 =	simm.s32 $0x0;
	[sflag:s14] =	ssyncset.done $0x0  }
0x17d: {  	s29 =	simm.s32 $0x0;
	s26 =	simm.s32 $0xFFFF8000;
	[sflag:s14] =	ssyncadd.s32 $0xFFFF8000  }
.LBB2_4:
0x17e: {  	s0 =	sadd.s32 $0x8000, s26  }
0x17f: {  	s30 =	sand.u32 $0x380, s29;
	s0 =	sand.u32 $0x6000, s0  }
0x180: {  	s30 =	sor.u32 s30, s0  }
0x181: {  	v3 =	vld [tilespmem:s30+$0x100]  }
0x182: {  	v4 =	vld [tilespmem:s30+$0x8100]  }
0x183: {  	v5 =	vld [tilespmem:s30+$0x110]  }
0x184: {  	v6 =	vld [tilespmem:s30+$0x8110]  }
0x185: {  	v7 =	vld [tilespmem:s30+$0x120]  }
0x186: {  	v8 =	vld [tilespmem:s30+$0x8120]  }
0x187: {  	v9 =	vld [tilespmem:s30+$0x130]  }
0x188: {  	v10 =	vld [tilespmem:s30+$0x8130]  }
0x189: {  	v11 =	vld [tilespmem:s30+$0x140]  }
0x18a: {  	v12 =	vld [tilespmem:s30+$0x8140]  }
0x18b: {  	v13 =	vld [tilespmem:s30+$0x150]  }
0x18c: {  	v14 =	vld [tilespmem:s30+$0x8150]  }
0x18d: {  	v15 =	vld [tilespmem:s30+$0x160]  }
0x18e: {  	v16 =	vld [tilespmem:s30+$0x8160]  }
0x18f: {  	v17 =	vld [tilespmem:s30+$0x170]  }
0x190: {  	v18 =	vld [tilespmem:s30+$0x8170]  }
0x191: {  	v19 =	vld [tilespmem:s30+$0x500]  }
0x192: {  	v20 =	vld [tilespmem:s30+$0x8500]  }
0x193: {  	v21 =	vld [tilespmem:s30+$0x510]  }
0x194: {  	v22 =	vld [tilespmem:s30+$0x8510]  }
0x195: {  	v23 =	vld [tilespmem:s30+$0x520]  }
0x196: {  	v24 =	vld [tilespmem:s30+$0x8520]  }
0x197: {  	v25 =	vld [tilespmem:s30+$0x530]  }
0x198: {  	v26 =	vld [tilespmem:s30+$0x8530]  }
0x199: {  	v27 =	vld [tilespmem:s30+$0x540]  }
0x19a: {  	v28 =	vld [tilespmem:s30+$0x8540]  }
0x19b: {  	v29 =	vld [tilespmem:s30+$0x550]  }
0x19c: {  	v30 =	vld [tilespmem:s30+$0x8550]  }
0x19d: {  	v31 =	vld [tilespmem:s30+$0x560]  }
0x19e: {  	v32 =	vld [tilespmem:s30+$0x8560]  }
0x19f: {  	v33 =	vld [tilespmem:s30+$0x570]  }
0x1a0: {  	v34 =	vld [tilespmem:s30+$0x8570]  }
0x1a1: {  	v35 =	vld [tilespmem:s30+$0x900]  }
0x1a2: {  	v36 =	vld [tilespmem:s30+$0x8900]  }
0x1a3: {  	v37 =	vld [tilespmem:s30+$0x910]  }
0x1a4: {  	v38 =	vld [tilespmem:s30+$0x8910]  }
0x1a5: {  	v39 =	vld [tilespmem:s30+$0x920]  }
0x1a6: {  	v40 =	vld [tilespmem:s30+$0x8920]  }
0x1a7: {  	v41 =	vld [tilespmem:s30+$0x930]  }
0x1a8: {  	v42 =	vld [tilespmem:s30+$0x8930]  }
0x1a9: {  	v43 =	vld [tilespmem:s30+$0x940]  }
0x1aa: {  	v44 =	vld [tilespmem:s30+$0x8940]  }
0x1ab: {  	v45 =	vld [tilespmem:s30+$0x950]  }
0x1ac: {  	v46 =	vld [tilespmem:s30+$0x8950]  }
0x1ad: {  	v47 =	vld [tilespmem:s30+$0x960]  }
0x1ae: {  	v48 =	vld [tilespmem:s30+$0x8960]  }
0x1af: {  	v49 =	vld [tilespmem:s30+$0x970]  }
0x1b0: {  	v50 =	vld [tilespmem:s30+$0x8970]  }
0x1b1: {  	v51 =	vld [tilespmem:s30+$0xD00]  }
0x1b2: {  	v52 =	vld [tilespmem:s30+$0x8D00]  }
0x1b3: {  	v53 =	vld [tilespmem:s30+$0xD10]  }
0x1b4: {  	v54 =	vld [tilespmem:s30+$0x8D10]  }
0x1b5: {  	v55 =	vld [tilespmem:s30+$0xD20]  }
0x1b6: {  	v56 =	vld [tilespmem:s30+$0x8D20]  }
0x1b7: {  	v57 =	vld [tilespmem:s30+$0xD30]  }
0x1b8: {  	v58 =	vld [tilespmem:s30+$0x8D30]  }
0x1b9: {  	v59 =	vld [tilespmem:s30+$0xD40]  }
0x1ba: {  	v60 =	vld [tilespmem:s30+$0x8D40]  }
0x1bb: {  	v61 =	vld [tilespmem:s30+$0xD50]  }
0x1bc: {  	v62 =	vld [tilespmem:s30+$0x8D50]  }
0x1bd: {  	v63 =	vld [tilespmem:s30+$0xD60]  }
0x1be: {  	v3 =	vadd.f32 v4, v3;
	v4 =	vld [tilespmem:s30+$0x8D60]  }
0x1bf: {  	v5 =	vadd.f32 v6, v5;
	v6 =	vld [tilespmem:s30+$0xD70]  }
0x1c0: {  	v14 =	vadd.f32 v14, v13;
	v13 =	vld [tilespmem:s30+$0x9120];
	[tilespmem:s30+$0x100] =	vst v3;
	v3 =	vadd.f32 v8, v7  }
0x1c1: {  	v18 =	vadd.f32 v18, v17;
	v17 =	vld [tilespmem:s30+$0x9140];
	[tilespmem:s30+$0x110] =	vst v5  }
0x1c2: {  	v22 =	vadd.f32 v22, v21;
	v21 =	vld [tilespmem:s30+$0x9160];
	[tilespmem:s30+$0x120] =	vst v3;
	v3 =	vadd.f32 v12, v11  }
0x1c3: {  	v7 =	vld [tilespmem:s30+$0x8D70];
	[tilespmem:s30+$0x150] =	vst v14  }
0x1c4: {  	v8 =	vld [tilespmem:s30+$0x1100];
	[tilespmem:s30+$0x140] =	vst v3;
	v3 =	vadd.f32 v16, v15  }
0x1c5: {  	v5 =	vadd.f32 v10, v9;
	v9 =	vld [tilespmem:s30+$0x9100];
	[tilespmem:s30+$0x170] =	vst v18  }
0x1c6: {  	v10 =	vld [tilespmem:s30+$0x1110];
	[tilespmem:s30+$0x160] =	vst v3;
	v3 =	vadd.f32 v20, v19  }
0x1c7: {  	v26 =	vadd.f32 v26, v25;
	v14 =	vld [tilespmem:s30+$0x1130];
	[tilespmem:s30+$0x510] =	vst v22  }
0x1c8: {  	v18 =	vld [tilespmem:s30+$0x1150];
	[tilespmem:s30+$0x500] =	vst v3;
	v3 =	vadd.f32 v24, v23  }
0x1c9: {  	v30 =	vadd.f32 v30, v29;
	[tilespmem:s30+$0x530] =	vst v26;
	v22 =	vld [tilespmem:s30+$0x1170]  }
0x1ca: {  	v19 =	vld [tilespmem:s30+$0x9150];
	[tilespmem:s30+$0x520] =	vst v3;
	v3 =	vadd.f32 v28, v27  }
0x1cb: {  	v34 =	vadd.f32 v34, v33;
	[tilespmem:s30+$0x550] =	vst v30;
	v11 =	vld [tilespmem:s30+$0x9110]  }
0x1cc: {  	v12 =	vld [tilespmem:s30+$0x1120];
	[tilespmem:s30+$0x540] =	vst v3;
	v3 =	vadd.f32 v32, v31  }
0x1cd: {  	[tilespmem:s30+$0x570] =	vst v34;
	v15 =	vld [tilespmem:s30+$0x9130]  }
0x1ce: {  	v16 =	vld [tilespmem:s30+$0x1140];
	[tilespmem:s30+$0x560] =	vst v3;
	v3 =	vadd.f32 v36, v35  }
0x1cf: {  	[tilespmem:s30+$0x130] =	vst v5;
	v20 =	vld [tilespmem:s30+$0x1160];
	v19 =	vadd.f32 v19, v18  }
0x1d0: {  	v24 =	vld [tilespmem:s30+$0x1500];
	[tilespmem:s30+$0x900] =	vst v3;
	v3 =	vadd.f32 v40, v39  }
0x1d1: {  	[tilespmem:s30+$0x1150] =	vst v19;
	v36 =	vadd.f32 v38, v37;
	v37 =	vld [tilespmem:s30+$0x9170]  }
0x1d2: {  	v38 =	vadd.f32 v42, v41;
	v41 =	vld [tilespmem:s30+$0x1510];
	[tilespmem:s30+$0x920] =	vst v3;
	v3 =	vadd.f32 v44, v43  }
0x1d3: {  	v42 =	vld [tilespmem:s30+$0x9510];
	[tilespmem:s30+$0x910] =	vst v36  }
0x1d4: {  	v35 =	vld [tilespmem:s30+$0x1910];
	[tilespmem:s30+$0x940] =	vst v3;
	v3 =	vadd.f32 v48, v47  }
0x1d5: {  	v39 =	vld [tilespmem:s30+$0x9500];
	[tilespmem:s30+$0x930] =	vst v38;
	v40 =	vadd.f32 v46, v45  }
0x1d6: {  	v45 =	vld [tilespmem:s30+$0x9520];
	[tilespmem:s30+$0x960] =	vst v3;
	v3 =	vadd.f32 v52, v51  }
0x1d7: {  	v46 =	vadd.f32 v54, v53;
	v53 =	vld [tilespmem:s30+$0x1550];
	[tilespmem:s30+$0x950] =	vst v40  }
0x1d8: {  	v54 =	vld [tilespmem:s30+$0x9550];
	[tilespmem:s30+$0xD00] =	vst v3;
	v3 =	vadd.f32 v56, v55  }
0x1d9: {  	v36 =	vld [tilespmem:s30+$0x9910];
	v43 =	vadd.f32 v50, v49;
	[tilespmem:s30+$0xD10] =	vst v46  }
0x1da: {  	v38 =	vld [tilespmem:s30+$0x1920];
	[tilespmem:s30+$0xD20] =	vst v3;
	v3 =	vadd.f32 v60, v59  }
0x1db: {  	v44 =	vld [tilespmem:s30+$0x1520];
	v49 =	vadd.f32 v58, v57;
	[tilespmem:s30+$0x970] =	vst v43  }
0x1dc: {  	v50 =	vld [tilespmem:s30+$0x1540];
	[tilespmem:s30+$0xD40] =	vst v3;
	v3 =	vadd.f32 v4, v63  }
0x1dd: {  	v57 =	vld [tilespmem:s30+$0x9560];
	v58 =	vadd.f32 v11, v10;
	[tilespmem:s30+$0xD30] =	vst v49  }
0x1de: {  	v46 =	vld [tilespmem:s30+$0x9950];
	[tilespmem:s30+$0xD60] =	vst v3;
	v3 =	vadd.f32 v9, v8  }
0x1df: {  	v37 =	vadd.f32 v37, v22;
	v40 =	vadd.f32 v42, v41;
	v41 =	vld [tilespmem:s30+$0x1930];
	[tilespmem:s30+$0x1110] =	vst v58  }
0x1e0: {  	v42 =	vld [tilespmem:s30+$0x9930];
	[tilespmem:s30+$0x1100] =	vst v3;
	v3 =	vadd.f32 v13, v12  }
0x1e1: {  	v47 =	vld [tilespmem:s30+$0x1530];
	[tilespmem:s30+$0x1170] =	vst v37  }
0x1e2: {  	v48 =	vld [tilespmem:s30+$0x9530];
	[tilespmem:s30+$0x1120] =	vst v3;
	v3 =	vadd.f32 v17, v16  }
0x1e3: {  	v49 =	vld [tilespmem:s30+$0x9960];
	[tilespmem:s30+$0x1510] =	vst v40;
	v52 =	vadd.f32 v62, v61  }
0x1e4: {  	v51 =	vld [tilespmem:s30+$0x9540];
	[tilespmem:s30+$0x1140] =	vst v3;
	v3 =	vadd.f32 v21, v20  }
0x1e5: {  	v61 =	vadd.f32 v15, v14;
	v62 =	vld [tilespmem:s30+$0x1900];
	[tilespmem:s30+$0xD50] =	vst v52  }
0x1e6: {  	v56 =	vld [tilespmem:s30+$0x1560];
	[tilespmem:s30+$0x1160] =	vst v3;
	v3 =	vadd.f32 v39, v24  }
0x1e7: {  	v55 =	vadd.f32 v7, v6;
	[tilespmem:s30+$0x1130] =	vst v61;
	v52 =	vld [tilespmem:s30+$0x9970]  }
0x1e8: {  	v43 =	vadd.f32 v48, v47;
	v47 =	vld [tilespmem:s30+$0x1960];
	[tilespmem:s30+$0x1500] =	vst v3;
	v3 =	vadd.f32 v45, v44  }
0x1e9: {  	[tilespmem:s30+$0xD70] =	vst v55;
	v63 =	vld [tilespmem:s30+$0x9900]  }
0x1ea: {  	v59 =	vld [tilespmem:s30+$0x1570];
	[tilespmem:s30+$0x1520] =	vst v3;
	v3 =	vadd.f32 v51, v50  }
0x1eb: {  	[tilespmem:s30+$0x1530] =	vst v43;
	v4 =	vadd.f32 v54, v53;
	v39 =	vld [tilespmem:s30+$0x9920]  }
0x1ec: {  	v60 =	vld [tilespmem:s30+$0x9570];
	[tilespmem:s30+$0x1540] =	vst v3;
	v3 =	vadd.f32 v57, v56  }
0x1ed: {  	v54 =	vadd.f32 v42, v41;
	[tilespmem:s30+$0x1550] =	vst v4;
	v45 =	vld [tilespmem:s30+$0x1950]  }
0x1ee: {  	v53 =	vld [tilespmem:s30+$0x9940];
	[tilespmem:s30+$0x1560] =	vst v3;
	v3 =	vadd.f32 v63, v62  }
0x1ef: {  	[tilespmem:s30+$0x1930] =	vst v54;
	v55 =	vadd.f32 v49, v47;
	v50 =	vld [tilespmem:s30+$0x1970]  }
0x1f0: {  	v44 =	vld [tilespmem:s30+$0x1940];
	[tilespmem:s30+$0x1900] =	vst v3;
	v3 =	vadd.f32 v39, v38  }
0x1f1: {  	v48 =	vadd.f32 v60, v59;
	[tilespmem:s30+$0x1960] =	vst v55  }
0x1f2: {  	[tilespmem:s30+$0x1920] =	vst v3;
	v3 =	vadd.f32 v46, v45  }
0x1f3: {  	s31 =	sand.u32 $0x7, s13;
	[tilespmem:s30+$0x1570] =	vst v48;
	v51 =	vadd.f32 v36, v35  }
0x1f4: {  	s0 =	sshll.u32 s31, $0x7;
	[tilespmem:s30+$0x1950] =	vst v3;
	v3 =	vadd.f32 v52, v50  }
0x1f5: {  	s0 =	sadd.s32 s0, s28;
	[tilespmem:s30+$0x1910] =	vst v51;
	v56 =	vadd.f32 v53, v44  }
0x1f6: {  	s31 =	sor.u32 $0x1C00, s0;
	[tilespmem:s30+$0x1970] =	vst v3  }
0x1f7: {  	[tilespmem:s30+$0x1940] =	vst v56;
	v3 =	vld [tilespmem:s31+$0x100]  }
0x1f8: {  	v4 =	vld [tilespmem:s31+$0x8100];
	_ =	sdelay $0x4  }
0x1f9: {  	v3 =	vadd.f32 v4, v3;
	_ =	sdelay $0x1  }
0x1fa: {  	[tilespmem:s31+$0x100] =	vst v3;
	s31 =	sor.u32 $0x1C10, s0  }
0x1fb: {  	v3 =	vld [tilespmem:s31+$0x100]  }
0x1fc: {  	v57 =	vld [tilespmem:s31+$0x8100];
	_ =	sdelay $0x4  }
0x1fd: {  	v3 =	vadd.f32 v57, v3;
	_ =	sdelay $0x1  }
0x1fe: {  	[tilespmem:s31+$0x100] =	vst v3;
	s31 =	sor.u32 $0x1C20, s0  }
0x1ff: {  	v3 =	vld [tilespmem:s31+$0x100]  }
0x200: {  	v58 =	vld [tilespmem:s31+$0x8100];
	_ =	sdelay $0x4  }
0x201: {  	v3 =	vadd.f32 v58, v3;
	_ =	sdelay $0x1  }
0x202: {  	[tilespmem:s31+$0x100] =	vst v3;
	s31 =	sor.u32 $0x1C30, s0  }
0x203: {  	v3 =	vld [tilespmem:s31+$0x100]  }
0x204: {  	v59 =	vld [tilespmem:s31+$0x8100];
	_ =	sdelay $0x4  }
0x205: {  	v3 =	vadd.f32 v59, v3;
	_ =	sdelay $0x1  }
0x206: {  	[tilespmem:s31+$0x100] =	vst v3;
	s31 =	sor.u32 $0x1C40, s0  }
0x207: {  	v3 =	vld [tilespmem:s31+$0x100]  }
0x208: {  	v60 =	vld [tilespmem:s31+$0x8100];
	_ =	sdelay $0x4  }
0x209: {  	v3 =	vadd.f32 v60, v3;
	_ =	sdelay $0x1  }
0x20a: {  	[tilespmem:s31+$0x100] =	vst v3;
	s31 =	sor.u32 $0x1C50, s0  }
0x20b: {  	v3 =	vld [tilespmem:s31+$0x100]  }
0x20c: {  	v61 =	vld [tilespmem:s31+$0x8100];
	_ =	sdelay $0x4  }
0x20d: {  	v3 =	vadd.f32 v61, v3;
	_ =	sdelay $0x1  }
0x20e: {  	[tilespmem:s31+$0x100] =	vst v3;
	s31 =	sor.u32 $0x1C60, s0  }
0x20f: {  	v3 =	vld [tilespmem:s31+$0x100]  }
0x210: {  	v62 =	vld [tilespmem:s31+$0x8100];
	_ =	sdelay $0x4  }
0x211: {  	v3 =	vadd.f32 v62, v3;
	_ =	sdelay $0x1  }
0x212: {  	s0 =	sor.u32 $0x1C70, s0;
	[tilespmem:s31+$0x100] =	vst v3  }
0x213: {  	v3 =	vld [tilespmem:s0+$0x100]  }
0x214: {  	v63 =	vld [tilespmem:s0+$0x8100];
	_ =	sdelay $0x1  }
0x215: {  	p0 =	sne.s32 s29, $0xF80  }
.Ltmp1:
0x216: {  	_ = 	snop;
	(pc) =	sbr.rel @p0 .LBB2_4-.Ltmp1, $4  }
0x217: {  	_ = 	snop  }
0x218: {  	v3 =	vadd.f32 v63, v3  }
0x219: {  	s13 =	sadd.s32 $0x1, s13  }
0x21a: {  	s26 =	sadd.s32 $0x400, s26;
	s29 =	sadd.s32 $0x80, s29;
	s28 =	sadd.s32 $0x400, s28;
	[tilespmem:s0+$0x100] =	vst v3  }
0x21b: {  	s0 =	rddreg [dreg:$0x8]  }
0x21c: {  	[hbm4b:s0+s2] =	stream.linear.scatter [tilespmem:s16], [sflag:$0x1], $0x8000, $0x38;
	[tilespmem:$0x10100] =	vst v63  }
0x21d: {  	_ =	swait.ge [sflag:s14], $0x8000  }
0x21e: {  	s25 =	sadd.s32 $0x1, s25;
	s31 =	rddreg [dreg:$0x9]  }
0x21f: {  	p0 =	sne.s32 s25, s31  }
.Ltmp2:
0x220: {  	_ = 	snop;
	(pc) =	sbr.rel @p0 .LBB2_1-.Ltmp2, $3  }
0x221: {  	_ =	sdelay $0x1  }
0x222: {  	[sflag:s14] =	ssyncset.done $0x0  }
0x223: {  	[sflag:s14] =	ssyncadd.s32 $0xFFFF8000  }
0x224: {  	_ =	sfence.sel $0x180000  }
0x225: {  	[bflag:$0x0] =	sbarrier.arrive $0xFFFF  }
0x226: {  	_ =	strace $0x90000047  }
0x227: {  	s0 =	stileid.u32;
	[bflag:$0x2] =	sbarrier.arrive $0xFFFF  }
0x228: {  	p0 =	sne.s32 s0, $0x0;
	s0 =	rddreg [dreg:$0x2]  }
0x229: {  	s0 =	sadd.s32 @!p0 $0x100000, s0  }
0x22a: {  	[sflag:s0] =	ssyncadd.tile.s32 @!p0 $0x1;
	_ =	shalt  }
.Lfunc_end2:
_tile_overlayer_lowered:
.L_overlay_start_2:
0x22b: {  	(tag) =	ssettag $0x2  }
0x22c: {  	s0 =	rddreg [dreg:$0x0];
	s2 =	stileid.u32  }
0x22d: {  	s1 =	rddreg [dreg:$0x1];
	p0 =	sne.s32 s2, $0x0  }
0x22e: {  	s3 =	rddreg [dreg:$0x2];
	[bflag:$0x3] =	sbarrier.arrive $0xFFFF;
	s2 =	simm.s32 @!p0 $0x1C01  }
0x22f: {  	[timem:s3], [sflag:s2] =	dma.local @!p0 [hbm:s0], s1  }
0x230: {  	s0 =	simm.s32 @!p0 $0x1  }
0x231: {  	_ =	swait.ge @!p0 [sflag:s0], s1  }
0x232: {  	s1 =	ssub.s32 @!p0 $0x0, s1;
	[sflag:s0] =	ssyncset.done @!p0 $0x0  }
0x233: {  	[sflag:s0] =	ssyncadd.s32 @!p0 s1  }
0x234: {  	[bflag:$0x3] =	sbarrier.arrive $0xFFFF  }
0x235: {  	_ =	shalt  }

</sc_bundles>
